<compile_context>
chip_gen: v7x
topology: tpu7x:2x2x1
jax: 0.10.2.dev20260603
libtpu: 0.0.44.dev20260713+nightly
codegen_flags: <defaults>
</compile_context>

<pallas_src>
import functools

import jax
import jax.numpy as jnp
import numpy as np
from jax import lax
from jax.experimental import pallas as pl
from jax.experimental.pallas import tpu as pltpu
from jax.experimental.pallas import tpu_sc as plsc

N = 10000
E = 320000
D = 128
H = 8
DK = D // H
DFF = 512

BLK = 1000
BE = 2000
NW = 32
EW = E // NW
B = 80
ITERS = EW // B
CH = 80
NCH = N // CH

_EXPAND = np.zeros((H, D), dtype=np.float32)
for _h in range(H):
    _EXPAND[_h, _h * DK:(_h + 1) * DK] = 1.0
_PAD16 = np.eye(8, 16, dtype=np.float32)
_EXPAND16 = np.zeros((16, D), dtype=np.float32)
for _h in range(H):
    _EXPAND16[_h, _h * DK:(_h + 1) * DK] = 1.0


def _qkv_body(h_ref, wq_ref, wk_ref, wv_ref, q_ref, kv_ref):
    hb = h_ref[...]
    dn = (((1,), (1,)), ((), ()))
    q_ref[...] = lax.dot_general(hb, wq_ref[...], dn,
                                 preferred_element_type=jnp.float32)
    kv_ref[:, :D] = lax.dot_general(hb, wk_ref[...], dn,
                                    preferred_element_type=jnp.float32)
    kv_ref[:, D:] = lax.dot_general(hb, wv_ref[...], dn,
                                    preferred_element_type=jnp.float32)


def _qkv(h, Wq, Wk, Wv):
    row_spec = pl.BlockSpec((BLK, D), lambda i: (i, 0))
    kv_spec = pl.BlockSpec((BLK, 2 * D), lambda i: (i, 0))
    w_spec = pl.BlockSpec((D, D), lambda i: (0, 0))
    return pl.pallas_call(
        _qkv_body,
        grid=(N // BLK,),
        in_specs=[row_spec, w_spec, w_spec, w_spec],
        out_specs=[row_spec, kv_spec],
        out_shape=[jax.ShapeDtypeStruct((N, D), jnp.float32),
                   jax.ShapeDtypeStruct((N, 2 * D), jnp.float32)],
    )(h, Wq, Wk, Wv)


def _sc_gather(q, kv, src, dst):
    mesh = plsc.VectorSubcoreMesh(core_axis_name="c", subcore_axis_name="s")

    @functools.partial(
        pl.kernel, mesh=mesh,
        out_type=[jax.ShapeDtypeStruct((E, 2 * D), jnp.float32),
                  jax.ShapeDtypeStruct((E, D), jnp.float32)],
        scratch_types=[pltpu.VMEM((B,), jnp.int32),
                       pltpu.VMEM((B,), jnp.int32),
                       pltpu.VMEM((B, 2 * D), jnp.float32),
                       pltpu.VMEM((B, D), jnp.float32),
                       pltpu.SemaphoreType.DMA,
                       pltpu.SemaphoreType.DMA],
    )
    def gath(kv_hbm, q_hbm, src_hbm, dst_hbm, kvs_out, qd_out,
             sidx, didx, kvrows, qrows, sem1, sem2):
        wid = lax.axis_index("s") * 2 + lax.axis_index("c")

        def body(i, carry):
            base = wid * EW + i * B
            pltpu.sync_copy(src_hbm.at[pl.ds(base, B)], sidx)
            pltpu.sync_copy(dst_hbm.at[pl.ds(base, B)], didx)
            cp1 = pltpu.async_copy(kv_hbm.at[sidx], kvrows, sem1)
            cp2 = pltpu.async_copy(q_hbm.at[didx], qrows, sem2)
            cp1.wait()
            cp2.wait()
            pltpu.sync_copy(kvrows, kvs_out.at[pl.ds(base, B)])
            pltpu.sync_copy(qrows, qd_out.at[pl.ds(base, B)])
            return carry

        lax.fori_loop(0, ITERS, body, 0)

    return gath(kv, q, src, dst)


def _edge_body(kvs_ref, qd_ref, expand_ref, pad_ref, contrib_ref, ee_ref):
    ks = kvs_ref[:, :D]
    vs = kvs_ref[:, D:]
    prod = ks * qd_ref[...]
    e8 = lax.dot_general(prod, expand_ref[...], (((1,), (1,)), ((), ())),
                         preferred_element_type=jnp.float32)
    ee = jnp.exp(e8 * (1.0 / np.sqrt(DK)))
    ee128 = lax.dot_general(ee, expand_ref[...], (((1,), (0,)), ((), ())),
                            preferred_element_type=jnp.float32)
    contrib_ref[...] = ee128 * vs
    ee_ref[...] = lax.dot_general(ee, pad_ref[...], (((1,), (0,)), ((), ())),
                                  preferred_element_type=jnp.float32)


def _edge_math(kvs, qd):
    kv_spec = pl.BlockSpec((BE, 2 * D), lambda i: (i, 0))
    q_spec = pl.BlockSpec((BE, D), lambda i: (i, 0))
    ee_spec = pl.BlockSpec((BE, 16), lambda i: (i, 0))
    return pl.pallas_call(
        _edge_body,
        grid=(E // BE,),
        in_specs=[kv_spec, q_spec,
                  pl.BlockSpec((H, D), lambda i: (0, 0)),
                  pl.BlockSpec((H, 16), lambda i: (0, 0))],
        out_specs=[q_spec, ee_spec],
        out_shape=[jax.ShapeDtypeStruct((E, D), jnp.float32),
                   jax.ShapeDtypeStruct((E, 16), jnp.float32)],
    )(kvs, qd, _EXPAND, _PAD16)


NPAD = 10240
CPS = (NPAD // CH) // 16


def _sc_scatter(contrib, ee16, dst, z128, z16):
    mesh = plsc.VectorSubcoreMesh(core_axis_name="c", subcore_axis_name="s")

    @functools.partial(
        pl.kernel, mesh=mesh,
        out_type=[jax.ShapeDtypeStruct((2 * NPAD, D), jnp.float32),
                  jax.ShapeDtypeStruct((2 * NPAD, 16), jnp.float32)],
        scratch_types=[pltpu.VMEM((B,), jnp.int32),
                       pltpu.VMEM((B, D), jnp.float32),
                       pltpu.VMEM((B, 16), jnp.float32),
                       pltpu.VMEM_SHARED((NPAD, D), jnp.float32),
                       pltpu.VMEM_SHARED((NPAD, 16), jnp.float32)],
    )
    def scat(contrib_hbm, ee_hbm, dst_hbm, z128_hbm, z16_hbm, iota_hbm,
             a_out, e_out, didx, crows, erows, a_acc, e_acc):
        c = lax.axis_index("c")
        s = lax.axis_index("s")
        wid = s * 2 + c
        pltpu.sync_copy(z128_hbm.at[pl.ds(0, CH)], crows)
        pltpu.sync_copy(z16_hbm.at[pl.ds(0, CH)], erows)

        def zbody(j, carry):
            zbase = (s * CPS + j) * CH
            pltpu.sync_copy(iota_hbm.at[pl.ds(zbase, CH)], didx)
            pltpu.sync_copy(crows, a_acc.at[didx])
            pltpu.sync_copy(erows, e_acc.at[didx])
            return carry

        lax.fori_loop(0, CPS, zbody, 0)
        plsc.subcore_barrier()

        def body(i, carry):
            base = wid * EW + i * B
            pltpu.sync_copy(dst_hbm.at[pl.ds(base, B)], didx)
            pltpu.sync_copy(contrib_hbm.at[pl.ds(base, B)], crows)
            pltpu.sync_copy(ee_hbm.at[pl.ds(base, B)], erows)
            pltpu.sync_copy(crows, a_acc.at[didx], add=True)
            pltpu.sync_copy(erows, e_acc.at[didx], add=True)
            return carry

        lax.fori_loop(0, 2, body, 0)
        plsc.subcore_barrier()

        def wbody(j, carry):
            wbase = (s * CPS + j) * CH
            pltpu.sync_copy(iota_hbm.at[pl.ds(wbase, CH)], didx)
            pltpu.sync_copy(a_acc.at[didx], crows)
            pltpu.sync_copy(crows, a_out.at[pl.ds(c * NPAD + wbase, CH)])
            pltpu.sync_copy(e_acc.at[didx], erows)
            pltpu.sync_copy(erows, e_out.at[pl.ds(c * NPAD + wbase, CH)])
            return carry

        lax.fori_loop(0, CPS, wbody, 0)

    iota = jnp.arange(NPAD, dtype=jnp.int32)
    return scat(contrib, ee16, dst, z128, z16, iota)


def _epi_body(a0_ref, a1_ref, e0_ref, e1_ref, h_ref, wo_ref, ln1g_ref,
              ln1b_ref, w1_ref, b1_ref, w2_ref, b2_ref, ln2g_ref, ln2b_ref,
              expand16_ref, out_ref):
    dn = (((1,), (1,)), ((), ()))
    esum = e0_ref[...] + e1_ref[...]
    inv = jnp.where(esum > 0.0, 1.0 / esum, 0.0)
    inv128 = lax.dot_general(inv, expand16_ref[...], (((1,), (0,)), ((), ())),
                             preferred_element_type=jnp.float32)
    a = (a0_ref[...] + a1_ref[...]) * inv128
    o = lax.dot_general(a, wo_ref[...], dn, preferred_element_type=jnp.float32)
    x = h_ref[...] + o
    m = jnp.mean(x, axis=-1, keepdims=True)
    v = jnp.mean((x - m) ** 2, axis=-1, keepdims=True)
    h1 = (x - m) * lax.rsqrt(v + 1e-5) * ln1g_ref[0, :] + ln1b_ref[0, :]
    f1 = jnp.maximum(
        lax.dot_general(h1, w1_ref[...], dn,
                        preferred_element_type=jnp.float32) + b1_ref[0, :],
        0.0)
    f = lax.dot_general(f1, w2_ref[...], dn,
                        preferred_element_type=jnp.float32) + b2_ref[0, :]
    y = h1 + f
    m2 = jnp.mean(y, axis=-1, keepdims=True)
    v2 = jnp.mean((y - m2) ** 2, axis=-1, keepdims=True)
    out_ref[...] = (y - m2) * lax.rsqrt(v2 + 1e-5) * ln2g_ref[0, :] \
        + ln2b_ref[0, :]


def _epilogue(a0, a1, e0, e1, h, Wo, ln1_g, ln1_b, w1, b1, w2, b2,
              ln2_g, ln2_b):
    row_spec = pl.BlockSpec((BLK, D), lambda i: (i, 0))
    e_spec = pl.BlockSpec((BLK, 16), lambda i: (i, 0))

    def const2d(a):
        return pl.BlockSpec(a.shape, lambda i: (0, 0))

    ln1_g = ln1_g.reshape(1, D)
    ln1_b = ln1_b.reshape(1, D)
    b1 = b1.reshape(1, DFF)
    b2 = b2.reshape(1, D)
    ln2_g = ln2_g.reshape(1, D)
    ln2_b = ln2_b.reshape(1, D)
    return pl.pallas_call(
        _epi_body,
        grid=(N // BLK,),
        in_specs=[row_spec, row_spec, e_spec, e_spec, row_spec, const2d(Wo),
                  const2d(ln1_g), const2d(ln1_b), const2d(w1), const2d(b1),
                  const2d(w2), const2d(b2), const2d(ln2_g), const2d(ln2_b),
                  const2d(_EXPAND16)],
        out_specs=row_spec,
        out_shape=jax.ShapeDtypeStruct((N, D), jnp.float32),
    )(a0, a1, e0, e1, h, Wo, ln1_g, ln1_b, w1, b1, w2, b2, ln2_g, ln2_b,
      _EXPAND16)


def kernel(h, edge_index, Wq, Wk, Wv, Wo, ln1_g, ln1_b, w1, b1, w2, b2,
           ln2_g, ln2_b):
    src = edge_index[0].astype(jnp.int32)
    dst = edge_index[1].astype(jnp.int32)
    q, kv = _qkv(h, Wq, Wk, Wv)
    kvs, qd = _sc_gather(q, kv, src, dst)
    contrib, ee16 = _edge_math(kvs, qd)
    z128 = jnp.zeros((N, D), jnp.float32)
    z16 = jnp.zeros((N, 16), jnp.float32)
    a0 = jax.ops.segment_sum(contrib, dst, num_segments=N)
    e0 = jax.ops.segment_sum(ee16, dst, num_segments=N)
    return _epilogue(a0, z128, e0, z16,
                     h, Wo, ln1_g, ln1_b, w1, b1, w2, b2, ln2_g, ln2_b)

# --- scband reference (transcript-rebuilt; emitter-appended) ---
"""Pipeline reference for scband-sparse-self-attention-74096775791007 (READ-ONLY COPY).

The authoritative reference and input builder live on the scoring server;
editing this copy changes nothing except your own understanding.
"""

import jax, jax.numpy as jnp
import numpy as np

N = 10000
E = 320000
D = 128
H = 8
DK = D // H
DFF = 512


def _ln(x, g, b, eps=1e-5):
    m = jnp.mean(x, axis=-1, keepdims=True)
    v = jnp.mean((x - m) ** 2, axis=-1, keepdims=True)
    return (x - m) / jnp.sqrt(v + eps) * g + b


def setup_inputs(seed: int = 0) -> dict:
    key = jax.random.key(seed)
    ks = [jax.random.fold_in(key, i) for i in range(16)]
    h = jax.random.normal(ks[0], (N, D), dtype=jnp.float32)
    edge_index = jax.random.randint(ks[1], (2, E), 0, N, dtype=jnp.int64)
    s = 0.05
    Wq = jax.random.normal(ks[2], (D, D), dtype=jnp.float32) * s
    Wk = jax.random.normal(ks[3], (D, D), dtype=jnp.float32) * s
    Wv = jax.random.normal(ks[4], (D, D), dtype=jnp.float32) * s
    Wo = jax.random.normal(ks[5], (D, D), dtype=jnp.float32) * s
    ln1_g = jnp.ones((D,), dtype=jnp.float32)
    ln1_b = jnp.zeros((D,), dtype=jnp.float32)
    w1 = jax.random.normal(ks[6], (DFF, D), dtype=jnp.float32) * s
    b1 = jnp.zeros((DFF,), dtype=jnp.float32)
    w2 = jax.random.normal(ks[7], (D, DFF), dtype=jnp.float32) * s
    b2 = jnp.zeros((D,), dtype=jnp.float32)
    ln2_g = jnp.ones((D,), dtype=jnp.float32)
    ln2_b = jnp.zeros((D,), dtype=jnp.float32)
    return {"h": h, "edge_index": edge_index, "Wq": Wq, "Wk": Wk, "Wv": Wv, "Wo": Wo,
            "ln1_g": ln1_g, "ln1_b": ln1_b, "w1": w1, "b1": b1, "w2": w2, "b2": b2,
            "ln2_g": ln2_g, "ln2_b": ln2_b}


def reference(h, edge_index, Wq, Wk, Wv, Wo, ln1_g, ln1_b, w1, b1, w2, b2, ln2_g, ln2_b):
    src = edge_index[0]
    dst = edge_index[1]
    q = (h @ Wq.T).reshape(N, H, DK)
    k = (h @ Wk.T).reshape(N, H, DK)
    v = (h @ Wv.T).reshape(N, H, DK)
    # masked matmul over edges: score(u->v) = q[v] . k[u], per head
    e = jnp.sum(k[src] * q[dst], axis=-1) / np.sqrt(DK)  # [E, H]
    # sparse softmax over incoming edges of each dst node
    emax = jax.ops.segment_max(e, dst, num_segments=N)  # [N, H]
    emax = jnp.where(jnp.isfinite(emax), emax, 0.0)
    ee = jnp.exp(e - emax[dst])
    esum = jax.ops.segment_sum(ee, dst, num_segments=N)  # [N, H]
    att = ee / esum[dst]  # [E, H]
    # vector spmm: aggregate v from src weighted by att into dst
    a = jax.ops.segment_sum(att[:, :, None] * v[src], dst, num_segments=N)  # [N, H, DK]
    a = a.reshape(N, D)
    o = a @ Wo.T
    h1 = _ln(h + o, ln1_g, ln1_b)
    f = jnp.maximum(h1 @ w1.T + b1, 0.0) @ w2.T + b2
    h2 = _ln(h1 + f, ln2_g, ln2_b)
    return h2

if __name__ == "__main__":
    import jax
    _d = setup_inputs()
    print(jax.jit(kernel)(*tuple(_d.values())))

</pallas_src>

<mosaic_0001>
#map = affine_map<(d0, d1) -> (0, 0)>
#map1 = affine_map<(d0, d1) -> (0)>
module attributes {stable_mosaic.version = 14 : i64} {
  func.func @gath(%arg0: i32, %arg1: i32, %arg2: memref<10000x256xf32, #tpu.memory_space<hbm>>, %arg3: memref<10000x128xf32, #tpu.memory_space<hbm>>, %arg4: memref<320000xi32, #tpu.memory_space<hbm>>, %arg5: memref<320000xi32, #tpu.memory_space<hbm>>, %arg6: memref<320000x256xf32, #tpu.memory_space<hbm>>, %arg7: memref<320000x128xf32, #tpu.memory_space<hbm>>, %arg8: memref<80xi32, #tpu.memory_space<vmem>>, %arg9: memref<80xi32, #tpu.memory_space<vmem>>, %arg10: memref<80x256xf32, #tpu.memory_space<vmem>>, %arg11: memref<80x128xf32, #tpu.memory_space<vmem>>, %arg12: memref<!tpu.dma_semaphore, #tpu.memory_space<semaphore_mem>>, %arg13: memref<!tpu.dma_semaphore, #tpu.memory_space<semaphore_mem>>) attributes {dimension_semantics = [#tpu.dimension_semantics<core_parallel>, #tpu.dimension_semantics<subcore_parallel>], iteration_bounds = array<i64: 2, 16>, scalar_prefetch = 0 : i64, scratch_operands = 6 : i64, tpu.core_type = #tpu.core_type<sc_vector_subcore>, window_params = [{transform_indices = #map}, {transform_indices = #map}, {transform_indices = #map1}, {transform_indices = #map1}, {transform_indices = #map}, {transform_indices = #map}]} {
    %mul3A = arith.constant 2 : i32
    %mul3A_0 = arith.muli %arg1, %mul3A : i32
    %add3A = arith.addi %mul3A_0, %arg0 : i32
    %scan3A = arith.constant 0 : i32
    %scan3A_1 = arith.constant 0 : i32
    %scan3A_2 = arith.constant 125 : i32
    %scan3A_3 = arith.addi %scan3A_1, %scan3A_2 : i32
    %scan3A_4 = arith.constant 1 : i32
    scf.for %scan3A_6 = %scan3A_1 to %scan3A_3 step %scan3A_4  : i32 {
      %mul3A_7 = arith.constant 10000 : i32
      %mul3A_8 = arith.muli %add3A, %mul3A_7 : i32
      %mul3A_9 = arith.constant 80 : i32
      %mul3A_10 = arith.muli %scan3A_6, %mul3A_9 : i32
      %add3A_11 = arith.addi %mul3A_8, %mul3A_10 : i32
      "tpu.region"() ({
        %run_scoped3A = tpu.sem_alloc : memref<!tpu.dma_semaphore, #tpu.memory_space<semaphore_mem>>
        %dma_start3A_22 = tpu.memref_slice %arg4[%add3A_11] : memref<320000xi32, #tpu.memory_space<hbm>> -> memref<80xi32, #tpu.memory_space<hbm>>
        %dma_start3A_23 = tpu.memref_slice %arg4[%add3A_11] : memref<320000xi32, #tpu.memory_space<hbm>> -> memref<80xi32, #tpu.memory_space<hbm>>
        tpu.enqueue_dma source(%dma_start3A_23 : memref<80xi32, #tpu.memory_space<hbm>>) target(%arg8 : memref<80xi32, #tpu.memory_space<vmem>>) target_semaphore(%run_scoped3A : memref<!tpu.dma_semaphore, #tpu.memory_space<semaphore_mem>>)
        %dma_wait3A_24 = tpu.memref_slice %arg4[%add3A_11] : memref<320000xi32, #tpu.memory_space<hbm>> -> memref<80xi32, #tpu.memory_space<hbm>>
        %dma_wait3A_25 = tpu.memref_slice %arg4[%add3A_11] : memref<320000xi32, #tpu.memory_space<hbm>> -> memref<80xi32, #tpu.memory_space<hbm>>
        tpu.wait_dma2 semaphore(%run_scoped3A : memref<!tpu.dma_semaphore, #tpu.memory_space<semaphore_mem>>) src(%dma_wait3A_25 : memref<80xi32, #tpu.memory_space<hbm>>) dst(%arg8 : memref<80xi32, #tpu.memory_space<vmem>>)
        tpu.yield
      }) : () -> ()
      "tpu.region"() ({
        %run_scoped3A = tpu.sem_alloc : memref<!tpu.dma_semaphore, #tpu.memory_space<semaphore_mem>>
        %dma_start3A_22 = tpu.memref_slice %arg5[%add3A_11] : memref<320000xi32, #tpu.memory_space<hbm>> -> memref<80xi32, #tpu.memory_space<hbm>>
        %dma_start3A_23 = tpu.memref_slice %arg5[%add3A_11] : memref<320000xi32, #tpu.memory_space<hbm>> -> memref<80xi32, #tpu.memory_space<hbm>>
        tpu.enqueue_dma source(%dma_start3A_23 : memref<80xi32, #tpu.memory_space<hbm>>) target(%arg9 : memref<80xi32, #tpu.memory_space<vmem>>) target_semaphore(%run_scoped3A : memref<!tpu.dma_semaphore, #tpu.memory_space<semaphore_mem>>)
        %dma_wait3A_24 = tpu.memref_slice %arg5[%add3A_11] : memref<320000xi32, #tpu.memory_space<hbm>> -> memref<80xi32, #tpu.memory_space<hbm>>
        %dma_wait3A_25 = tpu.memref_slice %arg5[%add3A_11] : memref<320000xi32, #tpu.memory_space<hbm>> -> memref<80xi32, #tpu.memory_space<hbm>>
        tpu.wait_dma2 semaphore(%run_scoped3A : memref<!tpu.dma_semaphore, #tpu.memory_space<semaphore_mem>>) src(%dma_wait3A_25 : memref<80xi32, #tpu.memory_space<hbm>>) dst(%arg9 : memref<80xi32, #tpu.memory_space<vmem>>)
        tpu.yield
      }) : () -> ()
      %dma_start3A = arith.constant 0 : i32
      %dma_start3A_12 = arith.constant 0 : i32
      %dma_start3A_13 = tpu.memref_slice %arg2[%dma_start3A, %dma_start3A_12] : memref<10000x256xf32, #tpu.memory_space<hbm>> -> memref<10000x256xf32, #tpu.memory_space<hbm>>
      tpu.enqueue_indirect_dma source(%dma_start3A_13 : memref<10000x256xf32, #tpu.memory_space<hbm>>) target(%arg10 : memref<80x256xf32, #tpu.memory_space<vmem>>) offsets(%arg8 : memref<80xi32, #tpu.memory_space<vmem>>) semaphore(%arg12 : memref<!tpu.dma_semaphore, #tpu.memory_space<semaphore_mem>>)
      %dma_start3A_14 = arith.constant 0 : i32
      %dma_start3A_15 = arith.constant 0 : i32
      %dma_start3A_16 = tpu.memref_slice %arg3[%dma_start3A_14, %dma_start3A_15] : memref<10000x128xf32, #tpu.memory_space<hbm>> -> memref<10000x128xf32, #tpu.memory_space<hbm>>
      tpu.enqueue_indirect_dma source(%dma_start3A_16 : memref<10000x128xf32, #tpu.memory_space<hbm>>) target(%arg11 : memref<80x128xf32, #tpu.memory_space<vmem>>) offsets(%arg9 : memref<80xi32, #tpu.memory_space<vmem>>) semaphore(%arg13 : memref<!tpu.dma_semaphore, #tpu.memory_space<semaphore_mem>>)
      %dma_wait3A = arith.constant 0 : i32
      %dma_wait3A_17 = arith.constant 0 : i32
      %dma_wait3A_18 = tpu.memref_slice %arg2[%dma_wait3A, %dma_wait3A_17] : memref<10000x256xf32, #tpu.memory_space<hbm>> -> memref<10000x256xf32, #tpu.memory_space<hbm>>
      tpu.wait_indirect_dma semaphore(%arg12 : memref<!tpu.dma_semaphore, #tpu.memory_space<semaphore_mem>>) src(%dma_wait3A_18 : memref<10000x256xf32, #tpu.memory_space<hbm>>) dst(%arg10 : memref<80x256xf32, #tpu.memory_space<vmem>>)
      %dma_wait3A_19 = arith.constant 0 : i32
      %dma_wait3A_20 = arith.constant 0 : i32
      %dma_wait3A_21 = tpu.memref_slice %arg3[%dma_wait3A_19, %dma_wait3A_20] : memref<10000x128xf32, #tpu.memory_space<hbm>> -> memref<10000x128xf32, #tpu.memory_space<hbm>>
      tpu.wait_indirect_dma semaphore(%arg13 : memref<!tpu.dma_semaphore, #tpu.memory_space<semaphore_mem>>) src(%dma_wait3A_21 : memref<10000x128xf32, #tpu.memory_space<hbm>>) dst(%arg11 : memref<80x128xf32, #tpu.memory_space<vmem>>)
      "tpu.region"() ({
        %run_scoped3A = tpu.sem_alloc : memref<!tpu.dma_semaphore, #tpu.memory_space<semaphore_mem>>
        %dma_start3A_22 = arith.constant 0 : i32
        %dma_start3A_23 = tpu.memref_slice %arg6[%add3A_11, %dma_start3A_22] : memref<320000x256xf32, #tpu.memory_space<hbm>> -> memref<80x256xf32, #tpu.memory_space<hbm>>
        %dma_start3A_24 = arith.constant 0 : i32
        %dma_start3A_25 = tpu.memref_slice %arg6[%add3A_11, %dma_start3A_24] : memref<320000x256xf32, #tpu.memory_space<hbm>> -> memref<80x256xf32, #tpu.memory_space<hbm>>
        tpu.enqueue_dma source(%arg10 : memref<80x256xf32, #tpu.memory_space<vmem>>) target(%dma_start3A_25 : memref<80x256xf32, #tpu.memory_space<hbm>>) target_semaphore(%run_scoped3A : memref<!tpu.dma_semaphore, #tpu.memory_space<semaphore_mem>>)
        %dma_wait3A_26 = arith.constant 0 : i32
        %dma_wait3A_27 = tpu.memref_slice %arg6[%add3A_11, %dma_wait3A_26] : memref<320000x256xf32, #tpu.memory_space<hbm>> -> memref<80x256xf32, #tpu.memory_space<hbm>>
        %dma_wait3A_28 = arith.constant 0 : i32
        %dma_wait3A_29 = tpu.memref_slice %arg6[%add3A_11, %dma_wait3A_28] : memref<320000x256xf32, #tpu.memory_space<hbm>> -> memref<80x256xf32, #tpu.memory_space<hbm>>
        tpu.wait_dma2 semaphore(%run_scoped3A : memref<!tpu.dma_semaphore, #tpu.memory_space<semaphore_mem>>) src(%arg10 : memref<80x256xf32, #tpu.memory_space<vmem>>) dst(%dma_wait3A_29 : memref<80x256xf32, #tpu.memory_space<hbm>>)
        tpu.yield
      }) : () -> ()
      "tpu.region"() ({
        %run_scoped3A = tpu.sem_alloc : memref<!tpu.dma_semaphore, #tpu.memory_space<semaphore_mem>>
        %dma_start3A_22 = arith.constant 0 : i32
        %dma_start3A_23 = tpu.memref_slice %arg7[%add3A_11, %dma_start3A_22] : memref<320000x128xf32, #tpu.memory_space<hbm>> -> memref<80x128xf32, #tpu.memory_space<hbm>>
        %dma_start3A_24 = arith.constant 0 : i32
        %dma_start3A_25 = tpu.memref_slice %arg7[%add3A_11, %dma_start3A_24] : memref<320000x128xf32, #tpu.memory_space<hbm>> -> memref<80x128xf32, #tpu.memory_space<hbm>>
        tpu.enqueue_dma source(%arg11 : memref<80x128xf32, #tpu.memory_space<vmem>>) target(%dma_start3A_25 : memref<80x128xf32, #tpu.memory_space<hbm>>) target_semaphore(%run_scoped3A : memref<!tpu.dma_semaphore, #tpu.memory_space<semaphore_mem>>)
        %dma_wait3A_26 = arith.constant 0 : i32
        %dma_wait3A_27 = tpu.memref_slice %arg7[%add3A_11, %dma_wait3A_26] : memref<320000x128xf32, #tpu.memory_space<hbm>> -> memref<80x128xf32, #tpu.memory_space<hbm>>
        %dma_wait3A_28 = arith.constant 0 : i32
        %dma_wait3A_29 = tpu.memref_slice %arg7[%add3A_11, %dma_wait3A_28] : memref<320000x128xf32, #tpu.memory_space<hbm>> -> memref<80x128xf32, #tpu.memory_space<hbm>>
        tpu.wait_dma2 semaphore(%run_scoped3A : memref<!tpu.dma_semaphore, #tpu.memory_space<semaphore_mem>>) src(%arg11 : memref<80x128xf32, #tpu.memory_space<vmem>>) dst(%dma_wait3A_29 : memref<80x128xf32, #tpu.memory_space<hbm>>)
        tpu.yield
      }) : () -> ()
    }
    %scan3A_5 = arith.constant 125 : i32
    return
  }
}

module attributes {stable_mosaic.version = 14 : i64} {
  func.func @_qkv_body(%arg0: i32, %arg1: memref<1000x128xf32, #tpu.memory_space<vmem>>, %arg2: memref<128x128xf32, #tpu.memory_space<vmem>>, %arg3: memref<128x128xf32, #tpu.memory_space<vmem>>, %arg4: memref<128x128xf32, #tpu.memory_space<vmem>>, %arg5: memref<1000x128xf32, #tpu.memory_space<vmem>>, %arg6: memref<1000x256xf32, #tpu.memory_space<vmem>>) attributes {dimension_semantics = [#tpu.dimension_semantics<arbitrary>], iteration_bounds = array<i64: 10>, scalar_prefetch = 0 : i64, scratch_operands = 0 : i64, tpu.core_type = #tpu.core_type<tc>, window_params = [{transform_indices = @transform_0, window_bounds = array<i64: 1000, 128>}, {pipeline_mode = #tpu.pipeline_mode<synchronous>, transform_indices = @transform_1, window_bounds = array<i64: 128, 128>}, {pipeline_mode = #tpu.pipeline_mode<synchronous>, transform_indices = @transform_2, window_bounds = array<i64: 128, 128>}, {pipeline_mode = #tpu.pipeline_mode<synchronous>, transform_indices = @transform_3, window_bounds = array<i64: 128, 128>}, {transform_indices = @transform_4, window_bounds = array<i64: 1000, 128>}, {transform_indices = @transform_5, window_bounds = array<i64: 1000, 256>}]} {
    %get3A = arith.constant 0 : index
    %get3A_0 = arith.constant 0 : index
    %get3A_1 = vector.load %arg1[%get3A, %get3A_0] : memref<1000x128xf32, #tpu.memory_space<vmem>>, vector<1000x128xf32>
    %get3A_2 = arith.constant 0 : index
    %get3A_3 = arith.constant 0 : index
    %get3A_4 = vector.load %arg2[%get3A_2, %get3A_3] : memref<128x128xf32, #tpu.memory_space<vmem>>, vector<128x128xf32>
    %dot_general3A = arith.constant dense<0.000000e+00> : vector<1000x128xf32>
    %dot_general3A_5 = tpu.matmul %get3A_1, %get3A_4, %dot_general3A {dimension_numbers = #tpu.dot_dimension_numbers<[1], [1], [0], [0], [0, 0, 1, 0], [], []>, transpose_lhs_hint = false} : vector<1000x128xf32>, vector<128x128xf32>, vector<1000x128xf32> -> vector<1000x128xf32>
    %swap3A = arith.constant 0 : index
    %swap3A_6 = arith.constant 0 : index
    %swap3A_7 = vector.load %arg5[%swap3A, %swap3A_6] : memref<1000x128xf32, #tpu.memory_space<vmem>>, vector<1000x128xf32>
    tpu.vector_store %arg5[%swap3A, %swap3A_6], %dot_general3A_5 {strides = array<i32>} : memref<1000x128xf32, #tpu.memory_space<vmem>>, vector<1000x128xf32>,
    %get3A_8 = arith.constant 0 : index
    %get3A_9 = arith.constant 0 : index
    %get3A_10 = vector.load %arg3[%get3A_8, %get3A_9] : memref<128x128xf32, #tpu.memory_space<vmem>>, vector<128x128xf32>
    %dot_general3A_11 = arith.constant dense<0.000000e+00> : vector<1000x128xf32>
    %dot_general3A_12 = tpu.matmul %get3A_1, %get3A_10, %dot_general3A_11 {dimension_numbers = #tpu.dot_dimension_numbers<[1], [1], [0], [0], [0, 0, 1, 0], [], []>, transpose_lhs_hint = false} : vector<1000x128xf32>, vector<128x128xf32>, vector<1000x128xf32> -> vector<1000x128xf32>
    %swap3A_13 = arith.constant 0 : index
    %swap3A_14 = arith.constant 0 : index
    %swap3A_15 = vector.load %arg6[%swap3A_13, %swap3A_14] : memref<1000x256xf32, #tpu.memory_space<vmem>>, vector<1000x128xf32>
    tpu.vector_store %arg6[%swap3A_13, %swap3A_14], %dot_general3A_12 {strides = array<i32>} : memref<1000x256xf32, #tpu.memory_space<vmem>>, vector<1000x128xf32>,
    %get3A_16 = arith.constant 0 : index
    %get3A_17 = arith.constant 0 : index
    %get3A_18 = vector.load %arg4[%get3A_16, %get3A_17] : memref<128x128xf32, #tpu.memory_space<vmem>>, vector<128x128xf32>
    %dot_general3A_19 = arith.constant dense<0.000000e+00> : vector<1000x128xf32>
    %dot_general3A_20 = tpu.matmul %get3A_1, %get3A_18, %dot_general3A_19 {dimension_numbers = #tpu.dot_dimension_numbers<[1], [1], [0], [0], [0, 0, 1, 0], [], []>, transpose_lhs_hint = false} : vector<1000x128xf32>, vector<128x128xf32>, vector<1000x128xf32> -> vector<1000x128xf32>
    %swap3A_21 = arith.constant 0 : index
    %swap3A_22 = arith.constant 128 : index
    %swap3A_23 = vector.load %arg6[%swap3A_21, %swap3A_22] : memref<1000x256xf32, #tpu.memory_space<vmem>>, vector<1000x128xf32>
    tpu.vector_store %arg6[%swap3A_21, %swap3A_22], %dot_general3A_20 {strides = array<i32>} : memref<1000x256xf32, #tpu.memory_space<vmem>>, vector<1000x128xf32>,
    return
  }
  func.func @transform_0(%arg0: i32) -> (i32, i32) {
    %c0_i32 = arith.constant 0 : i32
    %c0_i32_0 = arith.constant 0 : i32
    return %arg0, %c0_i32 : i32, i32
  }
  func.func @transform_1(%arg0: i32) -> (i32, i32) {
    %c0_i32 = arith.constant 0 : i32
    %c0_i32_0 = arith.constant 0 : i32
    %c0_i32_1 = arith.constant 0 : i32
    return %c0_i32, %c0_i32_0 : i32, i32
  }
  func.func @transform_2(%arg0: i32) -> (i32, i32) {
    %c0_i32 = arith.constant 0 : i32
    %c0_i32_0 = arith.constant 0 : i32
    %c0_i32_1 = arith.constant 0 : i32
    return %c0_i32, %c0_i32_0 : i32, i32
  }
  func.func @transform_3(%arg0: i32) -> (i32, i32) {
    %c0_i32 = arith.constant 0 : i32
    %c0_i32_0 = arith.constant 0 : i32
    %c0_i32_1 = arith.constant 0 : i32
    return %c0_i32, %c0_i32_0 : i32, i32
  }
  func.func @transform_4(%arg0: i32) -> (i32, i32) {
    %c0_i32 = arith.constant 0 : i32
    %c0_i32_0 = arith.constant 0 : i32
    return %arg0, %c0_i32 : i32, i32
  }
  func.func @transform_5(%arg0: i32) -> (i32, i32) {
    %c0_i32 = arith.constant 0 : i32
    %c0_i32_0 = arith.constant 0 : i32
    return %arg0, %c0_i32 : i32, i32
  }
}

module attributes {stable_mosaic.version = 14 : i64} {
  func.func @_edge_body(%arg0: i32, %arg1: memref<2000x256xf32, #tpu.memory_space<vmem>>, %arg2: memref<2000x128xf32, #tpu.memory_space<vmem>>, %arg3: memref<8x128xf32, #tpu.memory_space<vmem>>, %arg4: memref<8x16xf32, #tpu.memory_space<vmem>>, %arg5: memref<2000x128xf32, #tpu.memory_space<vmem>>, %arg6: memref<2000x16xf32, #tpu.memory_space<vmem>>) attributes {dimension_semantics = [#tpu.dimension_semantics<arbitrary>], iteration_bounds = array<i64: 160>, scalar_prefetch = 0 : i64, scratch_operands = 0 : i64, tpu.core_type = #tpu.core_type<tc>, window_params = [{transform_indices = @transform_0, window_bounds = array<i64: 2000, 256>}, {transform_indices = @transform_1, window_bounds = array<i64: 2000, 128>}, {pipeline_mode = #tpu.pipeline_mode<synchronous>, transform_indices = @transform_2, window_bounds = array<i64: 8, 128>}, {pipeline_mode = #tpu.pipeline_mode<synchronous>, transform_indices = @transform_3, window_bounds = array<i64: 8, 16>}, {transform_indices = @transform_4, window_bounds = array<i64: 2000, 128>}, {transform_indices = @transform_5, window_bounds = array<i64: 2000, 16>}]} {
    %get3A = arith.constant 0 : index
    %get3A_0 = arith.constant 0 : index
    %get3A_1 = vector.load %arg1[%get3A, %get3A_0] : memref<2000x256xf32, #tpu.memory_space<vmem>>, vector<2000x128xf32>
    %get3A_2 = arith.constant 0 : index
    %get3A_3 = arith.constant 128 : index
    %get3A_4 = vector.load %arg1[%get3A_2, %get3A_3] : memref<2000x256xf32, #tpu.memory_space<vmem>>, vector<2000x128xf32>
    %get3A_5 = arith.constant 0 : index
    %get3A_6 = arith.constant 0 : index
    %get3A_7 = vector.load %arg2[%get3A_5, %get3A_6] : memref<2000x128xf32, #tpu.memory_space<vmem>>, vector<2000x128xf32>
    %mul3A = arith.mulf %get3A_1, %get3A_7 : vector<2000x128xf32>
    %get3A_8 = arith.constant 0 : index
    %get3A_9 = arith.constant 0 : index
    %get3A_10 = vector.load %arg3[%get3A_8, %get3A_9] : memref<8x128xf32, #tpu.memory_space<vmem>>, vector<8x128xf32>
    %dot_general3A = arith.constant dense<0.000000e+00> : vector<2000x8xf32>
    %dot_general3A_11 = tpu.matmul %mul3A, %get3A_10, %dot_general3A {dimension_numbers = #tpu.dot_dimension_numbers<[1], [1], [0], [0], [0, 0, 1, 0], [], []>, transpose_lhs_hint = false} : vector<2000x128xf32>, vector<8x128xf32>, vector<2000x8xf32> -> vector<2000x8xf32>
    %mul3A_12 = arith.constant 2.500000e-01 : f32
    %mul3A_13 = vector.broadcast %mul3A_12 : f32 to vector<2000x8xf32>
    %mul3A_14 = arith.mulf %dot_general3A_11, %mul3A_13 : vector<2000x8xf32>
    %exp3A = math.exp %mul3A_14 : vector<2000x8xf32>
    %get3A_15 = arith.constant 0 : index
    %get3A_16 = arith.constant 0 : index
    %get3A_17 = vector.load %arg3[%get3A_15, %get3A_16] : memref<8x128xf32, #tpu.memory_space<vmem>>, vector<8x128xf32>
    %dot_general3A_18 = arith.constant dense<0.000000e+00> : vector<2000x128xf32>
    %dot_general3A_19 = tpu.matmul %exp3A, %get3A_17, %dot_general3A_18 {dimension_numbers = #tpu.dot_dimension_numbers<[1], [0], [0], [1], [0, 0, 1, 1], [], []>, transpose_lhs_hint = false} : vector<2000x8xf32>, vector<8x128xf32>, vector<2000x128xf32> -> vector<2000x128xf32>
    %mul3A_20 = arith.mulf %dot_general3A_19, %get3A_4 : vector<2000x128xf32>
    %swap3A = arith.constant 0 : index
    %swap3A_21 = arith.constant 0 : index
    %swap3A_22 = vector.load %arg5[%swap3A, %swap3A_21] : memref<2000x128xf32, #tpu.memory_space<vmem>>, vector<2000x128xf32>
    tpu.vector_store %arg5[%swap3A, %swap3A_21], %mul3A_20 {strides = array<i32>} : memref<2000x128xf32, #tpu.memory_space<vmem>>, vector<2000x128xf32>,
    %get3A_23 = arith.constant 0 : index
    %get3A_24 = arith.constant 0 : index
    %get3A_25 = vector.load %arg4[%get3A_23, %get3A_24] : memref<8x16xf32, #tpu.memory_space<vmem>>, vector<8x16xf32>
    %dot_general3A_26 = arith.constant dense<0.000000e+00> : vector<2000x16xf32>
    %dot_general3A_27 = tpu.matmul %exp3A, %get3A_25, %dot_general3A_26 {dimension_numbers = #tpu.dot_dimension_numbers<[1], [0], [0], [1], [0, 0, 1, 1], [], []>, transpose_lhs_hint = false} : vector<2000x8xf32>, vector<8x16xf32>, vector<2000x16xf32> -> vector<2000x16xf32>
    %swap3A_28 = arith.constant 0 : index
    %swap3A_29 = arith.constant 0 : index
    %swap3A_30 = vector.load %arg6[%swap3A_28, %swap3A_29] : memref<2000x16xf32, #tpu.memory_space<vmem>>, vector<2000x16xf32>
    tpu.vector_store %arg6[%swap3A_28, %swap3A_29], %dot_general3A_27 {strides = array<i32>} : memref<2000x16xf32, #tpu.memory_space<vmem>>, vector<2000x16xf32>,
    return
  }
  func.func @transform_0(%arg0: i32) -> (i32, i32) {
    %c0_i32 = arith.constant 0 : i32
    %c0_i32_0 = arith.constant 0 : i32
    return %arg0, %c0_i32 : i32, i32
  }
  func.func @transform_1(%arg0: i32) -> (i32, i32) {
    %c0_i32 = arith.constant 0 : i32
    %c0_i32_0 = arith.constant 0 : i32
    return %arg0, %c0_i32 : i32, i32
  }
  func.func @transform_2(%arg0: i32) -> (i32, i32) {
    %c0_i32 = arith.constant 0 : i32
    %c0_i32_0 = arith.constant 0 : i32
    %c0_i32_1 = arith.constant 0 : i32
    return %c0_i32, %c0_i32_0 : i32, i32
  }
  func.func @transform_3(%arg0: i32) -> (i32, i32) {
    %c0_i32 = arith.constant 0 : i32
    %c0_i32_0 = arith.constant 0 : i32
    %c0_i32_1 = arith.constant 0 : i32
    return %c0_i32, %c0_i32_0 : i32, i32
  }
  func.func @transform_4(%arg0: i32) -> (i32, i32) {
    %c0_i32 = arith.constant 0 : i32
    %c0_i32_0 = arith.constant 0 : i32
    return %arg0, %c0_i32 : i32, i32
  }
  func.func @transform_5(%arg0: i32) -> (i32, i32) {
    %c0_i32 = arith.constant 0 : i32
    %c0_i32_0 = arith.constant 0 : i32
    return %arg0, %c0_i32 : i32, i32
  }
}

module attributes {stable_mosaic.version = 14 : i64} {
  func.func @_epi_body(%arg0: i32, %arg1: memref<1000x128xf32, #tpu.memory_space<vmem>>, %arg2: memref<1000x128xf32, #tpu.memory_space<vmem>>, %arg3: memref<1000x16xf32, #tpu.memory_space<vmem>>, %arg4: memref<1000x16xf32, #tpu.memory_space<vmem>>, %arg5: memref<1000x128xf32, #tpu.memory_space<vmem>>, %arg6: memref<128x128xf32, #tpu.memory_space<vmem>>, %arg7: memref<1x128xf32, #tpu.memory_space<vmem>>, %arg8: memref<1x128xf32, #tpu.memory_space<vmem>>, %arg9: memref<512x128xf32, #tpu.memory_space<vmem>>, %arg10: memref<1x512xf32, #tpu.memory_space<vmem>>, %arg11: memref<128x512xf32, #tpu.memory_space<vmem>>, %arg12: memref<1x128xf32, #tpu.memory_space<vmem>>, %arg13: memref<1x128xf32, #tpu.memory_space<vmem>>, %arg14: memref<1x128xf32, #tpu.memory_space<vmem>>, %arg15: memref<16x128xf32, #tpu.memory_space<vmem>>, %arg16: memref<1000x128xf32, #tpu.memory_space<vmem>>) attributes {dimension_semantics = [#tpu.dimension_semantics<arbitrary>], iteration_bounds = array<i64: 10>, scalar_prefetch = 0 : i64, scratch_operands = 0 : i64, tpu.core_type = #tpu.core_type<tc>, window_params = [{transform_indices = @transform_0, window_bounds = array<i64: 1000, 128>}, {transform_indices = @transform_1, window_bounds = array<i64: 1000, 128>}, {transform_indices = @transform_2, window_bounds = array<i64: 1000, 16>}, {transform_indices = @transform_3, window_bounds = array<i64: 1000, 16>}, {transform_indices = @transform_4, window_bounds = array<i64: 1000, 128>}, {pipeline_mode = #tpu.pipeline_mode<synchronous>, transform_indices = @transform_5, window_bounds = array<i64: 128, 128>}, {pipeline_mode = #tpu.pipeline_mode<synchronous>, transform_indices = @transform_6, window_bounds = array<i64: 1, 128>}, {pipeline_mode = #tpu.pipeline_mode<synchronous>, transform_indices = @transform_7, window_bounds = array<i64: 1, 128>}, {pipeline_mode = #tpu.pipeline_mode<synchronous>, transform_indices = @transform_8, window_bounds = array<i64: 512, 128>}, {pipeline_mode = #tpu.pipeline_mode<synchronous>, transform_indices = @transform_9, window_bounds = array<i64: 1, 512>}, {pipeline_mode = #tpu.pipeline_mode<synchronous>, transform_indices = @transform_10, window_bounds = array<i64: 128, 512>}, {pipeline_mode = #tpu.pipeline_mode<synchronous>, transform_indices = @transform_11, window_bounds = array<i64: 1, 128>}, {pipeline_mode = #tpu.pipeline_mode<synchronous>, transform_indices = @transform_12, window_bounds = array<i64: 1, 128>}, {pipeline_mode = #tpu.pipeline_mode<synchronous>, transform_indices = @transform_13, window_bounds = array<i64: 1, 128>}, {pipeline_mode = #tpu.pipeline_mode<synchronous>, transform_indices = @transform_14, window_bounds = array<i64: 16, 128>}, {transform_indices = @transform_15, window_bounds = array<i64: 1000, 128>}]} {
    %get3A = arith.constant 0 : index
    %get3A_0 = arith.constant 0 : index
    %get3A_1 = vector.load %arg3[%get3A, %get3A_0] : memref<1000x16xf32, #tpu.memory_space<vmem>>, vector<1000x16xf32>
    %get3A_2 = arith.constant 0 : index
    %get3A_3 = arith.constant 0 : index
    %get3A_4 = vector.load %arg4[%get3A_2, %get3A_3] : memref<1000x16xf32, #tpu.memory_space<vmem>>, vector<1000x16xf32>
    %add3A = arith.addf %get3A_1, %get3A_4 : vector<1000x16xf32>
    %gt3A = arith.constant 0.000000e+00 : f32
    %gt3A_5 = vector.broadcast %gt3A : f32 to vector<1000x16xf32>
    %gt3A_6 = arith.cmpf ogt, %add3A, %gt3A_5 : vector<1000x16xf32>
    %div3A = arith.constant 1.000000e+00 : f32
    %div3A_7 = vector.broadcast %div3A : f32 to vector<1000x16xf32>
    %div3A_8 = arith.divf %div3A_7, %add3A : vector<1000x16xf32>
    %jit3A = arith.constant 0.000000e+00 : f32
    %broadcast_in_dim3A = vector.broadcast %jit3A : f32 to vector<1000x16xf32>
    %select_n3A = arith.select %gt3A_6, %div3A_8, %broadcast_in_dim3A : vector<1000x16xi1>, vector<1000x16xf32>
    %get3A_9 = arith.constant 0 : index
    %get3A_10 = arith.constant 0 : index
    %get3A_11 = vector.load %arg15[%get3A_9, %get3A_10] : memref<16x128xf32, #tpu.memory_space<vmem>>, vector<16x128xf32>
    %dot_general3A = arith.constant dense<0.000000e+00> : vector<1000x128xf32>
    %dot_general3A_12 = tpu.matmul %select_n3A, %get3A_11, %dot_general3A {dimension_numbers = #tpu.dot_dimension_numbers<[1], [0], [0], [1], [0, 0, 1, 1], [], []>, transpose_lhs_hint = false} : vector<1000x16xf32>, vector<16x128xf32>, vector<1000x128xf32> -> vector<1000x128xf32>
    %get3A_13 = arith.constant 0 : index
    %get3A_14 = arith.constant 0 : index
    %get3A_15 = vector.load %arg1[%get3A_13, %get3A_14] : memref<1000x128xf32, #tpu.memory_space<vmem>>, vector<1000x128xf32>
    %get3A_16 = arith.constant 0 : index
    %get3A_17 = arith.constant 0 : index
    %get3A_18 = vector.load %arg2[%get3A_16, %get3A_17] : memref<1000x128xf32, #tpu.memory_space<vmem>>, vector<1000x128xf32>
    %add3A_19 = arith.addf %get3A_15, %get3A_18 : vector<1000x128xf32>
    %mul3A = arith.mulf %add3A_19, %dot_general3A_12 : vector<1000x128xf32>
    %get3A_20 = arith.constant 0 : index
    %get3A_21 = arith.constant 0 : index
    %get3A_22 = vector.load %arg6[%get3A_20, %get3A_21] : memref<128x128xf32, #tpu.memory_space<vmem>>, vector<128x128xf32>
    %dot_general3A_23 = arith.constant dense<0.000000e+00> : vector<1000x128xf32>
    %dot_general3A_24 = tpu.matmul %mul3A, %get3A_22, %dot_general3A_23 {dimension_numbers = #tpu.dot_dimension_numbers<[1], [1], [0], [0], [0, 0, 1, 0], [], []>, transpose_lhs_hint = false} : vector<1000x128xf32>, vector<128x128xf32>, vector<1000x128xf32> -> vector<1000x128xf32>
    %get3A_25 = arith.constant 0 : index
    %get3A_26 = arith.constant 0 : index
    %get3A_27 = vector.load %arg5[%get3A_25, %get3A_26] : memref<1000x128xf32, #tpu.memory_space<vmem>>, vector<1000x128xf32>
    %add3A_28 = arith.addf %get3A_27, %dot_general3A_24 : vector<1000x128xf32>
    %reduce_sum3A = arith.constant dense<0.000000e+00> : vector<1000xf32>
    %reduce_sum3A_29 = vector.multi_reduction <add>, %add3A_28, %reduce_sum3A [1] : vector<1000x128xf32> to vector<1000xf32>
    %broadcast_in_dim3A_30 = vector.shape_cast %reduce_sum3A_29 : vector<1000xf32> to vector<1000x1xf32>
    %div3A_31 = arith.constant 1.280000e+02 : f32
    %div3A_32 = vector.broadcast %div3A_31 : f32 to vector<1000x1xf32>
    %div3A_33 = arith.divf %broadcast_in_dim3A_30, %div3A_32 : vector<1000x1xf32>
    %sub3A = vector.broadcast %div3A_33 : vector<1000x1xf32> to vector<1000x128xf32>
    %sub3A_34 = arith.subf %add3A_28, %sub3A : vector<1000x128xf32>
    %integer_pow3A = arith.mulf %sub3A_34, %sub3A_34 : vector<1000x128xf32>
    %reduce_sum3A_35 = arith.constant dense<0.000000e+00> : vector<1000xf32>
    %reduce_sum3A_36 = vector.multi_reduction <add>, %integer_pow3A, %reduce_sum3A_35 [1] : vector<1000x128xf32> to vector<1000xf32>
    %broadcast_in_dim3A_37 = vector.shape_cast %reduce_sum3A_36 : vector<1000xf32> to vector<1000x1xf32>
    %div3A_38 = arith.constant 1.280000e+02 : f32
    %div3A_39 = vector.broadcast %div3A_38 : f32 to vector<1000x1xf32>
    %div3A_40 = arith.divf %broadcast_in_dim3A_37, %div3A_39 : vector<1000x1xf32>
    %sub3A_41 = vector.broadcast %div3A_33 : vector<1000x1xf32> to vector<1000x128xf32>
    %sub3A_42 = arith.subf %add3A_28, %sub3A_41 : vector<1000x128xf32>
    %add3A_43 = arith.constant 9.99999974E-6 : f32
    %add3A_44 = vector.broadcast %add3A_43 : f32 to vector<1000x1xf32>
    %add3A_45 = arith.addf %div3A_40, %add3A_44 : vector<1000x1xf32>
    %rsqrt3A = math.rsqrt %add3A_45 : vector<1000x1xf32>
    %mul3A_46 = vector.broadcast %rsqrt3A : vector<1000x1xf32> to vector<1000x128xf32>
    %mul3A_47 = arith.mulf %sub3A_42, %mul3A_46 : vector<1000x128xf32>
    %get3A_48 = arith.constant 0 : index
    %get3A_49 = arith.constant 0 : index
    %get3A_50 = vector.load %arg7[%get3A_48, %get3A_49] : memref<1x128xf32, #tpu.memory_space<vmem>>, vector<1x128xf32>
    %get3A_51 = vector.shape_cast %get3A_50 : vector<1x128xf32> to vector<128xf32>
    %broadcast_in_dim3A_52 = vector.shape_cast %get3A_51 : vector<128xf32> to vector<1x128xf32>
    %mul3A_53 = vector.broadcast %broadcast_in_dim3A_52 : vector<1x128xf32> to vector<1000x128xf32>
    %mul3A_54 = arith.mulf %mul3A_47, %mul3A_53 : vector<1000x128xf32>
    %get3A_55 = arith.constant 0 : index
    %get3A_56 = arith.constant 0 : index
    %get3A_57 = vector.load %arg8[%get3A_55, %get3A_56] : memref<1x128xf32, #tpu.memory_space<vmem>>, vector<1x128xf32>
    %get3A_58 = vector.shape_cast %get3A_57 : vector<1x128xf32> to vector<128xf32>
    %broadcast_in_dim3A_59 = vector.shape_cast %get3A_58 : vector<128xf32> to vector<1x128xf32>
    %add3A_60 = vector.broadcast %broadcast_in_dim3A_59 : vector<1x128xf32> to vector<1000x128xf32>
    %add3A_61 = arith.addf %mul3A_54, %add3A_60 : vector<1000x128xf32>
    %get3A_62 = arith.constant 0 : index
    %get3A_63 = arith.constant 0 : index
    %get3A_64 = vector.load %arg9[%get3A_62, %get3A_63] : memref<512x128xf32, #tpu.memory_space<vmem>>, vector<512x128xf32>
    %dot_general3A_65 = arith.constant dense<0.000000e+00> : vector<1000x512xf32>
    %dot_general3A_66 = tpu.matmul %add3A_61, %get3A_64, %dot_general3A_65 {dimension_numbers = #tpu.dot_dimension_numbers<[1], [1], [0], [0], [0, 0, 1, 0], [], []>, transpose_lhs_hint = false} : vector<1000x128xf32>, vector<512x128xf32>, vector<1000x512xf32> -> vector<1000x512xf32>
    %get3A_67 = arith.constant 0 : index
    %get3A_68 = arith.constant 0 : index
    %get3A_69 = vector.load %arg10[%get3A_67, %get3A_68] : memref<1x512xf32, #tpu.memory_space<vmem>>, vector<1x512xf32>
    %get3A_70 = vector.shape_cast %get3A_69 : vector<1x512xf32> to vector<512xf32>
    %broadcast_in_dim3A_71 = vector.shape_cast %get3A_70 : vector<512xf32> to vector<1x512xf32>
    %add3A_72 = vector.broadcast %broadcast_in_dim3A_71 : vector<1x512xf32> to vector<1000x512xf32>
    %add3A_73 = arith.addf %dot_general3A_66, %add3A_72 : vector<1000x512xf32>
    %max3A = arith.constant 0.000000e+00 : f32
    %max3A_74 = vector.broadcast %max3A : f32 to vector<1000x512xf32>
    %max3A_75 = arith.maximumf %add3A_73, %max3A_74 : vector<1000x512xf32>
    %get3A_76 = arith.constant 0 : index
    %get3A_77 = arith.constant 0 : index
    %get3A_78 = vector.load %arg11[%get3A_76, %get3A_77] : memref<128x512xf32, #tpu.memory_space<vmem>>, vector<128x512xf32>
    %dot_general3A_79 = arith.constant dense<0.000000e+00> : vector<1000x128xf32>
    %dot_general3A_80 = tpu.matmul %max3A_75, %get3A_78, %dot_general3A_79 {dimension_numbers = #tpu.dot_dimension_numbers<[1], [1], [0], [0], [0, 0, 1, 0], [], []>, transpose_lhs_hint = false} : vector<1000x512xf32>, vector<128x512xf32>, vector<1000x128xf32> -> vector<1000x128xf32>
    %get3A_81 = arith.constant 0 : index
    %get3A_82 = arith.constant 0 : index
    %get3A_83 = vector.load %arg12[%get3A_81, %get3A_82] : memref<1x128xf32, #tpu.memory_space<vmem>>, vector<1x128xf32>
    %get3A_84 = vector.shape_cast %get3A_83 : vector<1x128xf32> to vector<128xf32>
    %broadcast_in_dim3A_85 = vector.shape_cast %get3A_84 : vector<128xf32> to vector<1x128xf32>
    %add3A_86 = vector.broadcast %broadcast_in_dim3A_85 : vector<1x128xf32> to vector<1000x128xf32>
    %add3A_87 = arith.addf %dot_general3A_80, %add3A_86 : vector<1000x128xf32>
    %add3A_88 = arith.addf %add3A_61, %add3A_87 : vector<1000x128xf32>
    %reduce_sum3A_89 = arith.constant dense<0.000000e+00> : vector<1000xf32>
    %reduce_sum3A_90 = vector.multi_reduction <add>, %add3A_88, %reduce_sum3A_89 [1] : vector<1000x128xf32> to vector<1000xf32>
    %broadcast_in_dim3A_91 = vector.shape_cast %reduce_sum3A_90 : vector<1000xf32> to vector<1000x1xf32>
    %div3A_92 = arith.constant 1.280000e+02 : f32
    %div3A_93 = vector.broadcast %div3A_92 : f32 to vector<1000x1xf32>
    %div3A_94 = arith.divf %broadcast_in_dim3A_91, %div3A_93 : vector<1000x1xf32>
    %sub3A_95 = vector.broadcast %div3A_94 : vector<1000x1xf32> to vector<1000x128xf32>
    %sub3A_96 = arith.subf %add3A_88, %sub3A_95 : vector<1000x128xf32>
    %integer_pow3A_97 = arith.mulf %sub3A_96, %sub3A_96 : vector<1000x128xf32>
    %reduce_sum3A_98 = arith.constant dense<0.000000e+00> : vector<1000xf32>
    %reduce_sum3A_99 = vector.multi_reduction <add>, %integer_pow3A_97, %reduce_sum3A_98 [1] : vector<1000x128xf32> to vector<1000xf32>
    %broadcast_in_dim3A_100 = vector.shape_cast %reduce_sum3A_99 : vector<1000xf32> to vector<1000x1xf32>
    %div3A_101 = arith.constant 1.280000e+02 : f32
    %div3A_102 = vector.broadcast %div3A_101 : f32 to vector<1000x1xf32>
    %div3A_103 = arith.divf %broadcast_in_dim3A_100, %div3A_102 : vector<1000x1xf32>
    %sub3A_104 = vector.broadcast %div3A_94 : vector<1000x1xf32> to vector<1000x128xf32>
    %sub3A_105 = arith.subf %add3A_88, %sub3A_104 : vector<1000x128xf32>
    %add3A_106 = arith.constant 9.99999974E-6 : f32
    %add3A_107 = vector.broadcast %add3A_106 : f32 to vector<1000x1xf32>
    %add3A_108 = arith.addf %div3A_103, %add3A_107 : vector<1000x1xf32>
    %rsqrt3A_109 = math.rsqrt %add3A_108 : vector<1000x1xf32>
    %mul3A_110 = vector.broadcast %rsqrt3A_109 : vector<1000x1xf32> to vector<1000x128xf32>
    %mul3A_111 = arith.mulf %sub3A_105, %mul3A_110 : vector<1000x128xf32>
    %get3A_112 = arith.constant 0 : index
    %get3A_113 = arith.constant 0 : index
    %get3A_114 = vector.load %arg13[%get3A_112, %get3A_113] : memref<1x128xf32, #tpu.memory_space<vmem>>, vector<1x128xf32>
    %get3A_115 = vector.shape_cast %get3A_114 : vector<1x128xf32> to vector<128xf32>
    %broadcast_in_dim3A_116 = vector.shape_cast %get3A_115 : vector<128xf32> to vector<1x128xf32>
    %mul3A_117 = vector.broadcast %broadcast_in_dim3A_116 : vector<1x128xf32> to vector<1000x128xf32>
    %mul3A_118 = arith.mulf %mul3A_111, %mul3A_117 : vector<1000x128xf32>
    %get3A_119 = arith.constant 0 : index
    %get3A_120 = arith.constant 0 : index
    %get3A_121 = vector.load %arg14[%get3A_119, %get3A_120] : memref<1x128xf32, #tpu.memory_space<vmem>>, vector<1x128xf32>
    %get3A_122 = vector.shape_cast %get3A_121 : vector<1x128xf32> to vector<128xf32>
    %broadcast_in_dim3A_123 = vector.shape_cast %get3A_122 : vector<128xf32> to vector<1x128xf32>
    %add3A_124 = vector.broadcast %broadcast_in_dim3A_123 : vector<1x128xf32> to vector<1000x128xf32>
    %add3A_125 = arith.addf %mul3A_118, %add3A_124 : vector<1000x128xf32>
    %swap3A = arith.constant 0 : index
    %swap3A_126 = arith.constant 0 : index
    %swap3A_127 = vector.load %arg16[%swap3A, %swap3A_126] : memref<1000x128xf32, #tpu.memory_space<vmem>>, vector<1000x128xf32>
    tpu.vector_store %arg16[%swap3A, %swap3A_126], %add3A_125 {strides = array<i32>} : memref<1000x128xf32, #tpu.memory_space<vmem>>, vector<1000x128xf32>,
    return
  }
  func.func @transform_0(%arg0: i32) -> (i32, i32) {
    %c0_i32 = arith.constant 0 : i32
    %c0_i32_0 = arith.constant 0 : i32
    return %arg0, %c0_i32 : i32, i32
  }
  func.func @transform_1(%arg0: i32) -> (i32, i32) {
    %c0_i32 = arith.constant 0 : i32
    %c0_i32_0 = arith.constant 0 : i32
    return %arg0, %c0_i32 : i32, i32
  }
  func.func @transform_2(%arg0: i32) -> (i32, i32) {
    %c0_i32 = arith.constant 0 : i32
    %c0_i32_0 = arith.constant 0 : i32
    return %arg0, %c0_i32 : i32, i32
  }
  func.func @transform_3(%arg0: i32) -> (i32, i32) {
    %c0_i32 = arith.constant 0 : i32
    %c0_i32_0 = arith.constant 0 : i32
    return %arg0, %c0_i32 : i32, i32
  }
  func.func @transform_4(%arg0: i32) -> (i32, i32) {
    %c0_i32 = arith.constant 0 : i32
    %c0_i32_0 = arith.constant 0 : i32
    return %arg0, %c0_i32 : i32, i32
  }
  func.func @transform_5(%arg0: i32) -> (i32, i32) {
    %c0_i32 = arith.constant 0 : i32
    %c0_i32_0 = arith.constant 0 : i32
    %c0_i32_1 = arith.constant 0 : i32
    return %c0_i32, %c0_i32_0 : i32, i32
  }
  func.func @transform_6(%arg0: i32) -> (i32, i32) {
    %c0_i32 = arith.constant 0 : i32
    %c0_i32_0 = arith.constant 0 : i32
    %c0_i32_1 = arith.constant 0 : i32
    return %c0_i32, %c0_i32_0 : i32, i32
  }
  func.func @transform_7(%arg0: i32) -> (i32, i32) {
    %c0_i32 = arith.constant 0 : i32
    %c0_i32_0 = arith.constant 0 : i32
    %c0_i32_1 = arith.constant 0 : i32
    return %c0_i32, %c0_i32_0 : i32, i32
  }
  func.func @transform_8(%arg0: i32) -> (i32, i32) {
    %c0_i32 = arith.constant 0 : i32
    %c0_i32_0 = arith.constant 0 : i32
    %c0_i32_1 = arith.constant 0 : i32
    return %c0_i32, %c0_i32_0 : i32, i32
  }
  func.func @transform_9(%arg0: i32) -> (i32, i32) {
    %c0_i32 = arith.constant 0 : i32
    %c0_i32_0 = arith.constant 0 : i32
    %c0_i32_1 = arith.constant 0 : i32
    return %c0_i32, %c0_i32_0 : i32, i32
  }
  func.func @transform_10(%arg0: i32) -> (i32, i32) {
    %c0_i32 = arith.constant 0 : i32
    %c0_i32_0 = arith.constant 0 : i32
    %c0_i32_1 = arith.constant 0 : i32
    return %c0_i32, %c0_i32_0 : i32, i32
  }
  func.func @transform_11(%arg0: i32) -> (i32, i32) {
    %c0_i32 = arith.constant 0 : i32
    %c0_i32_0 = arith.constant 0 : i32
    %c0_i32_1 = arith.constant 0 : i32
    return %c0_i32, %c0_i32_0 : i32, i32
  }
  func.func @transform_12(%arg0: i32) -> (i32, i32) {
    %c0_i32 = arith.constant 0 : i32
    %c0_i32_0 = arith.constant 0 : i32
    %c0_i32_1 = arith.constant 0 : i32
    return %c0_i32, %c0_i32_0 : i32, i32
  }
  func.func @transform_13(%arg0: i32) -> (i32, i32) {
    %c0_i32 = arith.constant 0 : i32
    %c0_i32_0 = arith.constant 0 : i32
    %c0_i32_1 = arith.constant 0 : i32
    return %c0_i32, %c0_i32_0 : i32, i32
  }
  func.func @transform_14(%arg0: i32) -> (i32, i32) {
    %c0_i32 = arith.constant 0 : i32
    %c0_i32_0 = arith.constant 0 : i32
    %c0_i32_1 = arith.constant 0 : i32
    return %c0_i32, %c0_i32_0 : i32, i32
  }
  func.func @transform_15(%arg0: i32) -> (i32, i32) {
    %c0_i32 = arith.constant 0 : i32
    %c0_i32_0 = arith.constant 0 : i32
    return %arg0, %c0_i32 : i32, i32
  }
}

</mosaic_0001>

<sc_bundles>
// kernel: kernel.6.cloned.1.call-start
scs
__scs_entry_jumppad:
0x0: {  	(pc) =	sbr.rel $0x88, $3  }
0x1: {  	(tag) =	ssettag $0x0;
	lr =	simm.s32 $0x1  }
0x2: {  	[smem:$0x3F93] =	sst lr;
	_ =	strace $0xD0000000  }
0x3: {  	_ = 	snop  }
0x4: {  	_ = 	snop  }
0x5: {  	_ = 	snop  }
0x6: {  	_ = 	snop  }
0x7: {  	_ = 	snop  }
__scs_overlays_trampoline_lowered:
0x8: {  	[smem:$0x3FA2] =	sst s0  }
0x9: {  	[smem:$0x3FA3] =	sst s1  }
0xa: {  	[smem:$0x3FA4] =	sst s2  }
0xb: {  	[smem:$0x3FA5] =	sst s3  }
0xc: {  	[smem:$0x3FA6] =	sst s4  }
0xd: {  	[smem:$0x3FA7] =	sst s5  }
0xe: {  	[smem:$0x3FA8] =	sst s6  }
0xf: {  	[smem:$0x3FA9] =	sst s7  }
0x10: {  	[smem:$0x3FAA] =	sst s8  }
0x11: {  	[smem:$0x3FAB] =	sst s9;
	s0 =	simm.s32 @!p0 $0x0  }
0x12: {  	s1 =	sld [smem:$0x3F91];
	s0 =	simm.s32 @p0 $0x1  }
0x13: {  	[smem:$0x3FAC] =	sst s0;
	s0 =	simm.s32 @!p1 $0x0  }
0x14: {  	s2 =	sld [smem:$0x3F90];
	s0 =	simm.s32 @p1 $0x1  }
0x15: {  	[smem:$0x3FAD] =	sst s0;
	s0 =	simm.s32 @!p2 $0x0  }
0x16: {  	s3 =	sld [smem:$0x3FDB];
	s0 =	simm.s32 @p2 $0x1  }
0x17: {  	s4 =	simm.s32 $0x1BF5;
	[smem:$0x3FAF] =	sst s0  }
0x18: {  	s0 =	sld [smem:$0x3F92];
	_ =	swait.ge [sflag:s4], $0x0  }
0x19: {  	s7 =	sld [smem:$0x3F93]  }
0x1a: {  	s8 =	sadd.s32 $0xFFFFE003, lr  }
0x1b: {  	s9 =	sadd.s32 $0xFFFFFEF7, lr;
	s5 =	simm.s32 $0xFFFFFFFF;
	p2 =	slt.u32 s8, $0xFFFFF086  }
0x1c: {  	p1 =	slt.u32 s9, $0xF7A;
	s5 =	simm.s32 @!p2 $0x0  }
0x1d: {  	s5 =	simm.s32 @p1 $0x1;
	p0 =	seq.s32 s7, s2  }
0x1e: {  	s7 =	smul.u32 @!p0 $0xF7A, s2;
	p2 =	seq.s32 @!p0 s5, $0x0  }
0x1f: {  	s9 =	smul.u32 $0xF7A, s1;
	s8 =	simm.s32 @!p0 $0x1BF5;
	p2 =	por !p2, p0  }
0x20: {  	[sflag:s8] =	ssyncset.s32 @!p0 $0xFFFFF086;
	s6 =	sadd.s32 @!p0 s3, s7;
	s7 =	simm.s32 @!p0 $0x108  }
0x21: {  	s3 =	sadd.s32 s3, s9;
	s6 =	sadd.s32 @!p0 $0x88, s6;
	s7 =	simm.s32 @p2 $0x1082  }
0x22: {  	[simem:s7], [sflag:s8] =	dma.local @!p0 [hbm:s6], $0xF7A  }
0x23: {  	s9 =	sor.u32 $0xD0000000, s2;
	s6 =	simm.s32 $0x108;
	_ =	swait.ge @!p0 [sflag:s8], $0x0  }
0x24: {  	s3 =	sadd.s32 $0x88, s3;
	s6 =	simm.s32 @!p1 $0x1082;
	[sflag:s4] =	ssyncset.s32 $0xFFFFF086  }
0x25: {  	[simem:s6], [sflag:s4] =	dma.local [hbm:s3], $0xF7A  }
0x26: {  	[smem:$0x3F93] =	sst s1;
	(tag) =	ssettag s2;
	_ =	strace s9  }
0x27: {  	s1 =	sld [smem:$0x3FA3]  }
0x28: {  	s2 =	sld [smem:$0x3FA4]  }
0x29: {  	s4 =	sld [smem:$0x3FA6]  }
0x2a: {  	p0 =	seq.s32 s5, $0x0;
	s5 =	sld [smem:$0x3FA7]  }
0x2b: {  	s6 =	sld [smem:$0x3FA8]  }
0x2c: {  	s7 =	sld [smem:$0x3FA9]  }
0x2d: {  	s3 =	simm.s32 $0x108;
	s8 =	sld [smem:$0x3FAA]  }
0x2e: {  	s3 =	simm.s32 @!p0 $0x1082;
	s9 =	sld [smem:$0x3FAB]  }
0x2f: {  	lr =	sadd.s32 s0, s3;
	s0 =	sld [smem:$0x3FA2]  }
0x30: {  	s3 =	sld [smem:$0x3FA5]  }
0x31: {  	[smem:$0x3FAE] =	sst s10  }
0x32: {  	s10 =	sld [smem:$0x3FAC];
	_ =	sdelay $0x3  }
0x33: {  	p0 =	seq.s32 s10, $0x1;
	s10 =	sld [smem:$0x3FAE];
	_ =	sdelay $0x3  }
0x34: {  	[smem:$0x3FAE] =	sst s10  }
0x35: {  	s10 =	sld [smem:$0x3FAD];
	_ =	sdelay $0x3  }
0x36: {  	p1 =	seq.s32 s10, $0x1;
	s10 =	sld [smem:$0x3FAE];
	_ =	sdelay $0x3  }
0x37: {  	[smem:$0x3FAE] =	sst s10  }
0x38: {  	s10 =	sld [smem:$0x3FAF]  }
0x39: {  	_ = 	snop;
	(pc) =	sbr.ind lr, $3  }
0x3a: {  	_ = 	snop  }
0x3b: {  	_ = 	snop  }
0x3c: {  	p2 =	seq.s32 s10, $0x1;
	s10 =	sld [smem:$0x3FAE]  }
0x3d: {  	_ =	shalt  }
0x3e: {  	_ =	shalt  }
0x3f: {  	_ =	shalt  }
0x40: {  	_ =	shalt  }
0x41: {  	_ =	shalt  }
0x42: {  	_ =	shalt  }
0x43: {  	_ =	shalt  }
0x44: {  	_ =	shalt  }
0x45: {  	_ =	shalt  }
0x46: {  	_ =	shalt  }
0x47: {  	_ =	shalt  }
0x48: {  	_ =	shalt  }
0x49: {  	_ =	shalt  }
0x4a: {  	_ =	shalt  }
0x4b: {  	_ =	shalt  }
0x4c: {  	_ =	shalt  }
0x4d: {  	_ =	shalt  }
0x4e: {  	_ =	shalt  }
0x4f: {  	_ =	shalt  }
0x50: {  	_ =	shalt  }
0x51: {  	_ =	shalt  }
0x52: {  	_ =	shalt  }
0x53: {  	_ =	shalt  }
0x54: {  	_ =	shalt  }
0x55: {  	_ =	shalt  }
0x56: {  	_ =	shalt  }
0x57: {  	_ =	shalt  }
0x58: {  	_ =	shalt  }
0x59: {  	_ =	shalt  }
0x5a: {  	_ =	shalt  }
0x5b: {  	_ =	shalt  }
0x5c: {  	_ =	shalt  }
0x5d: {  	_ =	shalt  }
0x5e: {  	_ =	shalt  }
0x5f: {  	_ =	shalt  }
0x60: {  	_ =	shalt  }
0x61: {  	_ =	shalt  }
0x62: {  	_ =	shalt  }
0x63: {  	_ =	shalt  }
0x64: {  	_ =	shalt  }
0x65: {  	_ =	shalt  }
0x66: {  	_ =	shalt  }
0x67: {  	_ =	shalt  }
0x68: {  	_ =	shalt  }
0x69: {  	_ =	shalt  }
0x6a: {  	_ =	shalt  }
0x6b: {  	_ =	shalt  }
0x6c: {  	_ =	shalt  }
0x6d: {  	_ =	shalt  }
0x6e: {  	_ =	shalt  }
0x6f: {  	_ =	shalt  }
0x70: {  	_ =	shalt  }
0x71: {  	_ =	shalt  }
0x72: {  	_ =	shalt  }
0x73: {  	_ =	shalt  }
0x74: {  	_ =	shalt  }
0x75: {  	_ =	shalt  }
0x76: {  	_ =	shalt  }
0x77: {  	_ =	shalt  }
0x78: {  	_ =	shalt  }
0x79: {  	_ =	shalt  }
0x7a: {  	_ =	shalt  }
0x7b: {  	_ =	shalt  }
0x7c: {  	_ =	shalt  }
0x7d: {  	_ =	shalt  }
0x7e: {  	_ =	shalt  }
0x7f: {  	_ =	shalt  }
0x80: {  	_ =	shalt  }
0x81: {  	_ =	shalt  }
0x82: {  	_ =	shalt  }
0x83: {  	_ =	shalt  }
0x84: {  	_ =	shalt  }
0x85: {  	_ =	shalt  }
0x86: {  	_ =	shalt  }
0x87: {  	_ =	shalt  }
.Lfunc_end0:
.L_simem_size_0:
called_computation.2_lowered:
.L_overlay_start_0:
0x88: {  	s2 =	sld [smem:$0x3FD9]  }
0x89: {  	s3 =	sld [smem:$0x3FFE];
	_ =	sdelay $0x1  }
0x8a: {  	s1 =	srdreg.scid  }
0x8b: {  	s0 =	sand.u32 $0x1, s1  }
0x8c: {  	s17 =	sshll.u32 s0, $0xA;
	s2 =	sadd.s32 s3, s2  }
0x8d: {  	s2 =	sadd.s32 s2, s17  }
0x8e: {  	[smem:$0x3FBA] =	sst s2  }
0x8f: {  	_ = 	snop  }
0x90: {  	s2 =	sld [smem:$0x3FD0];
	(tm) =	ssettm $0x1  }
0x91: {  	s18 =	sld [smem:$0x3FFB];
	_ =	sdelay $0x3  }
0x92: {  	_ =	strace s18  }
0x93: {  	s3 =	sld [smem:$0x3FFC];
	_ =	sdelay $0x3  }
0x94: {  	_ =	strace s3  }
0x95: {  	s3 =	sld [smem:$0x3FFD];
	_ =	sdelay $0x3  }
0x96: {  	_ =	strace s3  }
0x97: {  	_ =	strace $0x8FFFFFFF  }
0x98: {  	s19 =	sld [smem:$0x3FDB];
	_ =	sdelay $0x1  }
0x99: {  	s4 =	simm.s32 $_scs_section_size  }
0x9a: {  	s5 =	simm.s32 $_size__tile_overlayer_lowered;
	s6 =	simm.s32 $_tile_overlayer_lowered  }
0x9b: {  	s22 =	simm.s32 $0x1BFF;
	s21 =	sshll.u32 s6, $0x1;
	s3 =	sadd.s32 s4, s19  }
0x9c: {  	s7 =	simm.s32 $0x0;
	s20 =	sshll.u32 s5, $0x1;
	s5 =	sadd.s32 s21, s3  }
0x9d: {  	[timem:s7], [sflag:s22] =	dma.local [hbm:s5], s20  }
0x9e: {  	_ =	swait.ge [sflag:s22], s20  }
0x9f: {  	s4 =	ssub.s32 $0x0, s20;
	[sflag:s22] =	ssyncset.done $0x0  }
0xa0: {  	[sflag:s22] =	ssyncadd.s32 s4;
	_ =	sdelay $0x1  }
0xa1: {  	s23 =	simm.s32 $0x1B8B  }
0xa2: {  	_ =	swait.ge [sflag:s23], $0x1  }
0xa3: {  	[sflag:s23] =	ssyncset.done $0x0  }
0xa4: {  	s25 =	simm.s32 $0x1B8E;
	s24 =	sld [smem:$0x3FFE];
	[sflag:s23] =	ssyncadd.s32 $0xFFFFFFFF  }
0xa5: {  	s26 =	simm.s32 $execute0_lowered;
	[smem:$0x3FD2] =	sst s25  }
0xa6: {  	s5 =	sshll.u32 s26, $0x1;
	_ =	strace $0x80000046;
	[dreg:$0x1] =	wrdreg $0xFFFFFFFF  }
0xa7: {  	s28 =	simm.s32 $_size_execute0_lowered;
	s3 =	sadd.s32 s3, s5;
	[dreg:$0x0] =	wrdreg $0x0  }
0xa8: {  	s5 =	sshll.u32 s28, $0x1;
	[dreg:$0x2] =	wrdreg s3  }
0xa9: {  	[dreg:$0x3] =	wrdreg s5  }
0xaa: {  	[dreg:$0x4] =	wrdreg $0xC0  }
0xab: {  	_ =	task [dreg:s7], $0x5FFFF  }
0xac: {  	[dreg:$0x1] =	wrdreg $0xFFFFFFFF  }
0xad: {  	[dreg:$0x0] =	wrdreg $0x60  }
0xae: {  	[dreg:$0x2] =	wrdreg s24  }
0xaf: {  	[dreg:$0x3] =	wrdreg s2  }
0xb0: {  	[dreg:$0x4] =	wrdreg $0x9  }
0xb1: {  	_ =	task.clear_ibuf [dreg:s7], $0x5FFFF;
	_ =	strace $0x90000046  }
0xb2: {  	s29 =	simm.s32 $0x9;
	_ =	strace $0x80000048  }
0xb3: {  	_ =	swait.ge [sflag:s29], $0x1  }
0xb4: {  	[sflag:s29] =	ssyncadd.s32 $0xFFFFFFFF  }
0xb5: {  	_ =	strace $0x90000048  }
0xb6: {  	_ =	sfence  }
0xb7: {  	s30 =	sld [smem:$0x0];
	_ =	sdelay $0x2  }
0xb8: {  	s31 =	sshll.u32 s1, $0xD;
	s1 =	sshrl.u32 s1, $0x2  }
0xb9: {  	s3 =	sand.u32 $0x4000, s31;
	s1 =	sadd.s32 s1, s30  }
0xba: {  	s0 =	sor.u32 s3, s0;
	s1 =	sshll.u32 s1, $0x11  }
0xbb: {  	s0 =	sor.u32 s1, s0  }
0xbc: {  	s0 =	sadd.s32 $0x8F2B, s0  }
0xbd: {  	[sflag:s0] =	ssyncadd.remote.s32 $0x1  }
0xbe: {  	_ =	sfence.sel $0xFFFF  }
0xbf: {  	[dreg:$0x0] =	wrdreg $0xFFFFFFFF;
	(pc) =	sbr.abs _section_cstart, $3  }
0xc0: {  	[dreg:$0x1] =	wrdreg $0xFFFFFFFF  }
0xc1: {  	_ =	task.clear_ibuf [dreg:s7], $0x2FFFF;
	_ =	strace $0x9FFFFFFF  }
0xc2: {  	(tm) =	ssettm $0x7FFFFFFF  }
0xc3: {  	_ =	shalt  }
tec
execute0_lowered:
.L_overlay_start_1:
0x0: {  	(tag) =	ssettag $0x1  }
0x1: {  	s5 =	rddreg [dreg:$0x0]  }
0x2: {  	s2 =	rddreg [dreg:$0x1]  }
0x3: {  	s0 =	rddreg [dreg:$0x2]  }
0x4: {  	s4 =	srdreg.scid;
	s1 =	stileid.u32;
	s3 =	simm.s32 $0x0  }
0x5: {  	s13 =	simm.s32 $0x900;
	s14 =	simm.s32 $0x1100;
	s15 =	simm.s32 $0x1900  }
0x6: {  	s16 =	simm.s32 $0x2100;
	s17 =	simm.s32 $0x2900;
	s18 =	simm.s32 $0x3100  }
0x7: {  	s19 =	simm.s32 $0x3900;
	s20 =	simm.s32 $0x4100;
	s7 =	smul.u32 $0x4E20, s1  }
0x8: {  	s21 =	simm.s32 $0x4900;
	s22 =	simm.s32 $0x50;
	s9 =	smul.u32 $0x9C400, s1  }
0x9: {  	s23 =	simm.s32 $0x5100;
	s6 =	sand.u32 $0x1, s4;
	s26 =	smul.u32 $0x4E200, s1  }
0xa: {  	s24 =	simm.s32 $0x1;
	s25 =	simm.s32 $0x2;
	s8 =	smul.u32 $0x2710, s6  }
0xb: {  	[smem:$0x7FF] =	sst s3;
	s4 =	sadd.s32 $0x15C00, s5;
	s11 =	smul.u32 $0x27100, s6  }
0xc: {  	_ =	strace $0x80000047;
	s10 =	ssub.s32 $0x2, s6;
	s6 =	smul.u32 $0x4E200, s6  }
0xd: {  	s28 =	sshrl.u32 s10, $0x1;
	s9 =	sadd.s32 s9, s5;
	s7 =	sadd.s32 s8, s7  }
0xe: {  	s8 =	sadd.s32 s26, s5;
	s29 =	ssub.s32 s10, s28;
	s31 =	sadd.s32 s6, s9  }
0xf: {  	s10 =	simm.s32 $0x3;
	s26 =	simm.s32 $0x0;
	s7 =	sshrl.u32 s7, $0x3  }
0x10: {  	v2 =	vlaneseq.u32;
	s30 =	sadd.s32 s11, s8;
	s11 =	simm.s32 $0x80;
	s12 =	sadd.s32 s7, s5  }
0x11: {  	vm0 =	vmmov $0xffff;
	v1 =	vshrl.u32 v2, $0x3;
	s5 =	smax.u32 s29, $0x1;
	s6 =	sadd.s32 $0xA27E00, s30;
	s7 =	sadd.s32 $0x63E00, s31  }
0x12: {  	v0 =	vand.u32 $0x7, v2;
	v2 =	vor.u32 $0x8, v2;
	v1 =	vmul.u32 $0x8, v1;
	s8 =	sadd.s32 $0xBE00, s12;
	s9 =	sadd.s32 $0x2000, s12;
	s12 =	simm.s32 $0x100  }
.LBB2_1:
0x13: {  	s28 =	smov.u32 s7;
	s29 =	smov.u32 s6;
	s30 =	simm.s32 $0x0  }
.LBB2_2:
0x14: {  	s31 =	sadd.s32 s30, s9  }
0x15: {  	[tilespmem:s3], [sflag:$0x3] =	stream.linear.gather [hbm4b:s31+s3], $0x50, $0x38;
	[tilespmem:$0x7900] =	vst v63  }
0x16: {  	_ =	swait.ge [sflag:s10], $0x50  }
0x17: {  	[sflag:s10] =	ssyncset.done $0x0  }
0x18: {  	s31 =	sadd.s32 s30, s8;
	[sflag:s10] =	ssyncadd.s32 $0xFFFFFFB0  }
0x19: {  	[tilespmem:s11], [sflag:$0x3] =	stream.linear.gather [hbm4b:s31+s3], $0x50, $0x38;
	[tilespmem:$0x7900] =	vst v63  }
0x1a: {  	_ =	swait.ge [sflag:s10], $0x50  }
0x1b: {  	[sflag:s10] =	ssyncset.done $0x0  }
0x1c: {  	[sflag:s10] =	ssyncadd.s32 $0xFFFFFFB0  }
0x1d: {  	v3 =	vld [tilespmem:$0x0];
	_ =	sdelay $0x4  }
0x1e: {  	v4 =	vshll.u32 v3, $0x1  }
0x1f: {  	v3 =	vand.u32 $0x7, v3;
	v4 =	vand.u32 $0xFFFFFFF0, v4  }
0x20: {  	v3 =	vor.u32 v3, v4  }
0x21: {  	v4 =	vperm.xlane v3, v0;
	_ =	sdelay $0x1  }
0x22: {  	v3 =	vperm.xlane v3, v2;
	v4 =	vadd.s32 v1, v4;
	_ =	sdelay $0x1  }
0x23: {  	v3 =	vadd.s32 v1, v3;
	_ =	sdelay $0x2  }
0x24: {  	[tilespmem:s12], [sflag:$0x1] =	stream.indirect_vreg.gather [hbm4b:s4+s3], $0x80, v4, vm0, $0xb8;
	[tilespmem:$0x7900] =	vst v63  }
0x25: {  	_ = 	snop  }
0x26: {  	[tilespmem:s13], [sflag:$0x1] =	stream.indirect_vreg.gather [hbm4b:s4+s3], $0x80, v3, vm0, $0xb8;
	[tilespmem:$0x7900] =	vst v63  }
0x27: {  	v3 =	vld [tilespmem:$0x10];
	_ =	sdelay $0x4  }
0x28: {  	v60 =	vshll.u32 v3, $0x1  }
0x29: {  	v3 =	vand.u32 $0x7, v3;
	v4 =	vand.u32 $0xFFFFFFF0, v60  }
0x2a: {  	v3 =	vor.u32 v3, v4  }
0x2b: {  	v4 =	vperm.xlane v3, v0;
	_ =	sdelay $0x1  }
0x2c: {  	v3 =	vperm.xlane v3, v2;
	v4 =	vadd.s32 v1, v4;
	_ =	sdelay $0x1  }
0x2d: {  	v3 =	vadd.s32 v1, v3;
	_ =	sdelay $0x2  }
0x2e: {  	[tilespmem:s14], [sflag:$0x1] =	stream.indirect_vreg.gather [hbm4b:s4+s3], $0x80, v4, vm0, $0xb8;
	[tilespmem:$0x7900] =	vst v63  }
0x2f: {  	_ = 	snop  }
0x30: {  	[tilespmem:s15], [sflag:$0x1] =	stream.indirect_vreg.gather [hbm4b:s4+s3], $0x80, v3, vm0, $0xb8;
	[tilespmem:$0x7900] =	vst v63  }
0x31: {  	v3 =	vld [tilespmem:$0x20];
	_ =	sdelay $0x4  }
0x32: {  	v61 =	vshll.u32 v3, $0x1  }
0x33: {  	v3 =	vand.u32 $0x7, v3;
	v4 =	vand.u32 $0xFFFFFFF0, v61  }
0x34: {  	v3 =	vor.u32 v3, v4  }
0x35: {  	v4 =	vperm.xlane v3, v0;
	_ =	sdelay $0x1  }
0x36: {  	v3 =	vperm.xlane v3, v2;
	v4 =	vadd.s32 v1, v4;
	_ =	sdelay $0x1  }
0x37: {  	v3 =	vadd.s32 v1, v3;
	_ =	sdelay $0x2  }
0x38: {  	[tilespmem:s16], [sflag:$0x1] =	stream.indirect_vreg.gather [hbm4b:s4+s3], $0x80, v4, vm0, $0xb8;
	[tilespmem:$0x7900] =	vst v63  }
0x39: {  	_ = 	snop  }
0x3a: {  	[tilespmem:s17], [sflag:$0x1] =	stream.indirect_vreg.gather [hbm4b:s4+s3], $0x80, v3, vm0, $0xb8;
	[tilespmem:$0x7900] =	vst v63  }
0x3b: {  	v3 =	vld [tilespmem:$0x30];
	_ =	sdelay $0x4  }
0x3c: {  	v62 =	vshll.u32 v3, $0x1  }
0x3d: {  	v3 =	vand.u32 $0x7, v3;
	v4 =	vand.u32 $0xFFFFFFF0, v62  }
0x3e: {  	v3 =	vor.u32 v3, v4  }
0x3f: {  	v4 =	vperm.xlane v3, v0;
	_ =	sdelay $0x1  }
0x40: {  	v3 =	vperm.xlane v3, v2;
	v4 =	vadd.s32 v1, v4;
	_ =	sdelay $0x1  }
0x41: {  	v3 =	vadd.s32 v1, v3;
	_ =	sdelay $0x2  }
0x42: {  	[tilespmem:s18], [sflag:$0x1] =	stream.indirect_vreg.gather [hbm4b:s4+s3], $0x80, v4, vm0, $0xb8;
	[tilespmem:$0x7900] =	vst v63  }
0x43: {  	_ = 	snop  }
0x44: {  	[tilespmem:s19], [sflag:$0x1] =	stream.indirect_vreg.gather [hbm4b:s4+s3], $0x80, v3, vm0, $0xb8;
	[tilespmem:$0x7900] =	vst v63  }
0x45: {  	v3 =	vld [tilespmem:$0x40];
	_ =	sdelay $0x4  }
0x46: {  	v63 =	vshll.u32 v3, $0x1  }
0x47: {  	v3 =	vand.u32 $0x7, v3;
	v4 =	vand.u32 $0xFFFFFFF0, v63  }
0x48: {  	v3 =	vor.u32 v3, v4  }
0x49: {  	v4 =	vperm.xlane v3, v0;
	_ =	sdelay $0x1  }
0x4a: {  	v3 =	vperm.xlane v3, v2;
	v4 =	vadd.s32 v1, v4;
	_ =	sdelay $0x1  }
0x4b: {  	v3 =	vadd.s32 v1, v3;
	_ =	sdelay $0x2  }
0x4c: {  	[tilespmem:s20], [sflag:$0x1] =	stream.indirect_vreg.gather [hbm4b:s4+s3], $0x80, v4, vm0, $0xb8;
	[tilespmem:$0x7900] =	vst v63  }
0x4d: {  	_ = 	snop  }
0x4e: {  	[tilespmem:s21], [sflag:$0x1] =	stream.indirect_vreg.gather [hbm4b:s4+s3], $0x80, v3, vm0, $0xb8;
	[tilespmem:$0x7900] =	vst v63  }
0x4f: {  	_ = 	snop  }
0x50: {  	[tilespmem:s23], [sflag:$0x2] =	stream.indirect.gather [hbm4b:s2+s22], $0x80, s11, s22, $0xb8;
	[tilespmem:$0x7900] =	vst v63  }
0x51: {  	_ =	swait.ge [sflag:s24], $0x5000  }
0x52: {  	[sflag:s24] =	ssyncset.done $0x0  }
0x53: {  	[sflag:s24] =	ssyncadd.s32 $0xFFFFB000  }
0x54: {  	_ =	swait.ge [sflag:s25], $0x2800  }
0x55: {  	[sflag:s25] =	ssyncset.done $0x0  }
0x56: {  	[sflag:s25] =	ssyncadd.s32 $0xFFFFD800  }
0x57: {  	[hbm4b:s28+s3] =	stream.linear.scatter [tilespmem:s12], [sflag:$0x3], $0x5000, $0x38;
	[tilespmem:$0x7900] =	vst v63  }
0x58: {  	_ =	swait.ge [sflag:s10], $0x5000  }
0x59: {  	p0 =	sne.s32 s30, $0x4D8;
	[sflag:s10] =	ssyncset.done $0x0  }
.Ltmp0:
0x5a: {  	[sflag:s10] =	ssyncadd.s32 $0xFFFFB000;
	(pc) =	sbr.rel @p0 .LBB2_2-.Ltmp0, $4  }
0x5b: {  	[hbm4b:s29+s3] =	stream.linear.scatter [tilespmem:s23], [sflag:$0x3], $0x2800, $0x38;
	[tilespmem:$0x7900] =	vst v63  }
0x5c: {  	_ =	swait.ge [sflag:s10], $0x2800  }
0x5d: {  	s30 =	sadd.s32 $0xA, s30;
	[sflag:s10] =	ssyncset.done $0x0  }
0x5e: {  	s28 =	sadd.s32 $0xA00, s28;
	s29 =	sadd.s32 $0x500, s29;
	[sflag:s10] =	ssyncadd.s32 $0xFFFFD800  }
0x5f: {  	s26 =	sadd.s32 $0x1, s26  }
0x60: {  	p0 =	sne.s32 s26, s5  }
.Ltmp1:
0x61: {  	_ = 	snop;
	(pc) =	sbr.rel @p0 .LBB2_1-.Ltmp1, $1  }
0x62: {  	_ =	sdelay $0x3  }
0x63: {  	_ =	sfence.sel $0x180000  }
0x64: {  	[bflag:$0x0] =	sbarrier.arrive $0xFFFF  }
0x65: {  	p0 =	sne.s32 s1, $0x0;
	_ =	strace $0x90000047  }
0x66: {  	s0 =	sadd.s32 @!p0 $0x100000, s0;
	[bflag:$0x2] =	sbarrier.arrive $0xFFFF  }
0x67: {  	[sflag:s0] =	ssyncadd.tile.s32 @!p0 $0x1;
	_ =	shalt  }
.Lfunc_end2:
_tile_overlayer_lowered:
.L_overlay_start_2:
0x68: {  	(tag) =	ssettag $0x2  }
0x69: {  	s0 =	rddreg [dreg:$0x0];
	s2 =	stileid.u32  }
0x6a: {  	s1 =	rddreg [dreg:$0x1];
	p0 =	sne.s32 s2, $0x0  }
0x6b: {  	s3 =	rddreg [dreg:$0x2];
	[bflag:$0x3] =	sbarrier.arrive $0xFFFF;
	s2 =	simm.s32 @!p0 $0x1C03  }
0x6c: {  	[timem:s3], [sflag:s2] =	dma.local @!p0 [hbm:s0], s1  }
0x6d: {  	s0 =	simm.s32 @!p0 $0x3  }
0x6e: {  	_ =	swait.ge @!p0 [sflag:s0], s1  }
0x6f: {  	s1 =	ssub.s32 @!p0 $0x0, s1;
	[sflag:s0] =	ssyncset.done @!p0 $0x0  }
0x70: {  	[sflag:s0] =	ssyncadd.s32 @!p0 s1  }
0x71: {  	[bflag:$0x3] =	sbarrier.arrive $0xFFFF  }
0x72: {  	_ =	shalt  }

// kernel: scatter_offload_async_start.1
scs
__scs_entry_jumppad:
0x0: {  	(pc) =	sbr.rel $0x88, $3  }
0x1: {  	(tag) =	ssettag $0x0;
	lr =	simm.s32 $0x1  }
0x2: {  	[smem:$0x3F93] =	sst lr;
	_ =	strace $0xD0000000  }
0x3: {  	_ = 	snop  }
0x4: {  	_ = 	snop  }
0x5: {  	_ = 	snop  }
0x6: {  	_ = 	snop  }
0x7: {  	_ = 	snop  }
__scs_overlays_trampoline_lowered:
0x8: {  	[smem:$0x3FA2] =	sst s0  }
0x9: {  	[smem:$0x3FA3] =	sst s1  }
0xa: {  	[smem:$0x3FA4] =	sst s2  }
0xb: {  	[smem:$0x3FA5] =	sst s3  }
0xc: {  	[smem:$0x3FA6] =	sst s4  }
0xd: {  	[smem:$0x3FA7] =	sst s5  }
0xe: {  	[smem:$0x3FA8] =	sst s6  }
0xf: {  	[smem:$0x3FA9] =	sst s7  }
0x10: {  	[smem:$0x3FAA] =	sst s8  }
0x11: {  	[smem:$0x3FAB] =	sst s9;
	s0 =	simm.s32 @!p0 $0x0  }
0x12: {  	s1 =	sld [smem:$0x3F91];
	s0 =	simm.s32 @p0 $0x1  }
0x13: {  	[smem:$0x3FAC] =	sst s0;
	s0 =	simm.s32 @!p1 $0x0  }
0x14: {  	s2 =	sld [smem:$0x3F90];
	s0 =	simm.s32 @p1 $0x1  }
0x15: {  	[smem:$0x3FAD] =	sst s0;
	s0 =	simm.s32 @!p2 $0x0  }
0x16: {  	s3 =	sld [smem:$0x3FDB];
	s0 =	simm.s32 @p2 $0x1  }
0x17: {  	s4 =	simm.s32 $0x1BF5;
	[smem:$0x3FAF] =	sst s0  }
0x18: {  	s0 =	sld [smem:$0x3F92];
	_ =	swait.ge [sflag:s4], $0x0  }
0x19: {  	s7 =	sld [smem:$0x3F93]  }
0x1a: {  	s8 =	sadd.s32 $0xFFFFE003, lr  }
0x1b: {  	s9 =	sadd.s32 $0xFFFFFEF7, lr;
	s5 =	simm.s32 $0xFFFFFFFF;
	p2 =	slt.u32 s8, $0xFFFFF086  }
0x1c: {  	p1 =	slt.u32 s9, $0xF7A;
	s5 =	simm.s32 @!p2 $0x0  }
0x1d: {  	s5 =	simm.s32 @p1 $0x1;
	p0 =	seq.s32 s7, s2  }
0x1e: {  	s7 =	smul.u32 @!p0 $0xF7A, s2;
	p2 =	seq.s32 @!p0 s5, $0x0  }
0x1f: {  	s9 =	smul.u32 $0xF7A, s1;
	s8 =	simm.s32 @!p0 $0x1BF5;
	p2 =	por !p2, p0  }
0x20: {  	[sflag:s8] =	ssyncset.s32 @!p0 $0xFFFFF086;
	s6 =	sadd.s32 @!p0 s3, s7;
	s7 =	simm.s32 @!p0 $0x108  }
0x21: {  	s3 =	sadd.s32 s3, s9;
	s6 =	sadd.s32 @!p0 $0x88, s6;
	s7 =	simm.s32 @p2 $0x1082  }
0x22: {  	[simem:s7], [sflag:s8] =	dma.local @!p0 [hbm:s6], $0xF7A  }
0x23: {  	s9 =	sor.u32 $0xD0000000, s2;
	s6 =	simm.s32 $0x108;
	_ =	swait.ge @!p0 [sflag:s8], $0x0  }
0x24: {  	s3 =	sadd.s32 $0x88, s3;
	s6 =	simm.s32 @!p1 $0x1082;
	[sflag:s4] =	ssyncset.s32 $0xFFFFF086  }
0x25: {  	[simem:s6], [sflag:s4] =	dma.local [hbm:s3], $0xF7A  }
0x26: {  	[smem:$0x3F93] =	sst s1;
	(tag) =	ssettag s2;
	_ =	strace s9  }
0x27: {  	s1 =	sld [smem:$0x3FA3]  }
0x28: {  	s2 =	sld [smem:$0x3FA4]  }
0x29: {  	s4 =	sld [smem:$0x3FA6]  }
0x2a: {  	p0 =	seq.s32 s5, $0x0;
	s5 =	sld [smem:$0x3FA7]  }
0x2b: {  	s6 =	sld [smem:$0x3FA8]  }
0x2c: {  	s7 =	sld [smem:$0x3FA9]  }
0x2d: {  	s3 =	simm.s32 $0x108;
	s8 =	sld [smem:$0x3FAA]  }
0x2e: {  	s3 =	simm.s32 @!p0 $0x1082;
	s9 =	sld [smem:$0x3FAB]  }
0x2f: {  	lr =	sadd.s32 s0, s3;
	s0 =	sld [smem:$0x3FA2]  }
0x30: {  	s3 =	sld [smem:$0x3FA5]  }
0x31: {  	[smem:$0x3FAE] =	sst s10  }
0x32: {  	s10 =	sld [smem:$0x3FAC];
	_ =	sdelay $0x3  }
0x33: {  	p0 =	seq.s32 s10, $0x1;
	s10 =	sld [smem:$0x3FAE];
	_ =	sdelay $0x3  }
0x34: {  	[smem:$0x3FAE] =	sst s10  }
0x35: {  	s10 =	sld [smem:$0x3FAD];
	_ =	sdelay $0x3  }
0x36: {  	p1 =	seq.s32 s10, $0x1;
	s10 =	sld [smem:$0x3FAE];
	_ =	sdelay $0x3  }
0x37: {  	[smem:$0x3FAE] =	sst s10  }
0x38: {  	s10 =	sld [smem:$0x3FAF]  }
0x39: {  	_ = 	snop;
	(pc) =	sbr.ind lr, $3  }
0x3a: {  	_ = 	snop  }
0x3b: {  	_ = 	snop  }
0x3c: {  	p2 =	seq.s32 s10, $0x1;
	s10 =	sld [smem:$0x3FAE]  }
0x3d: {  	_ =	shalt  }
0x3e: {  	_ =	shalt  }
0x3f: {  	_ =	shalt  }
0x40: {  	_ =	shalt  }
0x41: {  	_ =	shalt  }
0x42: {  	_ =	shalt  }
0x43: {  	_ =	shalt  }
0x44: {  	_ =	shalt  }
0x45: {  	_ =	shalt  }
0x46: {  	_ =	shalt  }
0x47: {  	_ =	shalt  }
0x48: {  	_ =	shalt  }
0x49: {  	_ =	shalt  }
0x4a: {  	_ =	shalt  }
0x4b: {  	_ =	shalt  }
0x4c: {  	_ =	shalt  }
0x4d: {  	_ =	shalt  }
0x4e: {  	_ =	shalt  }
0x4f: {  	_ =	shalt  }
0x50: {  	_ =	shalt  }
0x51: {  	_ =	shalt  }
0x52: {  	_ =	shalt  }
0x53: {  	_ =	shalt  }
0x54: {  	_ =	shalt  }
0x55: {  	_ =	shalt  }
0x56: {  	_ =	shalt  }
0x57: {  	_ =	shalt  }
0x58: {  	_ =	shalt  }
0x59: {  	_ =	shalt  }
0x5a: {  	_ =	shalt  }
0x5b: {  	_ =	shalt  }
0x5c: {  	_ =	shalt  }
0x5d: {  	_ =	shalt  }
0x5e: {  	_ =	shalt  }
0x5f: {  	_ =	shalt  }
0x60: {  	_ =	shalt  }
0x61: {  	_ =	shalt  }
0x62: {  	_ =	shalt  }
0x63: {  	_ =	shalt  }
0x64: {  	_ =	shalt  }
0x65: {  	_ =	shalt  }
0x66: {  	_ =	shalt  }
0x67: {  	_ =	shalt  }
0x68: {  	_ =	shalt  }
0x69: {  	_ =	shalt  }
0x6a: {  	_ =	shalt  }
0x6b: {  	_ =	shalt  }
0x6c: {  	_ =	shalt  }
0x6d: {  	_ =	shalt  }
0x6e: {  	_ =	shalt  }
0x6f: {  	_ =	shalt  }
0x70: {  	_ =	shalt  }
0x71: {  	_ =	shalt  }
0x72: {  	_ =	shalt  }
0x73: {  	_ =	shalt  }
0x74: {  	_ =	shalt  }
0x75: {  	_ =	shalt  }
0x76: {  	_ =	shalt  }
0x77: {  	_ =	shalt  }
0x78: {  	_ =	shalt  }
0x79: {  	_ =	shalt  }
0x7a: {  	_ =	shalt  }
0x7b: {  	_ =	shalt  }
0x7c: {  	_ =	shalt  }
0x7d: {  	_ =	shalt  }
0x7e: {  	_ =	shalt  }
0x7f: {  	_ =	shalt  }
0x80: {  	_ =	shalt  }
0x81: {  	_ =	shalt  }
0x82: {  	_ =	shalt  }
0x83: {  	_ =	shalt  }
0x84: {  	_ =	shalt  }
0x85: {  	_ =	shalt  }
0x86: {  	_ =	shalt  }
0x87: {  	_ =	shalt  }
.Lfunc_end0:
.L_simem_size_0:
called_computation.1_lowered:
.L_overlay_start_0:
0x88: {  	s2 =	sld [smem:$0x3FD9]  }
0x89: {  	s3 =	sld [smem:$0x3FFE];
	_ =	sdelay $0x1  }
0x8a: {  	s1 =	srdreg.scid  }
0x8b: {  	s0 =	sand.u32 $0x1, s1  }
0x8c: {  	s15 =	sshll.u32 s0, $0xA;
	s2 =	sadd.s32 s3, s2  }
0x8d: {  	s2 =	sadd.s32 s2, s15  }
0x8e: {  	[smem:$0x3FBA] =	sst s2  }
0x8f: {  	_ = 	snop  }
0x90: {  	(tm) =	ssettm $0x1  }
0x91: {  	s16 =	sld [smem:$0x3FFB];
	_ =	sdelay $0x3  }
0x92: {  	_ =	strace s16  }
0x93: {  	s2 =	sld [smem:$0x3FFC];
	_ =	sdelay $0x3  }
0x94: {  	_ =	strace s2  }
0x95: {  	s2 =	sld [smem:$0x3FFD];
	_ =	sdelay $0x3  }
0x96: {  	_ =	strace s2  }
0x97: {  	_ =	strace $0x8FFFFFFF  }
0x98: {  	s17 =	sld [smem:$0x3FDB];
	_ =	sdelay $0x1  }
0x99: {  	s18 =	simm.s32 $_scs_section_size  }
0x9a: {  	s4 =	simm.s32 $_size__tile_overlayer_lowered;
	s5 =	simm.s32 $_tile_overlayer_lowered  }
0x9b: {  	s6 =	simm.s32 $0x1BFF;
	s19 =	sshll.u32 s5, $0x1;
	s3 =	sadd.s32 s18, s17  }
0x9c: {  	s20 =	simm.s32 $0x0;
	s4 =	sshll.u32 s4, $0x1;
	s5 =	sadd.s32 s19, s3  }
0x9d: {  	[timem:s20], [sflag:s6] =	dma.local [hbm:s5], s4  }
0x9e: {  	_ =	swait.ge [sflag:s6], s4  }
0x9f: {  	s4 =	ssub.s32 $0x0, s4;
	[sflag:s6] =	ssyncset.done $0x0  }
0xa0: {  	[sflag:s6] =	ssyncadd.s32 s4;
	_ =	sdelay $0x1  }
0xa1: {  	s21 =	simm.s32 $0x1B8B  }
0xa2: {  	_ =	swait.ge [sflag:s21], $0x1  }
0xa3: {  	[sflag:s21] =	ssyncset.done $0x0  }
0xa4: {  	s22 =	sld [smem:$0x3FFE];
	[sflag:s21] =	ssyncadd.s32 $0xFFFFFFFF  }
0xa5: {  	s24 =	simm.s32 $0x1B8E;
	s23 =	sld [smem:$0x0]  }
0xa6: {  	s25 =	simm.s32 $execute0_lowered;
	[smem:$0x3FD2] =	sst s24  }
0xa7: {  	s6 =	sshll.u32 s25, $0x1;
	_ =	strace $0x80000049;
	[dreg:$0x1] =	wrdreg $0xFFFFFFFF  }
0xa8: {  	s7 =	simm.s32 $_size_execute0_lowered;
	s6 =	sadd.s32 s3, s6;
	[dreg:$0x0] =	wrdreg $0x0  }
0xa9: {  	s7 =	sshll.u32 s7, $0x1;
	[dreg:$0x2] =	wrdreg s6  }
0xaa: {  	[dreg:$0x3] =	wrdreg s7  }
0xab: {  	[dreg:$0x4] =	wrdreg $0xC0  }
0xac: {  	s26 =	simm.s32 $execute1_lowered;
	_ =	task [dreg:s20], $0x5FFFF  }
0xad: {  	s6 =	sshll.u32 s26, $0x1;
	[dreg:$0x1] =	wrdreg $0xFFFFFFFF  }
0xae: {  	s3 =	sadd.s32 s3, s6;
	[dreg:$0x0] =	wrdreg $0x60  }
0xaf: {  	[dreg:$0x2] =	wrdreg s3  }
0xb0: {  	[dreg:$0x3] =	wrdreg s22  }
0xb1: {  	[dreg:$0x4] =	wrdreg $0xB  }
0xb2: {  	_ =	task.clear_ibuf [dreg:s20], $0x5FFFF;
	_ =	strace $0x90000049  }
0xb3: {  	s28 =	simm.s32 $0xB;
	_ =	strace $0x8000004B  }
0xb4: {  	_ =	swait.ge [sflag:s28], $0x1  }
0xb5: {  	[sflag:s28] =	ssyncadd.s32 $0xFFFFFFFF  }
0xb6: {  	_ =	strace $0x9000004B  }
0xb7: {  	s3 =	sld [smem:$0x0]  }
0xb8: {  	s6 =	sand.u32 $0xFFFFFFFE, s1  }
0xb9: {  	p0 =	sne.s32 s1, s6  }
0xba: {  	s6 =	sshll.u32 @p0 s6, $0xE  }
0xbb: {  	s6 =	sadd.s32 @p0 $0x11BF3, s6;
	s7 =	sshll.u32 @p0 s3, $0x11  }
0xbc: {  	s6 =	sor.u32 @p0 s7, s6  }
0xbd: {  	[sflag:s6] =	ssyncadd.remote.s32 @p0 $0x1;
	_ =	sdelay $0x1  }
0xbe: {  	s6 =	simm.s32 @p0 $0x1BF3  }
0xbf: {  	_ =	swait.eq @p0 [sflag:s6], $0x1  }
0xc0: {  	[sflag:s6] =	ssyncadd.s32 @p0 $0xFFFFFFFF  }
0xc1: {  	s7 =	sshll.u32 @!p0 s1, $0xE  }
0xc2: {  	s7 =	sor.u32 @!p0 $0x4000, s7;
	s6 =	simm.s32 @!p0 $0x1BF3  }
0xc3: {  	s3 =	sshll.u32 @!p0 s3, $0x11;
	s7 =	sadd.s32 @!p0 $0x11BF3, s7;
	_ =	swait.eq @!p0 [sflag:s6], $0x1  }
0xc4: {  	s3 =	sor.u32 @!p0 s3, s7;
	[sflag:s6] =	ssyncadd.s32 @!p0 $0xFFFFFFFF  }
0xc5: {  	[sflag:s3] =	ssyncadd.remote.s32 @!p0 $0x1  }
0xc6: {  	_ =	strace $0x8000004C;
	[dreg:$0x1] =	wrdreg $0xFFFFFFFF  }
0xc7: {  	[dreg:$0x0] =	wrdreg $0x2030  }
0xc8: {  	[dreg:$0x2] =	wrdreg s22  }
0xc9: {  	[dreg:$0x3] =	wrdreg s1  }
0xca: {  	[dreg:$0x4] =	wrdreg s23  }
0xcb: {  	[dreg:$0x5] =	wrdreg $0xC  }
0xcc: {  	_ =	task.clear_ibuf [dreg:s20], $0x6FFFF;
	_ =	strace $0x9000004C  }
0xcd: {  	s29 =	simm.s32 $0xC;
	_ =	strace $0x8000004E  }
0xce: {  	_ =	swait.ge [sflag:s29], $0x1  }
0xcf: {  	[sflag:s29] =	ssyncadd.s32 $0xFFFFFFFF  }
0xd0: {  	_ =	strace $0x9000004E  }
0xd1: {  	_ =	sfence  }
0xd2: {  	s30 =	sld [smem:$0x0];
	_ =	sdelay $0x2  }
0xd3: {  	s31 =	sshll.u32 s1, $0xD;
	s1 =	sshrl.u32 s1, $0x2  }
0xd4: {  	s4 =	sand.u32 $0x4000, s31;
	s1 =	sadd.s32 s1, s30  }
0xd5: {  	s0 =	sor.u32 s4, s0;
	s1 =	sshll.u32 s1, $0x11  }
0xd6: {  	s0 =	sor.u32 s1, s0  }
0xd7: {  	s0 =	sadd.s32 $0x8F2B, s0  }
0xd8: {  	[sflag:s0] =	ssyncadd.remote.s32 $0x1  }
0xd9: {  	_ =	sfence.sel $0xFFFF  }
0xda: {  	[dreg:$0x0] =	wrdreg $0xFFFFFFFF;
	(pc) =	sbr.abs _section_cstart, $3  }
0xdb: {  	[dreg:$0x1] =	wrdreg $0xFFFFFFFF  }
0xdc: {  	_ =	task.clear_ibuf [dreg:s20], $0x2FFFF;
	_ =	strace $0x9FFFFFFF  }
0xdd: {  	(tm) =	ssettm $0x7FFFFFFF  }
tec
execute0_lowered:
.L_overlay_start_1:
0x0: {  	(tag) =	ssettag $0x1  }
0x1: {  	s2 =	rddreg [dreg:$0x0]  }
0x2: {  	s7 =	rddreg [dreg:$0x1]  }
0x3: {  	s0 =	rddreg [dreg:$0x2]  }
0x4: {  	s3 =	stileid.u32;
	[bflag:$0x3] =	sbarrier.arrive $0xFFFF;
	s1 =	simm.s32 $_size_execute1_lowered  }
0x5: {  	s29 =	srdreg.scid;
	s9 =	simm.s32 $0x2;
	p0 =	sne.s32 s3, $0x0  }
0x6: {  	s1 =	sshll.u32 s1, $0x1;
	s4 =	simm.s32 @!p0 $0x1C3F;
	s5 =	simm.s32 @!p0 $0x4060  }
0x7: {  	[timem:s5], [sflag:s4] =	dma.local @!p0 [hbm:s2], s1  }
0x8: {  	s13 =	simm.s32 $0x0;
	s10 =	simm.s32 $0x80;
	s2 =	sshll.u32 s29, $0x9  }
0x9: {  	s12 =	simm.s32 $0x0;
	s3 =	sshll.u32 s3, $0xA;
	s2 =	sand.u32 $0x200, s2  }
0xa: {  	s11 =	simm.s32 $0x0;
	_ =	strace $0x8000004A;
	s2 =	sor.u32 s3, s2  }
0xb: {  	s3 =	sshll.u32 s2, $0x4;
	p1 =	slt.u32 s2, $0x2710;
	s31 =	smax.u32 s2, $0x2510  }
0xc: {  	s5 =	ssub.s32 $0x2710, s2;
	s4 =	sadd.s32 $0xFFFD8F00, s3;
	s6 =	sshll.u32 s31, $0x7  }
0xd: {  	s4 =	smov.u32 @p1 s3;
	s3 =	simm.s32 $0x1;
	p1 =	sgt.s32 s5, $0x0  }
0xe: {  	s6 =	ssub.s32 $0x138800, s6;
	s8 =	sadd.s32 s4, s7;
	[sflag:s3] =	ssyncpa.u1 $0x0  }
.Ltmp0:
0xf: {  	s5 =	simm.s32 @!p1 $0x0;
	s4 =	simm.s32 $0x1;
	(pc) =	sbr.rel .LBB2_1-.Ltmp0, $4  }
0x10: {  	s6 =	sshrl.u32 s6, $0x2;
	s7 =	sadd.s32 $0x29200, s7;
	s30 =	sand.u32 $0x3F10, s5  }
0x11: {  	s5 =	simm.s32 $0x3;
	[sflag:s9] =	ssyncpa.u1 $0x0;
	p1 =	sne.s32 s30, $0x0  }
0x12: {  	s4 =	simm.s32 @!p1 $0x0;
	s5 =	simm.s32 @!p1 $0x2;
	p1 =	sgt.u32 s2, $0x270F  }
0x13: {  	s8 =	sadd.s32 $0x2000, s8;
	s9 =	simm.s32 $0x20;
	s6 =	simm.s32 @p1 $0x0  }
.LBB2_5:
0x14: {  	_ =	sdelay $0x3  }
0x15: {  	[tilespmem:v1+s16+$0x0 ss:$0x1] =	vst.idx.msk $0xffff, v2  }
.LBB2_6:
0x16: {  	s16 =	smulhi.u32 $0xD1B71759, s12;
	_ =	sdelay $0x1  }
0x17: {  	s16 =	sshrl.u32 s16, $0xD  }
0x18: {  	s16 =	smul.u32 $0x2710, s16;
	_ =	sdelay $0x1  }
0x19: {  	s16 =	ssub.s32 s12, s16  }
0x1a: {  	s16 =	sshll.u32 s16, $0x4  }
0x1b: {  	s16 =	sadd.s32 s7, s16  }
0x1c: {  	[hbm4b:s16+s9] =	stream.strided.scatter [tilespmem:s15], [sflag:$0x2], s14, s10, s9, $0x38;
	[tilespmem:$0x10000] =	vst v63  }
.LBB2_7:
0x1d: {  	p1 =	slt.u32 s11, $0x2  }
0x1e: {  	p2 =	sgt.s32 @!p1 s13, $0x2510  }
0x1f: {  	p2 =	por !p2, p1  }
0x20: {  	p3 =	sgt.s32 @!p1 s13, $0x270F;
	s13 =	simm.s32 @p2 $0x2510  }
0x21: {  	s13 =	sshll.u32 @!p1 s13, $0x7  }
0x22: {  	s13 =	ssub.s32 @!p1 $0x138800, s13  }
0x23: {  	s11 =	sadd.s32 $0x1, s11;
	p2 =	por !p3, p1;
	s13 =	sshrl.u32 @!p1 s13, $0x2  }
0x24: {  	s13 =	simm.s32 @!p2 $0x0;
	p2 =	sne.s32 s11, s5  }
.Ltmp1:
0x25: {  	_ = 	snop;
	(pc) =	sbr.rel @!p2 .LBB2_8-.Ltmp1, $4  }
0x26: {  	s14 =	simm.s32 @!p1 $0x2  }
0x27: {  	_ =	swait.ge @!p1 [sflag:s14], s13  }
0x28: {  	s15 =	ssub.s32 @!p1 $0x0, s13;
	[sflag:s14] =	ssyncset.done @!p1 $0x0  }
0x29: {  	s13 =	smov.u32 s12;
	s12 =	smov.u32 s2;
	[sflag:s14] =	ssyncadd.s32 @!p1 s15  }
.LBB2_1:
0x2a: {  	p1 =	sge.u32 s11, s4;
	s31 =	sadd.s32 $0xFFFFFFFF, s11  }
0x2b: {  	s14 =	simm.s32 @!p1 $0x20;
	s15 =	simm.s32 @!p1 $0x80;
	s16 =	simm.s32 @!p1 $0x4000  }
0x2c: {  	[tilespmem:s16], [sflag:$0x1] =	stream.strided.gather @!p1 [hbm4b:s8+s14], s6, s15, s14, $0x38;
	[tilespmem:$0x10000] =	vst v63  }
0x2d: {  	p1 =	sge.u32 s31, s4  }
.Ltmp2:
0x2e: {  	_ = 	snop;
	(pc) =	sbr.rel @p1 .LBB2_7-.Ltmp2, $1  }
0x2f: {  	_ =	sdelay $0x3  }
0x30: {  	p1 =	sgt.s32 s12, $0x2510;
	s14 =	smov.u32 s12  }
0x31: {  	s14 =	simm.s32 @!p1 $0x2510  }
0x32: {  	s14 =	sshll.u32 s14, $0x7  }
0x33: {  	s14 =	ssub.s32 $0x138800, s14  }
0x34: {  	p1 =	sgt.u32 s12, $0x270F;
	s14 =	sshrl.u32 s14, $0x2  }
0x35: {  	s15 =	smov.u32 s12;
	s14 =	simm.s32 @p1 $0x0;
	p1 =	slt.s32 s12, $0x2510  }
0x36: {  	s15 =	simm.s32 @!p1 $0x2510  }
0x37: {  	s16 =	ssub.s32 s15, s12  }
0x38: {  	p1 =	slt.s32 s16, $0xFFFFFE01  }
.Ltmp3:
0x39: {  	_ = 	snop;
	(pc) =	sbr.rel @p1 .LBB2_6-.Ltmp3, $4  }
0x3a: {  	_ = 	snop  }
0x3b: {  	s17 =	sshll.u32 s11, $0xE;
	_ =	swait.ge [sflag:s3], s14  }
0x3c: {  	s17 =	sand.u32 $0x4000, s17;
	s18 =	ssub.s32 $0x0, s14;
	[sflag:s3] =	ssyncset.done $0x0  }
0x3d: {  	s15 =	sor.u32 $0x8000, s17;
	[sflag:s3] =	ssyncadd.s32 s18  }
0x3e: {  	v0 =	vmov s17;
	_ =	sdelay $0x1  }
0x3f: {  	s30 =	sadd.s32 $0x200, s16  }
0x40: {  	s31 =	simm.s32 $0x0;
	p1 =	sne.s32 s30, $0x1  }
.Ltmp4:
0x41: {  	s16 =	sand.u32 $0x3FE0, s31;
	(pc) =	sbr.rel @!p1 .LBB2_5-.Ltmp4, $2  }
0x42: {  	v1 =	vmov s15;
	v2 =	vld.idx.msk [tilespmem:v0+s16+$0x0 ss:$0x1], $0xffff;
	_ =	sdelay $0x2  }
0x43: {  	s18 =	simm.s32 $0x20;
	s17 =	sadd.s32 $0xFFFFFFFF, s30  }
.LBB2_4:
0x44: {  	s19 =	sand.u32 $0x3FE0, s18;
	p1 =	sne.s32 s17, $0x1;
	s17 =	sadd.s32 $0xFFFFFFFF, s17  }
.Ltmp5:
0x45: {  	[tilespmem:v1+s16+$0x0 ss:$0x1] =	vst.idx.msk $0xffff, v2;
	v2 =	vld.idx.msk [tilespmem:v0+s19+$0x0 ss:$0x1], $0xffff;
	s16 =	smov.u32 s19;
	(pc) =	sbr.rel @p1 .LBB2_4-.Ltmp5, $2  }
0x46: {  	_ =	sdelay $0x2  }
0x47: {  	s18 =	sadd.s32 $0x20, s18  }
.Ltmp6:
0x48: {  	_ = 	snop;
	(pc) =	sbr.rel .LBB2_5-.Ltmp6, $1  }
0x49: {  	_ =	sdelay $0x3  }
.LBB2_8:
0x4a: {  	_ =	sfence.sel $0x180000  }
0x4b: {  	s2 =	simm.s32 $0x1;
	[bflag:$0x0] =	sbarrier.arrive $0xFFFF  }
0x4c: {  	s31 =	simm.s32 $0x2;
	[sflag:s2] =	ssyncpa.u1 $0x1  }
0x4d: {  	[sflag:s31] =	ssyncpa.u1 $0x1  }
0x4e: {  	_ =	strace $0x9000004A  }
0x4f: {  	s0 =	sadd.s32 @!p0 $0x100000, s0;
	[bflag:$0x2] =	sbarrier.arrive $0xFFFF  }
0x50: {  	[sflag:s0] =	ssyncadd.tile.s32 @!p0 $0x1;
	s0 =	simm.s32 @!p0 $0x3F  }
0x51: {  	_ =	swait.ge @!p0 [sflag:s0], s1  }
0x52: {  	s1 =	ssub.s32 @!p0 $0x0, s1;
	[sflag:s0] =	ssyncset.done @!p0 $0x0  }
0x53: {  	[sflag:s0] =	ssyncadd.s32 @!p0 s1  }
0x54: {  	[bflag:$0x3] =	sbarrier.arrive $0xFFFF  }
0x55: {  	_ =	shalt  }
.Lfunc_end2:
execute1_lowered:
.L_overlay_start_2:
0x56: {  	(tag) =	ssettag $0x2  }
0x57: {  	s11 =	rddreg [dreg:$0x0]  }
0x58: {  	s2 =	rddreg [dreg:$0x1];
	_ =	strace $0x8000004D;
	s12 =	simm.s32 $0x1  }
0x59: {  	v0 =	vimm.s32 $0x0;
	[sflag:s12] =	ssyncpa.u1 $0x0  }
0x5a: {  	[tilespmem:$0x28] =	vst v0  }
0x5b: {  	[tilespmem:$0x38] =	vst v0  }
0x5c: {  	[tilespmem:$0x48] =	vst v0  }
0x5d: {  	[tilespmem:$0x58] =	vst v0  }
0x5e: {  	[tilespmem:$0x68] =	vst v0  }
0x5f: {  	[tilespmem:$0x78] =	vst v0  }
0x60: {  	[tilespmem:$0x88] =	vst v0  }
0x61: {  	[tilespmem:$0x98] =	vst v0  }
0x62: {  	[tilespmem:$0xA8] =	vst v0  }
0x63: {  	[tilespmem:$0xB8] =	vst v0  }
0x64: {  	[tilespmem:$0xC8] =	vst v0  }
0x65: {  	[tilespmem:$0xD8] =	vst v0  }
0x66: {  	[tilespmem:$0xE8] =	vst v0  }
0x67: {  	[tilespmem:$0xF8] =	vst v0  }
0x68: {  	[tilespmem:$0x108] =	vst v0  }
0x69: {  	[tilespmem:$0x118] =	vst v0  }
0x6a: {  	[tilespmem:$0x128] =	vst v0  }
0x6b: {  	[tilespmem:$0x138] =	vst v0  }
0x6c: {  	[tilespmem:$0x148] =	vst v0  }
0x6d: {  	[tilespmem:$0x158] =	vst v0  }
0x6e: {  	[tilespmem:$0x168] =	vst v0  }
0x6f: {  	[tilespmem:$0x178] =	vst v0  }
0x70: {  	[tilespmem:$0x188] =	vst v0  }
0x71: {  	[tilespmem:$0x198] =	vst v0  }
0x72: {  	[tilespmem:$0x1A8] =	vst v0  }
0x73: {  	[tilespmem:$0x1B8] =	vst v0  }
0x74: {  	[tilespmem:$0x1C8] =	vst v0  }
0x75: {  	[tilespmem:$0x1D8] =	vst v0  }
0x76: {  	[tilespmem:$0x1E8] =	vst v0  }
0x77: {  	[tilespmem:$0x1F8] =	vst v0  }
0x78: {  	[tilespmem:$0x208] =	vst v0  }
0x79: {  	[tilespmem:$0x218] =	vst v0  }
0x7a: {  	[tilespmem:$0x228] =	vst v0  }
0x7b: {  	[tilespmem:$0x238] =	vst v0  }
0x7c: {  	[tilespmem:$0x248] =	vst v0  }
0x7d: {  	[tilespmem:$0x258] =	vst v0  }
0x7e: {  	[tilespmem:$0x268] =	vst v0  }
0x7f: {  	[tilespmem:$0x278] =	vst v0  }
0x80: {  	[tilespmem:$0x288] =	vst v0  }
0x81: {  	[tilespmem:$0x298] =	vst v0  }
0x82: {  	[tilespmem:$0x2A8] =	vst v0  }
0x83: {  	[tilespmem:$0x2B8] =	vst v0  }
0x84: {  	[tilespmem:$0x2C8] =	vst v0  }
0x85: {  	[tilespmem:$0x2D8] =	vst v0  }
0x86: {  	[tilespmem:$0x2E8] =	vst v0  }
0x87: {  	[tilespmem:$0x2F8] =	vst v0  }
0x88: {  	[tilespmem:$0x308] =	vst v0  }
0x89: {  	[tilespmem:$0x318] =	vst v0  }
0x8a: {  	[tilespmem:$0x328] =	vst v0  }
0x8b: {  	[tilespmem:$0x338] =	vst v0  }
0x8c: {  	[tilespmem:$0x348] =	vst v0  }
0x8d: {  	[tilespmem:$0x358] =	vst v0  }
0x8e: {  	[tilespmem:$0x368] =	vst v0  }
0x8f: {  	[tilespmem:$0x378] =	vst v0  }
0x90: {  	[tilespmem:$0x388] =	vst v0  }
0x91: {  	[tilespmem:$0x398] =	vst v0  }
0x92: {  	[tilespmem:$0x3A8] =	vst v0  }
0x93: {  	[tilespmem:$0x3B8] =	vst v0  }
0x94: {  	[tilespmem:$0x3C8] =	vst v0  }
0x95: {  	[tilespmem:$0x3D8] =	vst v0  }
0x96: {  	[tilespmem:$0x3E8] =	vst v0  }
0x97: {  	[tilespmem:$0x3F8] =	vst v0  }
0x98: {  	[tilespmem:$0x408] =	vst v0  }
0x99: {  	[tilespmem:$0x418] =	vst v0  }
0x9a: {  	[tilespmem:$0x428] =	vst v0  }
0x9b: {  	[tilespmem:$0x438] =	vst v0  }
0x9c: {  	[tilespmem:$0x448] =	vst v0  }
0x9d: {  	[tilespmem:$0x458] =	vst v0  }
0x9e: {  	[tilespmem:$0x468] =	vst v0  }
0x9f: {  	[tilespmem:$0x478] =	vst v0  }
0xa0: {  	[tilespmem:$0x488] =	vst v0  }
0xa1: {  	[tilespmem:$0x498] =	vst v0  }
0xa2: {  	[tilespmem:$0x4A8] =	vst v0  }
0xa3: {  	[tilespmem:$0x4B8] =	vst v0  }
0xa4: {  	[tilespmem:$0x4C8] =	vst v0  }
0xa5: {  	[tilespmem:$0x4D8] =	vst v0  }
0xa6: {  	[tilespmem:$0x4E8] =	vst v0  }
0xa7: {  	[tilespmem:$0x4F8] =	vst v0  }
0xa8: {  	[tilespmem:$0x508] =	vst v0  }
0xa9: {  	[tilespmem:$0x518] =	vst v0  }
0xaa: {  	[tilespmem:$0x528] =	vst v0  }
0xab: {  	[tilespmem:$0x538] =	vst v0  }
0xac: {  	[tilespmem:$0x548] =	vst v0  }
0xad: {  	[tilespmem:$0x558] =	vst v0  }
0xae: {  	[tilespmem:$0x568] =	vst v0  }
0xaf: {  	[tilespmem:$0x578] =	vst v0  }
0xb0: {  	[tilespmem:$0x588] =	vst v0  }
0xb1: {  	[tilespmem:$0x598] =	vst v0  }
0xb2: {  	[tilespmem:$0x5A8] =	vst v0  }
0xb3: {  	[tilespmem:$0x5B8] =	vst v0  }
0xb4: {  	[tilespmem:$0x5C8] =	vst v0  }
0xb5: {  	[tilespmem:$0x5D8] =	vst v0  }
0xb6: {  	[tilespmem:$0x5E8] =	vst v0  }
0xb7: {  	[tilespmem:$0x5F8] =	vst v0  }
0xb8: {  	[tilespmem:$0x608] =	vst v0  }
0xb9: {  	[tilespmem:$0x618] =	vst v0  }
0xba: {  	[tilespmem:$0x628] =	vst v0  }
0xbb: {  	[tilespmem:$0x638] =	vst v0  }
0xbc: {  	[tilespmem:$0x648] =	vst v0  }
0xbd: {  	[tilespmem:$0x658] =	vst v0  }
0xbe: {  	[tilespmem:$0x668] =	vst v0  }
0xbf: {  	[tilespmem:$0x678] =	vst v0  }
0xc0: {  	[tilespmem:$0x688] =	vst v0  }
0xc1: {  	[tilespmem:$0x698] =	vst v0  }
0xc2: {  	[tilespmem:$0x6A8] =	vst v0  }
0xc3: {  	[tilespmem:$0x6B8] =	vst v0  }
0xc4: {  	[tilespmem:$0x6C8] =	vst v0  }
0xc5: {  	[tilespmem:$0x6D8] =	vst v0  }
0xc6: {  	[tilespmem:$0x6E8] =	vst v0  }
0xc7: {  	[tilespmem:$0x6F8] =	vst v0  }
0xc8: {  	[tilespmem:$0x708] =	vst v0  }
0xc9: {  	[tilespmem:$0x718] =	vst v0  }
0xca: {  	[tilespmem:$0x728] =	vst v0  }
0xcb: {  	[tilespmem:$0x738] =	vst v0  }
0xcc: {  	[tilespmem:$0x748] =	vst v0  }
0xcd: {  	[tilespmem:$0x758] =	vst v0  }
0xce: {  	[tilespmem:$0x768] =	vst v0  }
0xcf: {  	[tilespmem:$0x778] =	vst v0  }
0xd0: {  	[tilespmem:$0x788] =	vst v0  }
0xd1: {  	[tilespmem:$0x798] =	vst v0  }
0xd2: {  	[tilespmem:$0x7A8] =	vst v0  }
0xd3: {  	[tilespmem:$0x7B8] =	vst v0  }
0xd4: {  	[tilespmem:$0x7C8] =	vst v0  }
0xd5: {  	[tilespmem:$0x7D8] =	vst v0  }
0xd6: {  	[tilespmem:$0x7E8] =	vst v0  }
0xd7: {  	[tilespmem:$0x7F8] =	vst v0  }
0xd8: {  	[tilespmem:$0x808] =	vst v0  }
0xd9: {  	[tilespmem:$0x818] =	vst v0  }
0xda: {  	[tilespmem:$0x828] =	vst v0  }
0xdb: {  	[tilespmem:$0x838] =	vst v0  }
0xdc: {  	[tilespmem:$0x848] =	vst v0  }
0xdd: {  	[tilespmem:$0x858] =	vst v0  }
0xde: {  	[tilespmem:$0x868] =	vst v0  }
0xdf: {  	[tilespmem:$0x878] =	vst v0  }
0xe0: {  	[tilespmem:$0x888] =	vst v0  }
0xe1: {  	[tilespmem:$0x898] =	vst v0  }
0xe2: {  	[tilespmem:$0x8A8] =	vst v0  }
0xe3: {  	[tilespmem:$0x8B8] =	vst v0  }
0xe4: {  	[tilespmem:$0x8C8] =	vst v0  }
0xe5: {  	[tilespmem:$0x8D8] =	vst v0  }
0xe6: {  	[tilespmem:$0x8E8] =	vst v0  }
0xe7: {  	[tilespmem:$0x8F8] =	vst v0  }
0xe8: {  	[tilespmem:$0x908] =	vst v0  }
0xe9: {  	[tilespmem:$0x918] =	vst v0  }
0xea: {  	[tilespmem:$0x928] =	vst v0  }
0xeb: {  	[tilespmem:$0x938] =	vst v0  }
0xec: {  	[tilespmem:$0x948] =	vst v0  }
0xed: {  	[tilespmem:$0x958] =	vst v0  }
0xee: {  	[tilespmem:$0x968] =	vst v0  }
0xef: {  	[tilespmem:$0x978] =	vst v0  }
0xf0: {  	[tilespmem:$0x988] =	vst v0  }
0xf1: {  	[tilespmem:$0x998] =	vst v0  }
0xf2: {  	[tilespmem:$0x9A8] =	vst v0  }
0xf3: {  	[tilespmem:$0x9B8] =	vst v0  }
0xf4: {  	[tilespmem:$0x9C8] =	vst v0  }
0xf5: {  	[tilespmem:$0x9D8] =	vst v0  }
0xf6: {  	[tilespmem:$0x9E8] =	vst v0  }
0xf7: {  	[tilespmem:$0x9F8] =	vst v0  }
0xf8: {  	[tilespmem:$0xA08] =	vst v0  }
0xf9: {  	[tilespmem:$0xA18] =	vst v0  }
0xfa: {  	[tilespmem:$0xA28] =	vst v0  }
0xfb: {  	[tilespmem:$0xA38] =	vst v0  }
0xfc: {  	[tilespmem:$0xA48] =	vst v0  }
0xfd: {  	[tilespmem:$0xA58] =	vst v0  }
0xfe: {  	[tilespmem:$0xA68] =	vst v0  }
0xff: {  	[tilespmem:$0xA78] =	vst v0  }
0x100: {  	[tilespmem:$0xA88] =	vst v0  }
0x101: {  	[tilespmem:$0xA98] =	vst v0  }
0x102: {  	[tilespmem:$0xAA8] =	vst v0  }
0x103: {  	[tilespmem:$0xAB8] =	vst v0  }
0x104: {  	[tilespmem:$0xAC8] =	vst v0  }
0x105: {  	[tilespmem:$0xAD8] =	vst v0  }
0x106: {  	[tilespmem:$0xAE8] =	vst v0  }
0x107: {  	[tilespmem:$0xAF8] =	vst v0  }
0x108: {  	[tilespmem:$0xB08] =	vst v0  }
0x109: {  	[tilespmem:$0xB18] =	vst v0  }
0x10a: {  	[tilespmem:$0xB28] =	vst v0  }
0x10b: {  	[tilespmem:$0xB38] =	vst v0  }
0x10c: {  	[tilespmem:$0xB48] =	vst v0  }
0x10d: {  	[tilespmem:$0xB58] =	vst v0  }
0x10e: {  	[tilespmem:$0xB68] =	vst v0  }
0x10f: {  	[tilespmem:$0xB78] =	vst v0  }
0x110: {  	[tilespmem:$0xB88] =	vst v0  }
0x111: {  	[tilespmem:$0xB98] =	vst v0  }
0x112: {  	[tilespmem:$0xBA8] =	vst v0  }
0x113: {  	[tilespmem:$0xBB8] =	vst v0  }
0x114: {  	[tilespmem:$0xBC8] =	vst v0  }
0x115: {  	[tilespmem:$0xBD8] =	vst v0  }
0x116: {  	[tilespmem:$0xBE8] =	vst v0  }
0x117: {  	[tilespmem:$0xBF8] =	vst v0  }
0x118: {  	[tilespmem:$0xC08] =	vst v0  }
0x119: {  	[tilespmem:$0xC18] =	vst v0  }
0x11a: {  	[tilespmem:$0xC28] =	vst v0  }
0x11b: {  	[tilespmem:$0xC38] =	vst v0  }
0x11c: {  	[tilespmem:$0xC48] =	vst v0  }
0x11d: {  	[tilespmem:$0xC58] =	vst v0  }
0x11e: {  	[tilespmem:$0xC68] =	vst v0  }
0x11f: {  	[tilespmem:$0xC78] =	vst v0  }
0x120: {  	[tilespmem:$0xC88] =	vst v0  }
0x121: {  	[tilespmem:$0xC98] =	vst v0  }
0x122: {  	[tilespmem:$0xCA8] =	vst v0  }
0x123: {  	[tilespmem:$0xCB8] =	vst v0  }
0x124: {  	[tilespmem:$0xCC8] =	vst v0  }
0x125: {  	[tilespmem:$0xCD8] =	vst v0  }
0x126: {  	[tilespmem:$0xCE8] =	vst v0  }
0x127: {  	[tilespmem:$0xCF8] =	vst v0  }
0x128: {  	[tilespmem:$0xD08] =	vst v0  }
0x129: {  	[tilespmem:$0xD18] =	vst v0  }
0x12a: {  	[tilespmem:$0xD28] =	vst v0  }
0x12b: {  	[tilespmem:$0xD38] =	vst v0  }
0x12c: {  	[tilespmem:$0xD48] =	vst v0  }
0x12d: {  	[tilespmem:$0xD58] =	vst v0  }
0x12e: {  	[tilespmem:$0xD68] =	vst v0  }
0x12f: {  	[tilespmem:$0xD78] =	vst v0  }
0x130: {  	[tilespmem:$0xD88] =	vst v0  }
0x131: {  	[tilespmem:$0xD98] =	vst v0  }
0x132: {  	[tilespmem:$0xDA8] =	vst v0  }
0x133: {  	[tilespmem:$0xDB8] =	vst v0  }
0x134: {  	[tilespmem:$0xDC8] =	vst v0  }
0x135: {  	[tilespmem:$0xDD8] =	vst v0  }
0x136: {  	[tilespmem:$0xDE8] =	vst v0  }
0x137: {  	[tilespmem:$0xDF8] =	vst v0  }
0x138: {  	[tilespmem:$0xE08] =	vst v0  }
0x139: {  	[tilespmem:$0xE18] =	vst v0  }
0x13a: {  	[tilespmem:$0xE28] =	vst v0  }
0x13b: {  	[tilespmem:$0xE38] =	vst v0  }
0x13c: {  	[tilespmem:$0xE48] =	vst v0  }
0x13d: {  	[tilespmem:$0xE58] =	vst v0  }
0x13e: {  	[tilespmem:$0xE68] =	vst v0  }
0x13f: {  	[tilespmem:$0xE78] =	vst v0  }
0x140: {  	[tilespmem:$0xE88] =	vst v0  }
0x141: {  	[tilespmem:$0xE98] =	vst v0  }
0x142: {  	[tilespmem:$0xEA8] =	vst v0  }
0x143: {  	[tilespmem:$0xEB8] =	vst v0  }
0x144: {  	[tilespmem:$0xEC8] =	vst v0  }
0x145: {  	[tilespmem:$0xED8] =	vst v0  }
0x146: {  	[tilespmem:$0xEE8] =	vst v0  }
0x147: {  	[tilespmem:$0xEF8] =	vst v0  }
0x148: {  	[tilespmem:$0xF08] =	vst v0  }
0x149: {  	[tilespmem:$0xF18] =	vst v0  }
0x14a: {  	[tilespmem:$0xF28] =	vst v0  }
0x14b: {  	[tilespmem:$0xF38] =	vst v0  }
0x14c: {  	[tilespmem:$0xF48] =	vst v0  }
0x14d: {  	[tilespmem:$0xF58] =	vst v0  }
0x14e: {  	[tilespmem:$0xF68] =	vst v0  }
0x14f: {  	[tilespmem:$0xF78] =	vst v0  }
0x150: {  	[tilespmem:$0xF88] =	vst v0  }
0x151: {  	[tilespmem:$0xF98] =	vst v0  }
0x152: {  	[tilespmem:$0xFA8] =	vst v0  }
0x153: {  	[tilespmem:$0xFB8] =	vst v0  }
0x154: {  	[tilespmem:$0xFC8] =	vst v0  }
0x155: {  	[tilespmem:$0xFD8] =	vst v0  }
0x156: {  	[tilespmem:$0xFE8] =	vst v0  }
0x157: {  	[tilespmem:$0xFF8] =	vst v0  }
0x158: {  	[tilespmem:$0x1028] =	vst v0  }
0x159: {  	[tilespmem:$0x10E8] =	vst v0  }
0x15a: {  	[tilespmem:$0x1068] =	vst v0  }
0x15b: {  	[tilespmem:$0x1B28] =	vst v0  }
0x15c: {  	[tilespmem:$0x1B18] =	vst v0  }
0x15d: {  	[tilespmem:$0x1B08] =	vst v0  }
0x15e: {  	[tilespmem:$0x1AF8] =	vst v0  }
0x15f: {  	[tilespmem:$0x1AE8] =	vst v0  }
0x160: {  	[tilespmem:$0x1AD8] =	vst v0  }
0x161: {  	[tilespmem:$0x1AC8] =	vst v0  }
0x162: {  	[tilespmem:$0x1AB8] =	vst v0  }
0x163: {  	[tilespmem:$0x1AA8] =	vst v0  }
0x164: {  	[tilespmem:$0x1A98] =	vst v0  }
0x165: {  	[tilespmem:$0x1A88] =	vst v0  }
0x166: {  	[tilespmem:$0x1A78] =	vst v0  }
0x167: {  	[tilespmem:$0x1A68] =	vst v0  }
0x168: {  	[tilespmem:$0x1A58] =	vst v0  }
0x169: {  	[tilespmem:$0x1A48] =	vst v0  }
0x16a: {  	[tilespmem:$0x1A38] =	vst v0  }
0x16b: {  	[tilespmem:$0x1A28] =	vst v0  }
0x16c: {  	[tilespmem:$0x1A18] =	vst v0  }
0x16d: {  	[tilespmem:$0x1A08] =	vst v0  }
0x16e: {  	[tilespmem:$0x19F8] =	vst v0  }
0x16f: {  	[tilespmem:$0x19E8] =	vst v0  }
0x170: {  	[tilespmem:$0x19D8] =	vst v0  }
0x171: {  	[tilespmem:$0x19C8] =	vst v0  }
0x172: {  	[tilespmem:$0x19B8] =	vst v0  }
0x173: {  	[tilespmem:$0x19A8] =	vst v0  }
0x174: {  	[tilespmem:$0x1998] =	vst v0  }
0x175: {  	[tilespmem:$0x1988] =	vst v0  }
0x176: {  	[tilespmem:$0x1978] =	vst v0  }
0x177: {  	[tilespmem:$0x1968] =	vst v0  }
0x178: {  	[tilespmem:$0x1958] =	vst v0  }
0x179: {  	[tilespmem:$0x1948] =	vst v0  }
0x17a: {  	[tilespmem:$0x1938] =	vst v0  }
0x17b: {  	[tilespmem:$0x1928] =	vst v0  }
0x17c: {  	[tilespmem:$0x1918] =	vst v0  }
0x17d: {  	[tilespmem:$0x1908] =	vst v0  }
0x17e: {  	[tilespmem:$0x18F8] =	vst v0  }
0x17f: {  	[tilespmem:$0x18E8] =	vst v0  }
0x180: {  	[tilespmem:$0x18D8] =	vst v0  }
0x181: {  	[tilespmem:$0x18C8] =	vst v0  }
0x182: {  	[tilespmem:$0x18B8] =	vst v0  }
0x183: {  	[tilespmem:$0x18A8] =	vst v0  }
0x184: {  	[tilespmem:$0x1898] =	vst v0  }
0x185: {  	[tilespmem:$0x1888] =	vst v0  }
0x186: {  	[tilespmem:$0x1878] =	vst v0  }
0x187: {  	[tilespmem:$0x1868] =	vst v0  }
0x188: {  	[tilespmem:$0x1858] =	vst v0  }
0x189: {  	[tilespmem:$0x1848] =	vst v0  }
0x18a: {  	[tilespmem:$0x1838] =	vst v0  }
0x18b: {  	[tilespmem:$0x1828] =	vst v0  }
0x18c: {  	[tilespmem:$0x1818] =	vst v0  }
0x18d: {  	[tilespmem:$0x1808] =	vst v0  }
0x18e: {  	[tilespmem:$0x17F8] =	vst v0  }
0x18f: {  	[tilespmem:$0x17E8] =	vst v0  }
0x190: {  	[tilespmem:$0x17D8] =	vst v0  }
0x191: {  	[tilespmem:$0x17C8] =	vst v0  }
0x192: {  	[tilespmem:$0x17B8] =	vst v0  }
0x193: {  	[tilespmem:$0x17A8] =	vst v0  }
0x194: {  	[tilespmem:$0x1798] =	vst v0  }
0x195: {  	[tilespmem:$0x1788] =	vst v0  }
0x196: {  	[tilespmem:$0x1778] =	vst v0  }
0x197: {  	[tilespmem:$0x1768] =	vst v0  }
0x198: {  	[tilespmem:$0x1758] =	vst v0  }
0x199: {  	[tilespmem:$0x1748] =	vst v0  }
0x19a: {  	[tilespmem:$0x1738] =	vst v0  }
0x19b: {  	[tilespmem:$0x1728] =	vst v0  }
0x19c: {  	[tilespmem:$0x1718] =	vst v0  }
0x19d: {  	[tilespmem:$0x1708] =	vst v0  }
0x19e: {  	[tilespmem:$0x16F8] =	vst v0  }
0x19f: {  	[tilespmem:$0x16E8] =	vst v0  }
0x1a0: {  	[tilespmem:$0x16D8] =	vst v0  }
0x1a1: {  	[tilespmem:$0x16C8] =	vst v0  }
0x1a2: {  	[tilespmem:$0x16B8] =	vst v0  }
0x1a3: {  	[tilespmem:$0x16A8] =	vst v0  }
0x1a4: {  	[tilespmem:$0x1698] =	vst v0  }
0x1a5: {  	[tilespmem:$0x1688] =	vst v0  }
0x1a6: {  	[tilespmem:$0x1678] =	vst v0  }
0x1a7: {  	[tilespmem:$0x1668] =	vst v0  }
0x1a8: {  	[tilespmem:$0x1658] =	vst v0  }
0x1a9: {  	[tilespmem:$0x1648] =	vst v0  }
0x1aa: {  	[tilespmem:$0x1638] =	vst v0  }
0x1ab: {  	[tilespmem:$0x1628] =	vst v0  }
0x1ac: {  	[tilespmem:$0x1618] =	vst v0  }
0x1ad: {  	[tilespmem:$0x1608] =	vst v0  }
0x1ae: {  	[tilespmem:$0x15F8] =	vst v0  }
0x1af: {  	[tilespmem:$0x15E8] =	vst v0  }
0x1b0: {  	[tilespmem:$0x15D8] =	vst v0  }
0x1b1: {  	[tilespmem:$0x15C8] =	vst v0  }
0x1b2: {  	[tilespmem:$0x15B8] =	vst v0  }
0x1b3: {  	[tilespmem:$0x15A8] =	vst v0  }
0x1b4: {  	[tilespmem:$0x1598] =	vst v0  }
0x1b5: {  	[tilespmem:$0x1588] =	vst v0  }
0x1b6: {  	[tilespmem:$0x1578] =	vst v0  }
0x1b7: {  	[tilespmem:$0x1568] =	vst v0  }
0x1b8: {  	[tilespmem:$0x1558] =	vst v0  }
0x1b9: {  	[tilespmem:$0x1548] =	vst v0  }
0x1ba: {  	[tilespmem:$0x1538] =	vst v0  }
0x1bb: {  	[tilespmem:$0x1528] =	vst v0  }
0x1bc: {  	[tilespmem:$0x1518] =	vst v0  }
0x1bd: {  	[tilespmem:$0x1508] =	vst v0  }
0x1be: {  	[tilespmem:$0x14F8] =	vst v0  }
0x1bf: {  	[tilespmem:$0x14E8] =	vst v0  }
0x1c0: {  	[tilespmem:$0x14D8] =	vst v0  }
0x1c1: {  	[tilespmem:$0x14C8] =	vst v0  }
0x1c2: {  	[tilespmem:$0x14B8] =	vst v0  }
0x1c3: {  	[tilespmem:$0x14A8] =	vst v0  }
0x1c4: {  	[tilespmem:$0x1498] =	vst v0  }
0x1c5: {  	[tilespmem:$0x1488] =	vst v0  }
0x1c6: {  	[tilespmem:$0x1478] =	vst v0  }
0x1c7: {  	[tilespmem:$0x1468] =	vst v0  }
0x1c8: {  	[tilespmem:$0x1458] =	vst v0  }
0x1c9: {  	[tilespmem:$0x1448] =	vst v0  }
0x1ca: {  	[tilespmem:$0x1438] =	vst v0  }
0x1cb: {  	[tilespmem:$0x1428] =	vst v0  }
0x1cc: {  	[tilespmem:$0x1418] =	vst v0  }
0x1cd: {  	[tilespmem:$0x1408] =	vst v0  }
0x1ce: {  	[tilespmem:$0x13F8] =	vst v0  }
0x1cf: {  	[tilespmem:$0x13E8] =	vst v0  }
0x1d0: {  	[tilespmem:$0x13D8] =	vst v0  }
0x1d1: {  	[tilespmem:$0x13C8] =	vst v0  }
0x1d2: {  	[tilespmem:$0x13B8] =	vst v0  }
0x1d3: {  	[tilespmem:$0x13A8] =	vst v0  }
0x1d4: {  	[tilespmem:$0x1398] =	vst v0  }
0x1d5: {  	[tilespmem:$0x1388] =	vst v0  }
0x1d6: {  	[tilespmem:$0x1378] =	vst v0  }
0x1d7: {  	[tilespmem:$0x1368] =	vst v0  }
0x1d8: {  	[tilespmem:$0x1358] =	vst v0  }
0x1d9: {  	[tilespmem:$0x1348] =	vst v0  }
0x1da: {  	[tilespmem:$0x1338] =	vst v0  }
0x1db: {  	[tilespmem:$0x1328] =	vst v0  }
0x1dc: {  	[tilespmem:$0x1318] =	vst v0  }
0x1dd: {  	[tilespmem:$0x1308] =	vst v0  }
0x1de: {  	[tilespmem:$0x12F8] =	vst v0  }
0x1df: {  	[tilespmem:$0x12E8] =	vst v0  }
0x1e0: {  	[tilespmem:$0x12D8] =	vst v0  }
0x1e1: {  	[tilespmem:$0x12C8] =	vst v0  }
0x1e2: {  	[tilespmem:$0x12B8] =	vst v0  }
0x1e3: {  	[tilespmem:$0x12A8] =	vst v0  }
0x1e4: {  	[tilespmem:$0x1298] =	vst v0  }
0x1e5: {  	[tilespmem:$0x1288] =	vst v0  }
0x1e6: {  	[tilespmem:$0x1278] =	vst v0  }
0x1e7: {  	[tilespmem:$0x1268] =	vst v0  }
0x1e8: {  	[tilespmem:$0x1258] =	vst v0  }
0x1e9: {  	[tilespmem:$0x1248] =	vst v0  }
0x1ea: {  	[tilespmem:$0x1238] =	vst v0  }
0x1eb: {  	[tilespmem:$0x1228] =	vst v0  }
0x1ec: {  	[tilespmem:$0x1218] =	vst v0  }
0x1ed: {  	[tilespmem:$0x1208] =	vst v0  }
0x1ee: {  	[tilespmem:$0x11F8] =	vst v0  }
0x1ef: {  	[tilespmem:$0x11E8] =	vst v0  }
0x1f0: {  	[tilespmem:$0x11D8] =	vst v0  }
0x1f1: {  	[tilespmem:$0x11C8] =	vst v0  }
0x1f2: {  	[tilespmem:$0x11B8] =	vst v0  }
0x1f3: {  	[tilespmem:$0x11A8] =	vst v0  }
0x1f4: {  	[tilespmem:$0x1198] =	vst v0  }
0x1f5: {  	[tilespmem:$0x1188] =	vst v0  }
0x1f6: {  	[tilespmem:$0x1178] =	vst v0  }
0x1f7: {  	[tilespmem:$0x1168] =	vst v0  }
0x1f8: {  	[tilespmem:$0x1158] =	vst v0  }
0x1f9: {  	[tilespmem:$0x1148] =	vst v0  }
0x1fa: {  	[tilespmem:$0x1138] =	vst v0  }
0x1fb: {  	[tilespmem:$0x1128] =	vst v0  }
0x1fc: {  	[tilespmem:$0x1118] =	vst v0  }
0x1fd: {  	s4 =	stileid.u32;
	[tilespmem:$0x1108] =	vst v0  }
0x1fe: {  	s0 =	smul.u32 $0x17, s4;
	[tilespmem:$0x10F8] =	vst v0  }
0x1ff: {  	s1 =	smin.u32 s4, $0x3;
	[tilespmem:$0x10C8] =	vst v0  }
0x200: {  	[tilespmem:$0x10D8] =	vst v0;
	s0 =	sadd.s32 s1, s0  }
0x201: {  	p0 =	slt.u32 s4, $0x3;
	[tilespmem:$0x10B8] =	vst v0;
	s1 =	simm.s32 $0x2880;
	s6 =	smul.u32 $0x1B0, s0  }
0x202: {  	s1 =	simm.s32 @!p0 $0x26D0;
	[tilespmem:$0x1038] =	vst v0  }
0x203: {  	[tilespmem:$0x10A8] =	vst v0;
	s0 =	sadd.s32 s1, s6  }
0x204: {  	s3 =	simm.s32 $0x2;
	s8 =	simm.s32 $0x9;
	[tilespmem:$0x1098] =	vst v0;
	s7 =	smin.u32 s0, $0x27100  }
0x205: {  	s10 =	simm.s32 $0xA;
	s30 =	simm.s32 $0xB;
	[tilespmem:$0x1088] =	vst v0;
	s0 =	ssub.s32 s7, s6  }
0x206: {  	s16 =	simm.s32 $0x0;
	p4 =	por $0x0, $0x0;
	[tilespmem:$0x1078] =	vst v0;
	p0 =	sgt.s32 s0, $0x0  }
0x207: {  	s17 =	simm.s32 $0xC;
	s21 =	simm.s32 $0x0;
	[tilespmem:$0x1058] =	vst v0;
	s0 =	simm.s32 @!p0 $0x0  }
0x208: {  	s18 =	simm.s32 $0x0;
	s2 =	sand.u32 $0x1, s2;
	[tilespmem:$0x1048] =	vst v0;
	s29 =	smulhi.u32 $0x4BDA12F7, s0  }
0x209: {  	s20 =	simm.s32 $0x0;
	s31 =	sshll.u32 s4, $0x5;
	[tilespmem:$0x1018] =	vst v0;
	[dreg:$0x5] =	wrdreg s2  }
0x20a: {  	s2 =	smul.u32 $0x4E20, s2;
	[tilespmem:$0x1008] =	vst v0;
	[sflag:s3] =	ssyncpa.u1 $0x0;
	s1 =	sshrl.u32 s29, $0x7  }
0x20b: {  	v0 =	vimm.s32 $0xFFFFFFFF;
	s3 =	sadd.s32 $0x29200, s11;
	[dreg:$0x4] =	wrdreg s31;
	s5 =	smul.u32 $0x1B0, s1  }
.Ltmp7:
0x20c: {  	[tilespmem:$0x3648] =	vst v0;
	[sflag:s8] =	ssyncpa.u1 $0x0;
	s2 =	sadd.s32 s2, s11;
	(pc) =	sbr.rel .LBB3_1-.Ltmp7, $4  }
0x20d: {  	[sflag:s10] =	ssyncpa.u1 $0x0;
	s11 =	sadd.s32 $0xF1DA00, s11;
	p0 =	sne.s32 s0, s5  }
0x20e: {  	[sflag:s30] =	ssyncpa.u1 $0x0;
	s14 =	sadd.s32 $0xF13C00, s2;
	s12 =	simm.s32 @!p0 $0x0  }
0x20f: {  	s15 =	sadd.s32 $0xF09E00, s2;
	s19 =	smov.u32 s6;
	s12 =	sadd.s32 s12, s1  }
0x210: {  	v0 =	vlaneseq.u32;
	[dreg:$0x6] =	wrdreg s6;
	p0 =	por $0x1, $0x1;
	s4 =	sadd.s32 $0x1, s12  }
.LBB3_18:
0x211: {  	s0 =	simm.s32 $0x2  }
0x212: {  	_ =	swait.ge [sflag:s0], $0x0  }
0x213: {  	[sflag:s0] =	ssyncset.done $0x0;
	s0 =	simm.s32 $0x0  }
.LBB3_19:
0x214: {  	_ =	swait.ge [sflag:s17], s0  }
0x215: {  	s31 =	ssub.s32 $0x0, s0;
	v1 =	vmov s23;
	vm0 =	veq.s32 v0, $0x0;
	[sflag:s17] =	ssyncset.done $0x0  }
0x216: {  	vm15 =	veq.s32 v0, $0x2;
	v1 =	vsel vm0, s28, v1;
	[sflag:s17] =	ssyncadd.s32 s31  }
0x217: {  	v1 =	vsel vm15, s21, v1;
	[sflag:s17] =	ssyncpa.u1 $0x1  }
0x218: {  	[tilespmem:$0x3648] =	vst v1  }
.LBB3_20:
0x219: {  	s0 =	sadd.s32 $0x1B0, s19  }
0x21a: {  	s1 =	smov.u32 s6;
	p1 =	slt.s32 s0, s7  }
0x21b: {  	s1 =	smov.u32 @p1 s0;
	p1 =	sne.s32 s20, s4  }
.Ltmp8:
0x21c: {  	_ = 	snop;
	(pc) =	sbr.rel @!p1 .LBB3_21-.Ltmp8, $4  }
0x21d: {  	_ = 	snop  }
0x21e: {  	s21 =	smov.u32 s18  }
0x21f: {  	s31 =	sadd.s32 $0x1, s20;
	s18 =	smov.u32 s19;
	p0 =	por !p0, !p0  }
0x220: {  	p4 =	por !p4, !p4;
	s20 =	smov.u32 s31;
	s19 =	smov.u32 s1  }
.LBB3_1:
0x221: {  	p2 =	sge.u32 s20, s12  }
0x222: {  	s0 =	smulhi.u32 @!p2 $0xAAAAAAAB, s20  }
0x223: {  	s1 =	smov.u32 s19;
	p3 =	sgt.s32 @!p2 s19, $0x26F50  }
0x224: {  	s2 =	sshra.s32 @!p2 s19, $0x1F;
	p3 =	por !p3, p2;
	s0 =	sshrl.u32 @!p2 s0, $0x1  }
0x225: {  	s2 =	sand.u32 @!p2 s2, s19;
	s1 =	simm.s32 @p3 $0x26F50;
	s0 =	smul.u32 @!p2 $0x3, s0  }
0x226: {  	s1 =	ssub.s32 @!p2 s1, s2  }
0x227: {  	s23 =	sadd.s32 $0xFFFFFFFF, s20;
	s1 =	sadd.s32 @!p2 $0xFFFD90B0, s1;
	s0 =	ssub.s32 @!p2 s20, s0  }
0x228: {  	s2 =	sshll.u32 @!p2 s1, $0x2;
	p3 =	sgt.s32 @!p2 s1, $0x1AF;
	s0 =	smul.u32 @!p2 $0x6C0, s0  }
0x229: {  	s5 =	sand.u32 @!p2 $0x7, s19;
	s1 =	ssub.s32 @!p2 $0x6C0, s2;
	p3 =	por !p3, p2  }
0x22a: {  	s2 =	sshrl.u32 @!p2 s19, $0x3;
	s1 =	sshrl.u32 @!p2 s1, $0x2;
	s0 =	sshrl.u32 @!p2 s0, $0x2  }
0x22b: {  	s2 =	sadd.s32 @!p2 s2, s14;
	s1 =	simm.s32 @!p3 $0x0;
	s0 =	sadd.s32 @!p2 $0x3888, s0  }
0x22c: {  	[tilespmem:s0], [sflag:$0xA] =	stream.linear.gather @!p2 [hbm4b:s2+s5], s1, $0x38;
	[tilespmem:$0x1F0F8] =	vst v63  }
0x22d: {  	p2 =	sge.u32 s23, s12  }
0x22e: {  	p3 =	sgt.s32 @!p2 s18, $0x26F50  }
0x22f: {  	s0 =	smov.u32 s18;
	s1 =	sshra.s32 @!p2 s18, $0x1F;
	p3 =	por !p3, p2  }
0x230: {  	s1 =	sand.u32 @!p2 s1, s18;
	s0 =	simm.s32 @p3 $0x26F50  }
0x231: {  	s0 =	ssub.s32 @!p2 s0, s1  }
0x232: {  	s0 =	sadd.s32 @!p2 $0xFFFD90B0, s0  }
0x233: {  	s1 =	sshll.u32 @!p2 s0, $0x2  }
0x234: {  	p3 =	sgt.s32 @!p2 s0, $0x1AF;
	s0 =	ssub.s32 @!p2 $0x6C0, s1  }
0x235: {  	s22 =	ssub.s32 @!p2 $0x27100, s18;
	p3 =	por !p3, p2;
	s0 =	sshrl.u32 @!p2 s0, $0x2  }
0x236: {  	s1 =	sand.u32 @!p2 $0x1, s23;
	s0 =	simm.s32 @!p3 $0x0;
	p3 =	slt.s32 @!p2 s22, $0x1  }
0x237: {  	s2 =	simm.s32 @!p2 $0xA;
	s1 =	smul.u32 @!p2 $0x6C0, s1;
	p3 =	por p2, p3  }
.Ltmp9:
0x238: {  	_ =	swait.ge @!p2 [sflag:s2], s0;
	(pc) =	sbr.rel @p3 .LBB3_7-.Ltmp9, $4  }
0x239: {  	s5 =	ssub.s32 @!p2 $0x0, s0;
	[sflag:s2] =	ssyncset.done @!p2 $0x0  }
0x23a: {  	s1 =	sshrl.u32 @!p2 s1, $0x2;
	[sflag:s2] =	ssyncadd.s32 @!p2 s5;
	s2 =	sshrl.u32 @!p2 s18, $0x3  }
0x23b: {  	s1 =	sadd.s32 @!p2 $0x3D98, s1;
	s5 =	sand.u32 @!p2 $0x7, s18;
	s2 =	sadd.s32 @!p2 s2, s15  }
0x23c: {  	[tilespmem:s1], [sflag:$0xB] =	stream.linear.gather @!p2 [hbm4b:s2+s5], s0, $0x38;
	[tilespmem:$0x1F0F8] =	vst v63  }
0x23d: {  	s0 =	smulhi.u32 $0xAAAAAAAB, s23;
	_ =	sdelay $0x1  }
0x23e: {  	s0 =	sshrl.u32 s0, $0x1  }
0x23f: {  	s0 =	smul.u32 $0x3, s0;
	_ =	sdelay $0x1  }
0x240: {  	s0 =	ssub.s32 s23, s0  }
0x241: {  	s1 =	simm.s32 $0x1;
	s0 =	smul.u32 $0x6C0, s0  }
.Ltmp10:
0x242: {  	s1 =	simm.s32 @!p0 $0x0;
	(pc) =	sbr.rel .LBB3_4-.Ltmp10, $4  }
0x243: {  	s1 =	smul.u32 $0x36000, s1  }
0x244: {  	p3 =	slt.s32 @!p2 s22, $0x1B0;
	s0 =	sshrl.u32 s0, $0x2  }
0x245: {  	p2 =	por !p3, p2;
	s1 =	sshrl.u32 s1, $0x2;
	s0 =	sadd.s32 $0x3888, s0  }
0x246: {  	s24 =	simm.s32 $0x0;
	s22 =	simm.s32 @p2 $0x1B0;
	s23 =	sadd.s32 $0x40F8, s1;
	v1 =	vmov s0  }
.LBB3_3:
0x247: {  	p2 =	sge.s32 s24, s22  }
.Ltmp11:
0x248: {  	_ = 	snop;
	(pc) =	sbr.rel @p2 .LBB3_7-.Ltmp11, $2  }
0x249: {  	_ =	sdelay $0x2  }
0x24a: {  	s23 =	sadd.s32 $0x800, s23  }
.LBB3_4:
0x24b: {  	p2 =	sle.s32 s22, s24  }
.Ltmp12:
0x24c: {  	_ = 	snop;
	(pc) =	sbr.rel @p2 .LBB3_3-.Ltmp12, $2  }
0x24d: {  	_ =	sdelay $0x2  }
0x24e: {  	s0 =	smov.u32 s24;
	s24 =	sadd.s32 $0x10, s24  }
0x24f: {  	s1 =	ssub.s32 s22, s0  }
0x250: {  	p2 =	slt.s32 s1, $0x10  }
0x251: {  	s1 =	simm.s32 @!p2 $0x10  }
0x252: {  	v2 =	vmov s1  }
0x253: {  	vm0 =	vgt.s32 v2, v0;
	_ =	sdelay $0x5  }
0x254: {  	v2 =	vld.idx.msk [tilespmem:v1+s0+$0x0 ss:$0x1], vm0;
	_ =	sdelay $0x2  }
0x255: {  	p2 =	slt.s32 s24, s22;
	s1 =	smov.u32 s22  }
0x256: {  	s2 =	smov.u32 s23;
	s25 =	simm.s32 $0x0;
	s1 =	smov.u32 @p2 s24  }
.LBB3_6:
0x257: {  	(v2sf) =	vpush v2, s25;
	_ =	sdelay $0xc  }
0x258: {  	s25 =	sadd.s32 $0x1, s25  }
0x259: {  	s31 =	sadd.s32 s25, s0  }
0x25a: {  	p2 =	slt.s32 s31, s1;
	s5 =	spop (v2sf)  }
.Ltmp13:
0x25b: {  	s5 =	sshll.u32 s5, $0x4;
	(pc) =	sbr.rel @p2 .LBB3_6-.Ltmp13, $4  }
0x25c: {  	s5 =	sand.u32 $0x1FFFFFF0, s5  }
0x25d: {  	s5 =	sadd.s32 s11, s5  }
0x25e: {  	[tilespmem:s2], [sflag:$0x9] =	stream.linear.gather [hbm4b:s5+s16], $0x10, $0x38;
	[tilespmem:$0x1F0F8] =	vst v63  }
0x25f: {  	s2 =	sadd.s32 $0x80, s2  }
.Ltmp14:
0x260: {  	_ = 	snop;
	(pc) =	sbr.rel .LBB3_3-.Ltmp14, $1  }
0x261: {  	_ =	sdelay $0x3  }
.LBB3_7:
0x262: {  	p2 =	slt.u32 s20, $0x2  }
.Ltmp15:
0x263: {  	_ = 	snop;
	(pc) =	sbr.rel @p2 .LBB3_20-.Ltmp15, $1  }
0x264: {  	_ =	sdelay $0x3  }
0x265: {  	p2 =	sgt.s32 s21, $0x26F50  }
0x266: {  	s0 =	smov.u32 s21;
	s1 =	sshra.s32 s21, $0x1F;
	s2 =	ssub.s32 $0x27100, s21  }
0x267: {  	s0 =	simm.s32 @!p2 $0x26F50;
	s1 =	sand.u32 s1, s21;
	p2 =	slt.s32 s2, $0x1B0  }
0x268: {  	s0 =	ssub.s32 s0, s1;
	s2 =	simm.s32 @!p2 $0x1B0  }
0x269: {  	s0 =	sadd.s32 $0xFFFD90B0, s0;
	s24 =	sshll.u32 s2, $0x4  }
0x26a: {  	s28 =	simm.s32 $0x9;
	s25 =	sshll.u32 s0, $0x2;
	s1 =	sand.u32 $0x3FFFFFF0, s24  }
0x26b: {  	p2 =	sgt.s32 s0, $0x1AF;
	s26 =	ssub.s32 $0x6C0, s25;
	_ =	swait.ge [sflag:s28], s1  }
0x26c: {  	s1 =	ssub.s32 $0x0, s1;
	[sflag:s28] =	ssyncset.done $0x0;
	s0 =	sshrl.u32 s26, $0x2  }
0x26d: {  	s30 =	simm.s32 $0xB;
	[sflag:s28] =	ssyncadd.s32 s1;
	s0 =	simm.s32 @p2 $0x0  }
0x26e: {  	_ =	swait.ge [sflag:s30], s0  }
0x26f: {  	s0 =	ssub.s32 $0x0, s0;
	[sflag:s30] =	ssyncset.done $0x0  }
0x270: {  	[sflag:s30] =	ssyncadd.s32 s0  }
0x271: {  	v1 =	vld [tilespmem:$0x3648];
	_ =	sdelay $0x4  }
0x272: {  	(v2sf) =	vpush v1, $0x0  }
0x273: {  	(v2sf) =	vpush v1, $0x1  }
0x274: {  	(v2sf) =	vpush v1, $0x2;
	_ =	sdelay $0x3  }
0x275: {  	s0 =	sadd.s32 $0x1B0, s21  }
0x276: {  	s1 =	ssub.s32 $0x4E200, s21;
	p2 =	slt.s32 s7, s0  }
0x277: {  	s0 =	smov.u32 @p2 s7;
	p2 =	sgt.s32 s1, $0x0  }
0x278: {  	s25 =	ssub.s32 s0, s21;
	s1 =	simm.s32 @!p2 $0x0  }
0x279: {  	p2 =	slt.s32 s1, s25  }
0x27a: {  	s25 =	smov.u32 @p2 s1  }
0x27b: {  	s24 =	simm.s32 $0x1;
	p2 =	slt.s32 s25, $0x1  }
.Ltmp16:
0x27c: {  	s24 =	simm.s32 @!p4 $0x0;
	(pc) =	sbr.rel @p2 .LBB3_12-.Ltmp16, $4  }
0x27d: {  	s31 =	smul.u32 $0x6C0, s24  }
0x27e: {  	s26 =	spop (v2sf)  }
0x27f: {  	s0 =	sshrl.u32 s31, $0x2;
	s29 =	spop (v2sf)  }
0x280: {  	s22 =	sadd.s32 $0x3D98, s0;
	s21 =	spop (v2sf)  }
0x281: {  	s0 =	smin.u32 s25, $0x10  }
0x282: {  	v1 =	vmov s0  }
0x283: {  	p3 =	sgt.s32 s25, $0x10;
	vm1 =	vgt.u32 v1, v0  }
.Ltmp17:
0x284: {  	_ = 	snop;
	(pc) =	sbr.rel @!p3 .LBB3_11-.Ltmp17, $2  }
0x285: {  	_ =	sdelay $0x2  }
0x286: {  	s23 =	simm.s32 $0x10;
	s28 =	sadd.s32 $0xFFFFFFF0, s25;
	s0 =	smov.u32 s22;
	vm0 =	vmmov vm1  }
.LBB3_10:
0x287: {  	s1 =	smin.u32 s28, $0x10;
	s23 =	sadd.s32 $0x10, s23;
	v1 =	vld.msk [tilespmem:s0+$0x0 ss:$0x1], vm1  }
0x288: {  	v2 =	vmov s1;
	p3 =	slt.s32 s23, s25  }
0x289: {  	vm1 =	vgt.u32 v2, v0  }
.Ltmp18:
0x28a: {  	(pc) =	sbr.rel @p3 .LBB3_10-.Ltmp18, $3  }
0x28b: {  	_ =	sdelay $0x1  }
0x28c: {  	v1 =	vshll.u32 v1, $0x4  }
0x28d: {  	s28 =	sadd.s32 $0xFFFFFFF0, s28;
	[tilespmem:s0+$0x0] =	vst.msk vm0, v1;
	s0 =	sadd.s32 $0x10, s0;
	vm0 =	vmmov vm1  }
.LBB3_11:
0x28e: {  	_ =	sdelay $0x4  }
0x28f: {  	v1 =	vld.msk [tilespmem:s0+$0x0 ss:$0x1], vm1;
	_ =	sdelay $0x4  }
0x290: {  	v1 =	vshll.u32 v1, $0x4  }
0x291: {  	[tilespmem:s0+$0x0] =	vst.msk vm0, v1  }
.LBB3_12:
0x292: {  	s0 =	sand.u32 $0x1, s20  }
0x293: {  	s0 =	smul.u32 $0x1B0, s0  }
0x294: {  	p3 =	sne.s32 s29, $0xFFFFFFFF  }
0x295: {  	v1 =	vld.msk @!p3 [tilespmem:s0+$0x3D98], $0x1;
	_ =	sdelay $0x4  }
0x296: {  	(v2sf) =	vpush @!p3 v1, $0x0;
	_ =	sdelay $0xc  }
.Ltmp19:
0x297: {  	_ = 	snop;
	(pc) =	sbr.rel @p2 .LBB3_18-.Ltmp19, $4  }
0x298: {  	_ = 	snop  }
0x299: {  	s28 =	spop @!p3 (v2sf)  }
0x29a: {  	s21 =	simm.s32 @!p3 $0x0;
	s23 =	smov.u32 s28  }
0x29b: {  	[sflag:s17] =	ssyncpa.u1 $0x0;
	s28 =	smov.u32 @p3 s26;
	s23 =	smov.u32 @p3 s29  }
0x29c: {  	v1 =	vld.msk [tilespmem:s22+$0x0], $0x1;
	_ =	sdelay $0x4  }
0x29d: {  	(v2sf) =	vpush v1, $0x0;
	_ =	sdelay $0xe  }
0x29e: {  	s0 =	simm.s32 @!p4 $0x0;
	s26 =	smul.u32 $0x36000, s24;
	s31 =	spop (v2sf)  }
0x29f: {  	s29 =	ssub.s32 $0x0, s25;
	s0 =	simm.s32 @p4 $0x1;
	p2 =	seq.s32 s28, s31  }
0x2a0: {  	s1 =	smov.u32 s28;
	[smem:$0x7FD] =	sst s0;
	p3 =	sgt.s32 @!p2 s28, $0x0  }
0x2a1: {  	s0 =	sshrl.u32 s26, $0x2;
	s26 =	sadd.s32 $0x1, s29;
	p3 =	por !p3, p2  }
0x2a2: {  	s1 =	simm.s32 @p3 $0x0;
	p3 =	seq.s32 s26, $0x0  }
.Ltmp20:
0x2a3: {  	_ = 	snop;
	(pc) =	sbr.rel @p3 .LBB3_15-.Ltmp20, $4  }
0x2a4: {  	s6 =	smov.u32 s4;
	s25 =	simm.s32 $0x0  }
0x2a5: {  	s24 =	sadd.s32 $0x40F8, s0;
	s0 =	simm.s32 @!p2 $0x1;
	s2 =	smin.u32 @!p2 s1, $0x270FE  }
0x2a6: {  	s30 =	sadd.s32 $0x1, s22;
	s0 =	smov.u32 @p2 s25;
	s5 =	sand.u32 @!p2 $0x3FFF8, s2  }
0x2a7: {  	s1 =	simm.s32 @!p2 $0x1B38;
	s2 =	sand.u32 @!p2 $0x7, s2;
	s5 =	sadd.s32 @!p2 s3, s5  }
.LBB3_14:
0x2a8: {  	s4 =	smov.u32 s0  }
0x2a9: {  	[tilespmem:s1], [sflag:$0x2] =	stream.linear.gather @!p2 [hbm4b:s5+s2], $0x10, $0x38;
	[tilespmem:$0x1F0F8] =	vst v63  }
0x2aa: {  	s26 =	sadd.s32 $0x1, s26;
	s2 =	smov.u32 s31;
	v1 =	vld.msk [tilespmem:s30+$0x0], $0x1  }
0x2ab: {  	p3 =	seq.s32 s26, $0x0;
	_ =	sdelay $0x3  }
0x2ac: {  	(v2sf) =	vpush v1, $0x0;
	_ =	sdelay $0xe  }
0x2ad: {  	s31 =	spop (v2sf)  }
0x2ae: {  	p2 =	seq.s32 s2, s31  }
0x2af: {  	p4 =	sgt.s32 @!p2 s2, $0x0;
	s1 =	sshll.u32 @!p2 s0, $0x6;
	s0 =	sadd.s32 @!p2 $0x1, s0  }
.Ltmp21:
0x2b0: {  	p4 =	por !p4, p2;
	s1 =	sshra.s32 @!p2 s1, $0x2;
	(pc) =	sbr.rel @!p3 .LBB3_14-.Ltmp21, $4  }
0x2b1: {  	s0 =	smov.u32 @p2 s4;
	s2 =	simm.s32 @p4 $0x0;
	s1 =	sadd.s32 @!p2 $0x1B38, s1  }
0x2b2: {  	s2 =	smin.u32 @!p2 s2, $0x270FE  }
0x2b3: {  	s4 =	sand.u32 @!p2 $0x3FFF8, s2;
	s2 =	sand.u32 @!p2 $0x7, s2  }
0x2b4: {  	s30 =	sadd.s32 $0x1, s30;
	s5 =	sadd.s32 @!p2 s3, s4  }
.LBB3_15:
0x2b5: {  	[tilespmem:s1], [sflag:$0x2] =	stream.linear.gather @!p2 [hbm4b:s5+s2], $0x10, $0x38;
	[tilespmem:$0x1F0F8] =	vst v63  }
0x2b6: {  	s0 =	sshll.u32 s0, $0x4  }
0x2b7: {  	s31 =	simm.s32 $0x2;
	s0 =	sand.u32 $0x3FFFFFF0, s0  }
0x2b8: {  	_ =	swait.ge [sflag:s31], s0  }
0x2b9: {  	s0 =	ssub.s32 $0x0, s0;
	[sflag:s31] =	ssyncset.done $0x0  }
0x2ba: {  	[sflag:s31] =	ssyncadd.s32 s0  }
0x2bb: {  	v1 =	vld.msk [tilespmem:s22+$0x0], $0x1;
	_ =	sdelay $0x4  }
0x2bc: {  	(v2sf) =	vpush v1, $0x0;
	_ =	sdelay $0xe  }
0x2bd: {  	s26 =	spop (v2sf)  }
0x2be: {  	p2 =	sne.s32 s28, s26  }
0x2bf: {  	p4 =	sne.s32 @p2 s28, s23  }
0x2c0: {  	p3 =	por !p4, !p2  }
0x2c1: {  	s0 =	simm.s32 @!p3 $0x0  }
0x2c2: {  	v1 =	vld @!p3 [tilespmem:s0+$0x1B38]  }
0x2c3: {  	p5 =	sgt.u32 @!p3 s28, $0x270FE  }
0x2c4: {  	s1 =	sshll.u32 @!p3 s21, $0x6;
	p6 =	por @p2 p5, !p4  }
0x2c5: {  	s1 =	sshra.s32 @!p3 s1, $0x2;
	p1 =	por p6, !p2;
	p6 =	por p4, !p2  }
0x2c6: {  	s2 =	sadd.s32 @!p3 $0x28, s1;
	s4 =	sand.u32 @!p1 $0x3FFF8, s28;
	s5 =	sshll.u32 @!p6 s21, $0x6  }
0x2c7: {  	s28 =	sand.u32 @!p1 $0x7, s28;
	[tilespmem:s1+$0x28] =	vst.add.f32.msk @!p3 $0xffff, v1;
	s1 =	sadd.s32 @!p1 s3, s4;
	s4 =	sshra.s32 @!p6 s5, $0x2  }
0x2c8: {  	[hbm4b:s1+s28] =	stream.linear.scatter @!p1 [tilespmem:s2], [sflag:$0xC], $0x10, $0x38;
	[tilespmem:$0x1F0F8] =	vst v63  }
0x2c9: {  	s0 =	rddreg [dreg:$0x4];
	s1 =	sadd.s32 @!p6 $0x28, s4;
	s2 =	simm.s32 @!p6 $0x1  }
0x2ca: {  	[spmem:s0] =	stream.linear.scatter @!p6 [tilespmem:s1], [sflag:$0x1], $0x10, $0x38;
	[tilespmem:$0x1F0F8] =	vst v63  }
0x2cb: {  	s0 =	sadd.s32 @p2 $0x1, s21;
	_ =	swait.ge @!p6 [sflag:s2], $0x10  }
0x2cc: {  	s1 =	sshrl.u32 @p2 s0, $0x4;
	[sflag:s2] =	ssyncset.done @!p6 $0x0  }
0x2cd: {  	s1 =	smulhi.u32 @p2 $0x97B425F, s1;
	[sflag:s2] =	ssyncadd.s32 @!p6 $0xFFFFFFF0  }
0x2ce: {  	s28 =	sadd.s32 $0x1, s29;
	v1 =	vld @p2 [tilespmem:s24+$0x0]  }
0x2cf: {  	p1 =	por @p2 !p5, !p4;
	p4 =	seq.s32 s28, $0x0;
	s1 =	smul.u32 @p2 $0x1B0, s1  }
.Ltmp22:
0x2d0: {  	p1 =	por !p1, !p2;
	s2 =	simm.s32 @!p3 $0x0;
	(pc) =	sbr.rel @p4 .LBB3_17-.Ltmp22, $4  }
0x2d1: {  	s4 =	sshll.u32 @!p2 s21, $0x6;
	s2 =	simm.s32 @!p1 $0x40;
	s0 =	ssub.s32 @p2 s0, s1  }
0x2d2: {  	s29 =	simm.s32 $0x0;
	s2 =	sadd.s32 @!p3 $0x0, s2;
	s5 =	sshll.u32 @p2 s0, $0x4  }
0x2d3: {  	s30 =	sshra.s32 @!p2 s4, $0x2;
	s1 =	simm.s32 @p2 $0x1;
	s2 =	smov.u32 @p3 s25;
	[tilespmem:s5+$0x28] =	vst @p2 v1  }
0x2d4: {  	s21 =	smov.u32 @p2 s0;
	s29 =	smov.u32 @p2 s2;
	s25 =	smov.u32 @p2 s1;
	v1 =	vld @!p2 [tilespmem:s24+$0x0]  }
.LBB3_16:
0x2d5: {  	_ =	sdelay $0x3  }
0x2d6: {  	s22 =	sadd.s32 $0x1, s22;
	[tilespmem:s30+$0x28] =	vst.add.f32.msk @!p2 $0xffff, v1  }
0x2d7: {  	v1 =	vld.msk [tilespmem:s22+$0x0], $0x1;
	_ =	sdelay $0x4  }
0x2d8: {  	(v2sf) =	vpush v1, $0x0;
	_ =	sdelay $0xe  }
0x2d9: {  	s0 =	smov.u32 s26;
	s26 =	spop (v2sf)  }
0x2da: {  	p2 =	sne.s32 s0, s26  }
0x2db: {  	p5 =	sne.s32 @p2 s0, s23  }
0x2dc: {  	s4 =	sshll.u32 @!p2 s21, $0x6;
	p4 =	por !p5, !p2  }
0x2dd: {  	s30 =	sshra.s32 @!p2 s4, $0x2;
	s4 =	sshll.u32 @!p4 s25, $0x6  }
0x2de: {  	s4 =	sshra.s32 @!p4 s4, $0x2  }
0x2df: {  	p1 =	sgt.u32 @!p4 s0, $0x270FE;
	v1 =	vld @!p4 [tilespmem:s4+$0x1B38]  }
0x2e0: {  	s31 =	sshll.u32 @!p4 s21, $0x6;
	p6 =	por @p2 p1, !p5;
	p1 =	por @p2 !p1, !p5  }
0x2e1: {  	s8 =	simm.s32 @!p4 $0x0;
	s31 =	sshra.s32 @!p4 s31, $0x2;
	p1 =	por !p1, !p2  }
0x2e2: {  	p5 =	por p5, !p2;
	s8 =	simm.s32 @!p1 $0x40;
	p1 =	por p6, !p2  }
0x2e3: {  	s4 =	sadd.s32 @!p4 $0x28, s31;
	s13 =	sshll.u32 @!p5 s21, $0x6;
	s10 =	sand.u32 @!p1 $0x3FFF8, s0  }
0x2e4: {  	s13 =	sshra.s32 @!p5 s13, $0x2;
	s0 =	sand.u32 @!p1 $0x7, s0;
	s10 =	sadd.s32 @!p1 s3, s10;
	[tilespmem:s31+$0x28] =	vst.add.f32.msk @!p4 $0xffff, v1  }
0x2e5: {  	[hbm4b:s10+s0] =	stream.linear.scatter @!p1 [tilespmem:s4], [sflag:$0xC], $0x10, $0x38;
	[tilespmem:$0x1F0F8] =	vst v63  }
0x2e6: {  	s1 =	rddreg [dreg:$0x4];
	s0 =	sadd.s32 @!p5 $0x28, s13;
	s4 =	simm.s32 @!p5 $0x1  }
0x2e7: {  	[spmem:s1] =	stream.linear.scatter @!p5 [tilespmem:s0], [sflag:$0x1], $0x10, $0x38;
	[tilespmem:$0x1F0F8] =	vst v63  }
0x2e8: {  	s2 =	sadd.s32 @p2 $0x1, s21;
	_ =	swait.ge @!p5 [sflag:s4], $0x10  }
0x2e9: {  	s5 =	sshrl.u32 @p2 s2, $0x4;
	[sflag:s4] =	ssyncset.done @!p5 $0x0  }
0x2ea: {  	s24 =	sadd.s32 $0x80, s24;
	s5 =	smulhi.u32 @p2 $0x97B425F, s5;
	[sflag:s4] =	ssyncadd.s32 @!p5 $0xFFFFFFF0  }
0x2eb: {  	s28 =	sadd.s32 $0x1, s28;
	v1 =	vld @p2 [tilespmem:s24+$0x0]  }
0x2ec: {  	p3 =	seq.s32 s28, $0x0;
	s5 =	smul.u32 @p2 $0x1B0, s5  }
.Ltmp23:
0x2ed: {  	_ = 	snop;
	(pc) =	sbr.rel @!p3 .LBB3_16-.Ltmp23, $4  }
0x2ee: {  	s2 =	ssub.s32 @p2 s2, s5  }
0x2ef: {  	s8 =	sadd.s32 @!p4 s8, s29;
	s5 =	sshll.u32 @p2 s2, $0x4  }
0x2f0: {  	s9 =	sadd.s32 @p2 $0x1, s25;
	s8 =	smov.u32 @p4 s29;
	[tilespmem:s5+$0x28] =	vst @p2 v1  }
0x2f1: {  	s25 =	smov.u32 @p2 s9;
	s21 =	smov.u32 @p2 s2;
	s29 =	smov.u32 @p2 s8;
	v1 =	vld @!p2 [tilespmem:s24+$0x0]  }
.LBB3_17:
.Ltmp24:
0x2f2: {  	_ = 	snop;
	(pc) =	sbr.rel .LBB3_19-.Ltmp24, $3  }
0x2f3: {  	s1 =	sld [smem:$0x7FD];
	_ =	sdelay $0x1  }
0x2f4: {  	s0 =	sshrl.u32 s29, $0x2;
	s28 =	smov.u32 s26  }
0x2f5: {  	s4 =	smov.u32 s6;
	s6 =	rddreg [dreg:$0x6];
	p4 =	seq.s32 s1, $0x1;
	[tilespmem:s30+$0x28] =	vst.add.f32.msk @!p2 $0xffff, v1  }
.LBB3_21:
0x2f6: {  	_ =	sfence.sel $0x180000  }
0x2f7: {  	s0 =	simm.s32 $0x9;
	[bflag:$0x0] =	sbarrier.arrive $0xFFFF  }
0x2f8: {  	s24 =	simm.s32 $0xA;
	[sflag:s0] =	ssyncpa.u1 $0x1  }
0x2f9: {  	s25 =	simm.s32 $0xB;
	[sflag:s24] =	ssyncpa.u1 $0x1  }
0x2fa: {  	s26 =	simm.s32 $0x2;
	[sflag:s25] =	ssyncpa.u1 $0x1  }
0x2fb: {  	[sflag:s26] =	ssyncpa.u1 $0x1  }
0x2fc: {  	v0 =	vld [tilespmem:$0x3648];
	_ =	sdelay $0x4  }
0x2fd: {  	(v2sf) =	vpush v0, $0x0  }
0x2fe: {  	(v2sf) =	vpush v0, $0x1;
	_ =	sdelay $0x1  }
0x2ff: {  	(v2sf) =	vpush v0, $0x2;
	_ =	sdelay $0xb  }
0x300: {  	s0 =	spop (v2sf)  }
0x301: {  	s1 =	spop (v2sf)  }
0x302: {  	s2 =	smov.u32 s0;
	p0 =	sne.s32 s0, s1  }
0x303: {  	s4 =	spop (v2sf);
	s2 =	simm.s32 @!p0 $0xFFFFFFFF  }
0x304: {  	v2 =	vimm.s32 $0x1;
	v3 =	vlaneseq.u32;
	p0 =	seq.s32 s4, $0xFFFFFFFF;
	v1 =	vmov s2  }
0x305: {  	s16 =	stileid.u32;
	v0 =	vperm.xlane v0, v2;
	p1 =	sne.s32 @!p0 s0, s1;
	v1 =	vperm.xlane v1, v3  }
0x306: {  	vm0 =	vcmask $0x3F04;
	s6 =	simm.s32 $0x3648;
	s0 =	simm.s32 @!p0 $0x1;
	p1 =	por !p1, p0  }
0x307: {  	s2 =	sshll.u32 s16, $0x1;
	s1 =	sshll.u32 @!p0 s4, $0x6;
	s0 =	simm.s32 @p1 $0x0;
	v0 =	vsel vm0, v1, v0  }
0x308: {  	s5 =	sor.u32 $0x200, s2;
	s1 =	sshra.s32 @!p0 s1, $0x2;
	s0 =	sor.u32 @!p0 s0, s2;
	[tilespmem:$0x3648] =	vst v0  }
0x309: {  	[spmem:s5] =	stream.linear.scatter [tilespmem:s6], [sflag:$0x1], $0x2, $0x38;
	[tilespmem:$0x1F0F8] =	vst v63  }
0x30a: {  	s1 =	sadd.s32 @!p0 $0x28, s1;
	s0 =	sshll.u32 @!p0 s0, $0x4  }
0x30b: {  	[spmem:s0] =	stream.linear.scatter @!p0 [tilespmem:s1], [sflag:$0x1], $0x10, $0x38;
	[tilespmem:$0x1F0F8] =	vst v63  }
0x30c: {  	s0 =	simm.s32 @!p0 $0x12  }
0x30d: {  	s28 =	simm.s32 $0x1;
	s0 =	simm.s32 @p0 $0x2  }
0x30e: {  	_ =	swait.ge [sflag:s28], s0  }
0x30f: {  	s0 =	ssub.s32 $0x0, s0;
	[sflag:s28] =	ssyncset.done $0x0  }
0x310: {  	p0 =	sne.s32 s16, $0x0;
	[sflag:s28] =	ssyncadd.s32 s0  }
.Ltmp25:
0x311: {  	_ =	sfence.stream.spmem;
	(pc) =	sbr.rel @p0 .LBB3_38-.Ltmp25, $4  }
0x312: {  	s29 =	simm.s32 $0x3;
	[bflag:$0x0] =	sbarrier.arrive $0xFFFF  }
0x313: {  	s30 =	simm.s32 $0x4;
	[sflag:s29] =	ssyncpa.u1 $0x1  }
0x314: {  	s31 =	simm.s32 $0x3C;
	[sflag:s30] =	ssyncpa.u1 $0x1  }
0x315: {  	s17 =	rddreg [dreg:$0x5];
	[sflag:s31] =	ssyncpa.u1 $0x1  }
0x316: {  	_ =	sfence.stream.spmem;
	s0 =	simm.s32 $0x5  }
0x317: {  	s1 =	simm.s32 $0x200;
	s2 =	simm.s32 $0x3658;
	[sflag:s0] =	ssyncpa.u1 $0x0  }
0x318: {  	[tilespmem:s2], [sflag:$0x5] =	stream.linear.gather [spmem:s1], $0x20, $0x38;
	[tilespmem:$0x1F0F8] =	vst v63  }
0x319: {  	s26 =	simm.s32 $0x0;
	s28 =	simm.s32 $0x3678  }
0x31a: {  	[tilespmem:s28], [sflag:$0x5] =	stream.linear.gather [spmem:s26], $0x200, $0x38;
	[tilespmem:$0x1F0F8] =	vst v63  }
0x31b: {  	_ =	swait.ge [sflag:s0], $0x220  }
0x31c: {  	[sflag:s0] =	ssyncset.done $0x0  }
0x31d: {  	s29 =	simm.s32 $0x0;
	[sflag:s0] =	ssyncadd.s32 $0xFFFFFDE0  }
0x31e: {  	v0 =	vld.msk [tilespmem:s29+$0x3658], $0x1;
	_ =	sdelay $0x1  }
0x31f: {  	s30 =	simm.s32 $0x1  }
0x320: {  	v1 =	vld.msk [tilespmem:s30+$0x3658], $0x1;
	_ =	sdelay $0x1  }
0x321: {  	(v2sf) =	vpush v0, $0x0;
	_ =	sdelay $0x2  }
0x322: {  	(v2sf) =	vpush v1, $0x0;
	_ =	sdelay $0x2  }
0x323: {  	s31 =	simm.s32 $0x2  }
0x324: {  	v0 =	vld.msk [tilespmem:s31+$0x3658], $0x1;
	_ =	sdelay $0x2  }
0x325: {  	s6 =	simm.s32 $0xFFFFFFFF;
	s1 =	simm.s32 $0xFFFFFFFF;
	s0 =	simm.s32 $0xC  }
.LBB3_23:
0x326: {  	s2 =	smov.u32 s6;
	s4 =	smov.u32 s1  }
0x327: {  	s1 =	sshra.s32 s0, $0x2;
	p1 =	sne.s32 s0, $0x7C;
	s0 =	sadd.s32 $0x4, s0;
	(v2sf) =	vpush v0, $0x0  }
0x328: {  	v0 =	vld.msk [tilespmem:s1+$0x3658], $0x1  }
.Ltmp26:
0x329: {  	(pc) =	sbr.rel @p1 .LBB3_23-.Ltmp26, $4  }
0x32a: {  	s6 =	spop (v2sf)  }
0x32b: {  	p2 =	sne.s32 s4, $0xFFFFFFFF;
	s1 =	smov.u32 s6  }
0x32c: {  	p3 =	seq.s32 s6, $0xFFFFFFFF;
	s1 =	smov.u32 @p2 s4  }
0x32d: {  	s6 =	smov.u32 @p3 s2;
	s1 =	smov.u32 @p3 s4  }
0x32e: {  	(v2sf) =	vpush v0, $0x0;
	_ =	sdelay $0x8  }
0x32f: {  	s0 =	spop (v2sf)  }
0x330: {  	p1 =	sne.s32 s1, $0xFFFFFFFF;
	s2 =	smov.u32 s0  }
0x331: {  	s9 =	simm.s32 $0x6;
	p2 =	seq.s32 s0, $0xFFFFFFFF;
	s2 =	smov.u32 @p1 s1  }
0x332: {  	s10 =	simm.s32 $0x3638;
	s2 =	smov.u32 @p2 s1;
	s1 =	spop (v2sf)  }
0x333: {  	s0 =	smov.u32 @p2 s6;
	p1 =	sne.s32 s2, $0xFFFFFFFF;
	s4 =	smov.u32 s1  }
.Ltmp27:
0x334: {  	p2 =	seq.s32 s1, $0xFFFFFFFF;
	s4 =	smov.u32 @p1 s2;
	(pc) =	sbr.rel .LBB3_25-.Ltmp27, $4  }
0x335: {  	s11 =	simm.s32 $0x0;
	s4 =	smov.u32 @p2 s2;
	s7 =	spop (v2sf)  }
0x336: {  	[sflag:s9] =	ssyncpa.u1 $0x0;
	p1 =	sne.s32 s4, $0xFFFFFFFF;
	s8 =	smov.u32 s7  }
0x337: {  	s1 =	smov.u32 @p2 s0;
	p2 =	seq.s32 s7, $0xFFFFFFFF;
	s8 =	smov.u32 @p1 s4  }
0x338: {  	s6 =	simm.s32 $0x0;
	s7 =	smov.u32 @p2 s1;
	s8 =	smov.u32 @p2 s4  }
.LBB3_30:
0x339: {  	p1 =	sgt.u32 s12, $0x270FE  }
0x33a: {  	p2 =	seq.s32 @!p1 s12, s8  }
0x33b: {  	p1 =	por p1, p2  }
0x33c: {  	p2 =	sne.s32 @!p1 s12, s7  }
0x33d: {  	p1 =	por p1, !p2  }
0x33e: {  	s0 =	sshll.u32 @p1 s11, $0x6  }
0x33f: {  	s0 =	sand.u32 @!p1 $0x3FFF8, s12  }
0x340: {  	s1 =	sand.u32 @!p1 $0x7, s12;
	s0 =	sadd.s32 @!p1 s3, s0  }
0x341: {  	[tilespmem:s10], [sflag:$0x6] =	stream.linear.gather @!p1 [hbm4b:s0+s1], $0x10, $0x38;
	[tilespmem:$0x1F0F8] =	vst v63  }
0x342: {  	_ =	swait.ge @!p1 [sflag:s9], $0x10  }
0x343: {  	[sflag:s9] =	ssyncset.done @!p1 $0x0  }
0x344: {  	[sflag:s9] =	ssyncadd.s32 @!p1 $0xFFFFFFF0  }
0x345: {  	v1 =	vld @!p1 [tilespmem:$0x3638];
	_ =	sdelay $0x2  }
0x346: {  	s0 =	sshll.u32 @!p1 s11, $0x6  }
0x347: {  	s1 =	sshrl.u32 @!p1 s0, $0x2  }
0x348: {  	[tilespmem:s1+$0x3678] =	vst.add.f32.msk @!p1 $0xffff, v1  }
0x349: {  	s0 =	sshrl.u32 s0, $0x2;
	[tilespmem:s6+$0x3658] =	vst.msk $0x1, v0  }
0x34a: {  	v0 =	vld [tilespmem:s0+$0x3678];
	_ =	sdelay $0x2  }
0x34b: {  	s31 =	sshll.u32 s6, $0x6  }
0x34c: {  	s0 =	sshra.s32 s31, $0x2  }
0x34d: {  	s6 =	sadd.s32 $0x1, s6;
	[tilespmem:s0+$0x3678] =	vst v0  }
.LBB3_32:
0x34e: {  	s11 =	sadd.s32 $0x1, s11  }
0x34f: {  	p1 =	sne.s32 s11, $0x20  }
.Ltmp28:
0x350: {  	_ = 	snop;
	(pc) =	sbr.rel @!p1 .LBB3_33-.Ltmp28, $1  }
0x351: {  	_ =	sdelay $0x3  }
.LBB3_25:
0x352: {  	v0 =	vld.msk [tilespmem:s11+$0x3658], $0x1;
	_ =	sdelay $0x4  }
0x353: {  	(v2sf) =	vpush v0, $0x0;
	_ =	sdelay $0xe  }
0x354: {  	s12 =	spop (v2sf)  }
0x355: {  	p1 =	seq.s32 s12, $0xFFFFFFFF  }
.Ltmp29:
0x356: {  	_ = 	snop;
	(pc) =	sbr.rel @p1 .LBB3_32-.Ltmp29, $1  }
0x357: {  	_ =	sdelay $0x3  }
0x358: {  	p1 =	slt.s32 s6, $0x1  }
.Ltmp30:
0x359: {  	_ = 	snop;
	(pc) =	sbr.rel @p1 .LBB3_30-.Ltmp30, $1  }
0x35a: {  	_ =	sdelay $0x3  }
0x35b: {  	s13 =	simm.s32 $0x3658;
	p1 =	por $0x0, $0x0  }
0x35c: {  	v1 =	vld.msk @!p1 [tilespmem:s13+$0x0], $0x1;
	_ =	sdelay $0x4  }
0x35d: {  	(v2sf) =	vpush @!p1 v1, $0x0;
	_ =	sdelay $0xd  }
0x35e: {  	p3 =	sne.s32 s6, $0x1  }
.Ltmp31:
0x35f: {  	s0 =	spop @!p1 (v2sf);
	(pc) =	sbr.rel @!p3 .LBB3_29-.Ltmp31, $4  }
0x360: {  	p2 =	seq.s32 @!p1 s12, s0  }
0x361: {  	s14 =	simm.s32 $0x0;
	p2 =	por !p2, p1  }
0x362: {  	s0 =	simm.s32 $0xFFFFFFFF;
	s14 =	simm.s32 @p2 $0xFFFFFFFF  }
0x363: {  	s15 =	simm.s32 $0x1;
	s14 =	smov.u32 @p1 s0  }
.LBB3_28:
0x364: {  	s0 =	smov.u32 s14;
	p1 =	sne.s32 s14, $0xFFFFFFFF  }
0x365: {  	s13 =	sadd.s32 $0x1, s13;
	s14 =	smov.u32 s15;
	s15 =	sadd.s32 $0x1, s15  }
0x366: {  	p2 =	sne.s32 s6, s15;
	v1 =	vld.msk @!p1 [tilespmem:s13+$0x0], $0x1;
	_ =	sdelay $0x4  }
0x367: {  	(v2sf) =	vpush @!p1 v1, $0x0;
	_ =	sdelay $0xe  }
.Ltmp32:
0x368: {  	s1 =	spop @!p1 (v2sf);
	(pc) =	sbr.rel @p2 .LBB3_28-.Ltmp32, $4  }
0x369: {  	p3 =	seq.s32 @!p1 s12, s1  }
0x36a: {  	p3 =	por !p3, p1  }
0x36b: {  	s14 =	simm.s32 @p3 $0xFFFFFFFF  }
0x36c: {  	s14 =	smov.u32 @p1 s0  }
.LBB3_29:
0x36d: {  	p1 =	sne.s32 s14, $0xFFFFFFFF  }
.Ltmp33:
0x36e: {  	_ = 	snop;
	(pc) =	sbr.rel @!p1 .LBB3_30-.Ltmp33, $1  }
0x36f: {  	_ =	sdelay $0x3  }
0x370: {  	s0 =	sshll.u32 s11, $0x4  }
0x371: {  	s0 =	sand.u32 $0x3FFFFFF0, s0  }
0x372: {  	v0 =	vld [tilespmem:s0+$0x3678]  }
.Ltmp34:
0x373: {  	_ = 	snop;
	(pc) =	sbr.rel .LBB3_32-.Ltmp34, $4  }
0x374: {  	_ = 	snop  }
0x375: {  	s31 =	sshll.u32 s14, $0x6  }
0x376: {  	s0 =	sshra.s32 s31, $0x2  }
0x377: {  	[tilespmem:s0+$0x3678] =	vst.add.f32.msk $0xffff, v0  }
.LBB3_33:
0x378: {  	s0 =	simm.s32 $0x6;
	p1 =	seq.s32 s6, $0x0  }
0x379: {  	[sflag:s0] =	ssyncpa.u1 $0x1;
	v0 =	vimm.s32 @p1 $0xFFFFFFFF  }
0x37a: {  	s9 =	sadd.s32 $0xFFFFFFFF, s6;
	[tilespmem:$0x3878] =	vst @p1 v0  }
0x37b: {  	v0 =	vld.msk @!p1 [tilespmem:s9+$0x3658], $0x1;
	_ =	sdelay $0x1  }
0x37c: {  	v1 =	vld.msk @!p1 [tilespmem:$0x3658], $0x1;
	_ =	sdelay $0x2  }
0x37d: {  	p2 =	seq.s32 @!p1 s9, $0x0;
	v0 =	vbroadcast @!p1 v0, $0x0  }
0x37e: {  	vm0 =	vmmov @!p1 $0x1;
	p2 =	por !p2, p1  }
0x37f: {  	v1 =	vnsel @!p1 vm0, $0xFFFFFFFF, v1;
	vm0 =	vcmask @!p1 $0x308;
	v0 =	vpsel !p2, $0xFFFFFFFF, v0  }
0x380: {  	p2 =	sne.s32 @!p1 s8, s7;
	v0 =	vsel @!p1 vm0, v1, v0  }
0x381: {  	s0 =	simm.s32 @!p1 $0x3678;
	s1 =	simm.s32 @!p1 $0x0;
	p3 =	por !p2, p1;
	[tilespmem:$0x3878] =	vst @!p1 v0  }
0x382: {  	[spmem:s1] =	stream.linear.scatter @!p1 [tilespmem:s0], [sflag:$0x1], $0x10, $0x38;
	[tilespmem:$0x1F0F8] =	vst v63  }
0x383: {  	s0 =	sshll.u32 @!p3 s9, $0x6  }
0x384: {  	s0 =	sshra.s32 @!p3 s0, $0x2  }
0x385: {  	s1 =	simm.s32 @!p3 $0x10;
	s0 =	sadd.s32 @!p3 $0x3678, s0  }
0x386: {  	[spmem:s1] =	stream.linear.scatter @!p3 [tilespmem:s0], [sflag:$0x1], $0x10, $0x38;
	[tilespmem:$0x1F0F8] =	vst v63  }
0x387: {  	s0 =	simm.s32 @!p3 $0x1  }
0x388: {  	_ =	swait.ge @!p3 [sflag:s0], $0x20  }
0x389: {  	p1 =	por p2, p1;
	[sflag:s0] =	ssyncset.done @!p3 $0x0  }
0x38a: {  	[sflag:s0] =	ssyncadd.s32 @!p3 $0xFFFFFFE0;
	s0 =	simm.s32 @!p1 $0x1  }
0x38b: {  	_ =	swait.ge @!p1 [sflag:s0], $0x10  }
0x38c: {  	s29 =	simm.s32 $0x3878;
	[sflag:s0] =	ssyncset.done @!p1 $0x0  }
0x38d: {  	s30 =	simm.s32 $0x200;
	s31 =	simm.s32 $0x1;
	[sflag:s0] =	ssyncadd.s32 @!p1 $0xFFFFFFF0  }
0x38e: {  	[spmem:s30] =	stream.linear.scatter [tilespmem:s29], [sflag:$0x1], $0x10, $0x38;
	[tilespmem:$0x1F0F8] =	vst v63  }
0x38f: {  	_ =	swait.ge [sflag:s31], $0x10  }
0x390: {  	[sflag:s31] =	ssyncset.done $0x0  }
0x391: {  	p1 =	seq.s32 s17, $0x0;
	s8 =	rddreg [dreg:$0x1];
	[sflag:s31] =	ssyncadd.s32 $0xFFFFFFF0  }
0x392: {  	s1 =	sshll.u32 @p1 s8, $0xE;
	s7 =	rddreg [dreg:$0x2]  }
0x393: {  	s0 =	sadd.s32 @p1 $0x15C3C, s1;
	s1 =	sshll.u32 @p1 s7, $0x11  }
0x394: {  	_ =	sfence.stream.spmem;
	s0 =	sor.u32 @p1 s1, s0  }
0x395: {  	[sflag:s0] =	ssyncadd.remote.s32 @p1 $0x1;
	s0 =	simm.s32 @p1 $0x4  }
0x396: {  	s2 =	simm.s32 @!p1 $0x3C;
	s1 =	sand.u32 $0xFFFFFFFE, s8;
	_ =	swait.ge @p1 [sflag:s0], $0x6  }
0x397: {  	s4 =	simm.s32 @!p1 $0x0;
	s1 =	sadd.s32 @!p1 $0x4, s1;
	[sflag:s0] =	ssyncset.done @p1 $0x0  }
0x398: {  	s5 =	simm.s32 @!p1 $0x20;
	[sflag:s0] =	ssyncadd.s32 @p1 $0xFFFFFFFA;
	s0 =	sshll.u32 @!p1 s1, $0x1A  }
0x399: {  	s1 =	sshll.u32 @!p1 s1, $0xD;
	s0 =	sor.u32 @!p1 s0, s7;
	_ =	swait.eq @!p1 [sflag:s2], $0x1  }
0x39a: {  	s1 =	sor.u32 @!p1 $0x1C04, s1;
	s2 =	simm.s32 @!p1 $0x1C03;
	s0 =	sor.u32 @!p1 $0x80004000, s0  }
0x39b: {  	[spmem:s5], [sflag:s1] =	dma.general @!p1 [spmem:s4], [sflag:s2], length:$0x4, [dreg:$0x0], stride_count:$0x0, ici_dest:s0, dma_misc:DstOpCode:WRITE  }
0x39c: {  	p2 =	slt.s32 s9, $0x2;
	s4 =	simm.s32 @!p1 $0x40;
	s5 =	simm.s32 @!p1 $0x42  }
0x39d: {  	[spmem:s5], [sflag:s1] =	dma.general @!p1 [spmem:s4], [sflag:s2], length:$0x2, [dreg:$0x0], stride_count:$0x0, ici_dest:s0, dma_misc:DstOpCode:WRITE  }
.Ltmp35:
0x39e: {  	s0 =	simm.s32 @!p1 $0x3;
	(pc) =	sbr.rel @p2 .LBB3_37-.Ltmp35, $4  }
0x39f: {  	s1 =	sshll.u32 @!p1 s8, $0xE;
	_ =	swait.ge @!p1 [sflag:s0], $0x6  }
0x3a0: {  	s2 =	sshll.u32 @!p1 s7, $0x11;
	s1 =	sadd.s32 @!p1 $0x11C3C, s1;
	[sflag:s0] =	ssyncset.done @!p1 $0x0  }
0x3a1: {  	[sflag:s0] =	ssyncadd.s32 @!p1 $0xFFFFFFFA;
	s0 =	sor.u32 @!p1 s2, s1  }
0x3a2: {  	[sflag:s0] =	ssyncadd.remote.s32 @!p1 $0xFFFFFFFF;
	s0 =	simm.s32 $0x0  }
0x3a3: {  	s0 =	simm.s32 $0x3659  }
0x3a4: {  	v0 =	vld.msk [tilespmem:s0+$0x0], $0x1;
	_ =	sdelay $0x4  }
0x3a5: {  	(v2sf) =	vpush v0, $0x0;
	_ =	sdelay $0xd  }
0x3a6: {  	s2 =	sadd.s32 $0xFFFFFFFE, s6  }
0x3a7: {  	s2 =	sadd.s32 $0xFFFFFFFF, s2;
	s0 =	spop (v2sf)  }
0x3a8: {  	p2 =	sne.s32 s2, $0x0;
	p1 =	sgt.u32 s0, $0x270FE  }
.Ltmp36:
0x3a9: {  	s4 =	sand.u32 @!p1 $0x3FFF8, s0;
	(pc) =	sbr.rel @!p2 .LBB3_36-.Ltmp36, $4  }
0x3aa: {  	s1 =	simm.s32 $0x3688;
	s0 =	sand.u32 @!p1 $0x7, s0;
	s4 =	sadd.s32 @!p1 s3, s4  }
0x3ab: {  	[hbm4b:s4+s0] =	stream.linear.scatter @!p1 [tilespmem:s1], [sflag:$0x5], $0x10, $0x38;
	[tilespmem:$0x1F0F8] =	vst v63  }
0x3ac: {  	s0 =	simm.s32 $0x0  }
0x3ad: {  	s6 =	simm.s32 $0x0;
	s7 =	simm.s32 $0x365A;
	s0 =	simm.s32 @!p1 $0x40  }
.LBB3_35:
0x3ae: {  	v0 =	vld.msk [tilespmem:s7+$0x0], $0x1;
	s2 =	sadd.s32 $0xFFFFFFFF, s2;
	s6 =	sadd.s32 s6, s0  }
0x3af: {  	p1 =	sne.s32 s2, $0x0;
	_ =	sdelay $0x3  }
0x3b0: {  	(v2sf) =	vpush v0, $0x0;
	_ =	sdelay $0xe  }
.Ltmp37:
0x3b1: {  	s4 =	spop (v2sf);
	(pc) =	sbr.rel @p1 .LBB3_35-.Ltmp37, $4  }
0x3b2: {  	s0 =	simm.s32 $0x0;
	p2 =	sgt.u32 s4, $0x270FE  }
0x3b3: {  	s1 =	sadd.s32 $0x10, s1;
	s0 =	simm.s32 @!p2 $0x40;
	s5 =	sand.u32 @!p2 $0x3FFF8, s4  }
0x3b4: {  	s7 =	sadd.s32 $0x1, s7;
	s4 =	sand.u32 @!p2 $0x7, s4;
	s5 =	sadd.s32 @!p2 s3, s5  }
0x3b5: {  	[hbm4b:s5+s4] =	stream.linear.scatter @!p2 [tilespmem:s1], [sflag:$0x5], $0x10, $0x38;
	[tilespmem:$0x1F0F8] =	vst v63  }
.LBB3_36:
0x3b6: {  	s0 =	sadd.s32 s6, s0  }
0x3b7: {  	s0 =	sshrl.u32 s0, $0x2  }
.LBB3_37:
0x3b8: {  	s1 =	simm.s32 $0x5  }
0x3b9: {  	_ =	swait.ge [sflag:s1], s0  }
0x3ba: {  	s31 =	ssub.s32 $0x0, s0;
	[sflag:s1] =	ssyncset.done $0x0  }
0x3bb: {  	[sflag:s1] =	ssyncadd.s32 s31  }
0x3bc: {  	[sflag:s1] =	ssyncpa.u1 $0x1  }
.LBB3_38:
0x3bd: {  	s0 =	sor.u32 s17, s16  }
0x3be: {  	p1 =	sne.s32 s0, $0x0  }
.Ltmp38:
0x3bf: {  	_ = 	snop;
	(pc) =	sbr.rel @p1 .LBB3_53-.Ltmp38, $3  }
0x3c0: {  	_ =	sdelay $0x1  }
0x3c1: {  	[bflag:$0x0] =	sbarrier.arrive $0xFFFF  }
0x3c2: {  	_ =	sfence  }
0x3c3: {  	s0 =	simm.s32 $0x7  }
0x3c4: {  	s1 =	simm.s32 $0x200;
	s2 =	simm.s32 $0x3658;
	[sflag:s0] =	ssyncpa.u1 $0x0  }
0x3c5: {  	[tilespmem:s2], [sflag:$0x7] =	stream.linear.gather [spmem:s1], $0x20, $0x38;
	[tilespmem:$0x1F0F8] =	vst v63  }
0x3c6: {  	s30 =	simm.s32 $0x3678;
	s1 =	simm.s32 $0x0  }
0x3c7: {  	[tilespmem:s30], [sflag:$0x7] =	stream.linear.gather [spmem:s1], $0x200, $0x38;
	[tilespmem:$0x1F0F8] =	vst v63  }
.Ltmp39:
0x3c8: {  	_ = 	snop;
	(pc) =	sbr.rel .LBB3_40-.Ltmp39, $4  }
0x3c9: {  	_ =	swait.ge [sflag:s0], $0x220  }
0x3ca: {  	[sflag:s0] =	ssyncset.done $0x0  }
0x3cb: {  	s31 =	simm.s32 $0x8;
	[sflag:s0] =	ssyncadd.s32 $0xFFFFFDE0  }
0x3cc: {  	s2 =	simm.s32 $0x0;
	[sflag:s31] =	ssyncpa.u1 $0x0  }
.LBB3_45:
0x3cd: {  	p1 =	slt.u32 s4, $0x270FF  }
0x3ce: {  	s0 =	sand.u32 @p1 $0x3FFF8, s4  }
0x3cf: {  	s4 =	sand.u32 @p1 $0x7, s4;
	s5 =	simm.s32 @p1 $0x3638;
	s0 =	sadd.s32 @p1 s3, s0  }
0x3d0: {  	[tilespmem:s5], [sflag:$0x8] =	stream.linear.gather @p1 [hbm4b:s0+s4], $0x10, $0x38;
	[tilespmem:$0x1F0F8] =	vst v63  }
0x3d1: {  	s0 =	simm.s32 @p1 $0x8  }
0x3d2: {  	_ =	swait.ge @p1 [sflag:s0], $0x10  }
0x3d3: {  	[sflag:s0] =	ssyncset.done @p1 $0x0  }
0x3d4: {  	[sflag:s0] =	ssyncadd.s32 @p1 $0xFFFFFFF0  }
0x3d5: {  	v1 =	vld @p1 [tilespmem:$0x3638];
	_ =	sdelay $0x2  }
0x3d6: {  	s0 =	sshll.u32 @p1 s2, $0x6  }
0x3d7: {  	s5 =	sshll.u32 @!p1 s2, $0x6;
	s4 =	sshrl.u32 @p1 s0, $0x2  }
0x3d8: {  	s5 =	smov.u32 @p1 s0;
	[tilespmem:s4+$0x3678] =	vst.add.f32.msk @p1 $0xffff, v1  }
0x3d9: {  	s0 =	sshrl.u32 s5, $0x2;
	[tilespmem:s1+$0x3658] =	vst.msk $0x1, v0  }
0x3da: {  	v0 =	vld [tilespmem:s0+$0x3678];
	_ =	sdelay $0x2  }
0x3db: {  	s31 =	sshll.u32 s1, $0x6  }
0x3dc: {  	s0 =	sshra.s32 s31, $0x2  }
0x3dd: {  	s1 =	sadd.s32 $0x1, s1;
	[tilespmem:s0+$0x3678] =	vst v0  }
.LBB3_47:
0x3de: {  	s2 =	sadd.s32 $0x1, s2  }
0x3df: {  	p1 =	sne.s32 s2, $0x20  }
.Ltmp40:
0x3e0: {  	_ = 	snop;
	(pc) =	sbr.rel @!p1 .LBB3_48-.Ltmp40, $1  }
0x3e1: {  	_ =	sdelay $0x3  }
.LBB3_40:
0x3e2: {  	v0 =	vld.msk [tilespmem:s2+$0x3658], $0x1;
	_ =	sdelay $0x4  }
0x3e3: {  	(v2sf) =	vpush v0, $0x0;
	_ =	sdelay $0xe  }
0x3e4: {  	s4 =	spop (v2sf)  }
0x3e5: {  	p1 =	seq.s32 s4, $0xFFFFFFFF  }
.Ltmp41:
0x3e6: {  	_ = 	snop;
	(pc) =	sbr.rel @p1 .LBB3_47-.Ltmp41, $1  }
0x3e7: {  	_ =	sdelay $0x3  }
0x3e8: {  	p1 =	slt.s32 s1, $0x1  }
.Ltmp42:
0x3e9: {  	_ = 	snop;
	(pc) =	sbr.rel @p1 .LBB3_45-.Ltmp42, $1  }
0x3ea: {  	_ =	sdelay $0x3  }
0x3eb: {  	s5 =	simm.s32 $0x3658;
	p1 =	por $0x0, $0x0  }
0x3ec: {  	v1 =	vld.msk @!p1 [tilespmem:s5+$0x0], $0x1;
	_ =	sdelay $0x4  }
0x3ed: {  	(v2sf) =	vpush @!p1 v1, $0x0;
	_ =	sdelay $0xd  }
0x3ee: {  	p3 =	sne.s32 s1, $0x1  }
.Ltmp43:
0x3ef: {  	s0 =	spop @!p1 (v2sf);
	(pc) =	sbr.rel @!p3 .LBB3_44-.Ltmp43, $4  }
0x3f0: {  	p2 =	seq.s32 @!p1 s4, s0  }
0x3f1: {  	s6 =	simm.s32 $0x0;
	p2 =	por !p2, p1  }
0x3f2: {  	s0 =	simm.s32 $0xFFFFFFFF;
	s6 =	simm.s32 @p2 $0xFFFFFFFF  }
0x3f3: {  	s7 =	simm.s32 $0x1;
	s6 =	smov.u32 @p1 s0  }
.LBB3_43:
0x3f4: {  	s0 =	smov.u32 s6;
	p1 =	sne.s32 s6, $0xFFFFFFFF  }
0x3f5: {  	s5 =	sadd.s32 $0x1, s5;
	s6 =	smov.u32 s7;
	s7 =	sadd.s32 $0x1, s7  }
0x3f6: {  	p2 =	sne.s32 s1, s7;
	v1 =	vld.msk @!p1 [tilespmem:s5+$0x0], $0x1;
	_ =	sdelay $0x4  }
0x3f7: {  	(v2sf) =	vpush @!p1 v1, $0x0;
	_ =	sdelay $0xe  }
.Ltmp44:
0x3f8: {  	s8 =	spop @!p1 (v2sf);
	(pc) =	sbr.rel @p2 .LBB3_43-.Ltmp44, $4  }
0x3f9: {  	p3 =	seq.s32 @!p1 s4, s8  }
0x3fa: {  	p3 =	por !p3, p1  }
0x3fb: {  	s6 =	simm.s32 @p3 $0xFFFFFFFF  }
0x3fc: {  	s6 =	smov.u32 @p1 s0  }
.LBB3_44:
0x3fd: {  	p1 =	sne.s32 s6, $0xFFFFFFFF  }
.Ltmp45:
0x3fe: {  	_ = 	snop;
	(pc) =	sbr.rel @!p1 .LBB3_45-.Ltmp45, $1  }
0x3ff: {  	_ =	sdelay $0x3  }
0x400: {  	s0 =	sshll.u32 s2, $0x4  }
0x401: {  	s0 =	sand.u32 $0x3FFFFFF0, s0  }
0x402: {  	v0 =	vld [tilespmem:s0+$0x3678]  }
.Ltmp46:
0x403: {  	_ = 	snop;
	(pc) =	sbr.rel .LBB3_47-.Ltmp46, $4  }
0x404: {  	_ = 	snop  }
0x405: {  	s31 =	sshll.u32 s6, $0x6  }
0x406: {  	s0 =	sshra.s32 s31, $0x2  }
0x407: {  	[tilespmem:s0+$0x3678] =	vst.add.f32.msk $0xffff, v0  }
.LBB3_48:
0x408: {  	p1 =	slt.s32 s1, $0x1  }
.Ltmp47:
0x409: {  	_ = 	snop;
	(pc) =	sbr.rel @p1 .LBB3_52-.Ltmp47, $3  }
0x40a: {  	_ =	sdelay $0x1  }
0x40b: {  	s0 =	simm.s32 $0x8  }
0x40c: {  	s2 =	simm.s32 $0x0;
	[sflag:s0] =	ssyncpa.u1 $0x1  }
0x40d: {  	s0 =	simm.s32 $0x3658  }
0x40e: {  	v0 =	vld.msk [tilespmem:s0+$0x0], $0x1;
	_ =	sdelay $0x4  }
0x40f: {  	(v2sf) =	vpush v0, $0x0;
	_ =	sdelay $0xe  }
0x410: {  	s1 =	sadd.s32 $0xFFFFFFFF, s1;
	s0 =	spop (v2sf)  }
0x411: {  	p2 =	sne.s32 s1, $0x0;
	p1 =	sgt.u32 s0, $0x270FE  }
.Ltmp48:
0x412: {  	s5 =	sand.u32 @!p1 $0x3FFF8, s0;
	(pc) =	sbr.rel @!p2 .LBB3_51-.Ltmp48, $4  }
0x413: {  	s4 =	simm.s32 $0x3678;
	s0 =	sand.u32 @!p1 $0x7, s0;
	s5 =	sadd.s32 @!p1 s3, s5  }
0x414: {  	[hbm4b:s5+s0] =	stream.linear.scatter @!p1 [tilespmem:s4], [sflag:$0x7], $0x10, $0x38;
	[tilespmem:$0x1F0F8] =	vst v63  }
0x415: {  	s0 =	simm.s32 $0x0  }
0x416: {  	s5 =	simm.s32 $0x3659;
	s0 =	simm.s32 @!p1 $0x40  }
.LBB3_50:
0x417: {  	v0 =	vld.msk [tilespmem:s5+$0x0], $0x1;
	s1 =	sadd.s32 $0xFFFFFFFF, s1;
	s2 =	sadd.s32 s2, s0  }
0x418: {  	p1 =	sne.s32 s1, $0x0;
	_ =	sdelay $0x3  }
0x419: {  	(v2sf) =	vpush v0, $0x0;
	_ =	sdelay $0xe  }
.Ltmp49:
0x41a: {  	s6 =	spop (v2sf);
	(pc) =	sbr.rel @p1 .LBB3_50-.Ltmp49, $4  }
0x41b: {  	s0 =	simm.s32 $0x0;
	p2 =	sgt.u32 s6, $0x270FE  }
0x41c: {  	s4 =	sadd.s32 $0x10, s4;
	s0 =	simm.s32 @!p2 $0x40;
	s7 =	sand.u32 @!p2 $0x3FFF8, s6  }
0x41d: {  	s5 =	sadd.s32 $0x1, s5;
	s6 =	sand.u32 @!p2 $0x7, s6;
	s7 =	sadd.s32 @!p2 s3, s7  }
0x41e: {  	[hbm4b:s7+s6] =	stream.linear.scatter @!p2 [tilespmem:s4], [sflag:$0x7], $0x10, $0x38;
	[tilespmem:$0x1F0F8] =	vst v63  }
.LBB3_51:
0x41f: {  	s0 =	sadd.s32 s2, s0  }
0x420: {  	s2 =	sshrl.u32 s0, $0x2  }
.LBB3_52:
0x421: {  	s0 =	simm.s32 $0x7  }
0x422: {  	_ =	swait.ge [sflag:s0], s2  }
0x423: {  	s1 =	ssub.s32 $0x0, s2;
	[sflag:s0] =	ssyncset.done $0x0  }
0x424: {  	[sflag:s0] =	ssyncadd.s32 s1  }
0x425: {  	[sflag:s0] =	ssyncpa.u1 $0x1  }
.LBB3_53:
0x426: {  	_ =	sfence;
	s0 =	simm.s32 $0x1  }
0x427: {  	[sflag:s0] =	ssyncpa.u1 $0x1  }
0x428: {  	_ =	strace $0x9000004D  }
0x429: {  	[bflag:$0x2] =	sbarrier.arrive $0xFFFF  }
0x42a: {  	s0 =	rddreg [dreg:$0x3]  }
0x42b: {  	s0 =	sadd.s32 @!p0 $0x100000, s0  }
0x42c: {  	[sflag:s0] =	ssyncadd.tile.s32 @!p0 $0x1;
	_ =	shalt  }
.Lfunc_end3:
_tile_overlayer_lowered:
.L_overlay_start_3:
0x42d: {  	(tag) =	ssettag $0x3  }
0x42e: {  	s0 =	rddreg [dreg:$0x0];
	s2 =	stileid.u32  }
0x42f: {  	s1 =	rddreg [dreg:$0x1];
	p0 =	sne.s32 s2, $0x0  }
0x430: {  	s3 =	rddreg [dreg:$0x2];
	[bflag:$0x3] =	sbarrier.arrive $0xFFFF;
	s2 =	simm.s32 @!p0 $0x1C01  }
0x431: {  	[timem:s3], [sflag:s2] =	dma.local @!p0 [hbm:s0], s1  }
0x432: {  	s0 =	simm.s32 @!p0 $0x1  }
0x433: {  	_ =	swait.ge @!p0 [sflag:s0], s1  }
0x434: {  	s1 =	ssub.s32 @!p0 $0x0, s1;
	[sflag:s0] =	ssyncset.done @!p0 $0x0  }
0x435: {  	[sflag:s0] =	ssyncadd.s32 @!p0 s1  }
0x436: {  	[bflag:$0x3] =	sbarrier.arrive $0xFFFF  }
0x437: {  	_ =	shalt  }

// kernel: scatter_offload_async_start
scs
__scs_entry_jumppad:
0x0: {  	(pc) =	sbr.rel $0x88, $3  }
0x1: {  	(tag) =	ssettag $0x0;
	lr =	simm.s32 $0x1  }
0x2: {  	[smem:$0x3F93] =	sst lr;
	_ =	strace $0xD0000000  }
0x3: {  	_ = 	snop  }
0x4: {  	_ = 	snop  }
0x5: {  	_ = 	snop  }
0x6: {  	_ = 	snop  }
0x7: {  	_ = 	snop  }
__scs_overlays_trampoline_lowered:
0x8: {  	[smem:$0x3FA2] =	sst s0  }
0x9: {  	[smem:$0x3FA3] =	sst s1  }
0xa: {  	[smem:$0x3FA4] =	sst s2  }
0xb: {  	[smem:$0x3FA5] =	sst s3  }
0xc: {  	[smem:$0x3FA6] =	sst s4  }
0xd: {  	[smem:$0x3FA7] =	sst s5  }
0xe: {  	[smem:$0x3FA8] =	sst s6  }
0xf: {  	[smem:$0x3FA9] =	sst s7  }
0x10: {  	[smem:$0x3FAA] =	sst s8  }
0x11: {  	[smem:$0x3FAB] =	sst s9;
	s0 =	simm.s32 @!p0 $0x0  }
0x12: {  	s1 =	sld [smem:$0x3F91];
	s0 =	simm.s32 @p0 $0x1  }
0x13: {  	[smem:$0x3FAC] =	sst s0;
	s0 =	simm.s32 @!p1 $0x0  }
0x14: {  	s2 =	sld [smem:$0x3F90];
	s0 =	simm.s32 @p1 $0x1  }
0x15: {  	[smem:$0x3FAD] =	sst s0;
	s0 =	simm.s32 @!p2 $0x0  }
0x16: {  	s3 =	sld [smem:$0x3FDB];
	s0 =	simm.s32 @p2 $0x1  }
0x17: {  	s4 =	simm.s32 $0x1BF5;
	[smem:$0x3FAF] =	sst s0  }
0x18: {  	s0 =	sld [smem:$0x3F92];
	_ =	swait.ge [sflag:s4], $0x0  }
0x19: {  	s7 =	sld [smem:$0x3F93]  }
0x1a: {  	s8 =	sadd.s32 $0xFFFFE003, lr  }
0x1b: {  	s9 =	sadd.s32 $0xFFFFFEF7, lr;
	s5 =	simm.s32 $0xFFFFFFFF;
	p2 =	slt.u32 s8, $0xFFFFF086  }
0x1c: {  	p1 =	slt.u32 s9, $0xF7A;
	s5 =	simm.s32 @!p2 $0x0  }
0x1d: {  	s5 =	simm.s32 @p1 $0x1;
	p0 =	seq.s32 s7, s2  }
0x1e: {  	s7 =	smul.u32 @!p0 $0xF7A, s2;
	p2 =	seq.s32 @!p0 s5, $0x0  }
0x1f: {  	s9 =	smul.u32 $0xF7A, s1;
	s8 =	simm.s32 @!p0 $0x1BF5;
	p2 =	por !p2, p0  }
0x20: {  	[sflag:s8] =	ssyncset.s32 @!p0 $0xFFFFF086;
	s6 =	sadd.s32 @!p0 s3, s7;
	s7 =	simm.s32 @!p0 $0x108  }
0x21: {  	s3 =	sadd.s32 s3, s9;
	s6 =	sadd.s32 @!p0 $0x88, s6;
	s7 =	simm.s32 @p2 $0x1082  }
0x22: {  	[simem:s7], [sflag:s8] =	dma.local @!p0 [hbm:s6], $0xF7A  }
0x23: {  	s9 =	sor.u32 $0xD0000000, s2;
	s6 =	simm.s32 $0x108;
	_ =	swait.ge @!p0 [sflag:s8], $0x0  }
0x24: {  	s3 =	sadd.s32 $0x88, s3;
	s6 =	simm.s32 @!p1 $0x1082;
	[sflag:s4] =	ssyncset.s32 $0xFFFFF086  }
0x25: {  	[simem:s6], [sflag:s4] =	dma.local [hbm:s3], $0xF7A  }
0x26: {  	[smem:$0x3F93] =	sst s1;
	(tag) =	ssettag s2;
	_ =	strace s9  }
0x27: {  	s1 =	sld [smem:$0x3FA3]  }
0x28: {  	s2 =	sld [smem:$0x3FA4]  }
0x29: {  	s4 =	sld [smem:$0x3FA6]  }
0x2a: {  	p0 =	seq.s32 s5, $0x0;
	s5 =	sld [smem:$0x3FA7]  }
0x2b: {  	s6 =	sld [smem:$0x3FA8]  }
0x2c: {  	s7 =	sld [smem:$0x3FA9]  }
0x2d: {  	s3 =	simm.s32 $0x108;
	s8 =	sld [smem:$0x3FAA]  }
0x2e: {  	s3 =	simm.s32 @!p0 $0x1082;
	s9 =	sld [smem:$0x3FAB]  }
0x2f: {  	lr =	sadd.s32 s0, s3;
	s0 =	sld [smem:$0x3FA2]  }
0x30: {  	s3 =	sld [smem:$0x3FA5]  }
0x31: {  	[smem:$0x3FAE] =	sst s10  }
0x32: {  	s10 =	sld [smem:$0x3FAC];
	_ =	sdelay $0x3  }
0x33: {  	p0 =	seq.s32 s10, $0x1;
	s10 =	sld [smem:$0x3FAE];
	_ =	sdelay $0x3  }
0x34: {  	[smem:$0x3FAE] =	sst s10  }
0x35: {  	s10 =	sld [smem:$0x3FAD];
	_ =	sdelay $0x3  }
0x36: {  	p1 =	seq.s32 s10, $0x1;
	s10 =	sld [smem:$0x3FAE];
	_ =	sdelay $0x3  }
0x37: {  	[smem:$0x3FAE] =	sst s10  }
0x38: {  	s10 =	sld [smem:$0x3FAF]  }
0x39: {  	_ = 	snop;
	(pc) =	sbr.ind lr, $3  }
0x3a: {  	_ = 	snop  }
0x3b: {  	_ = 	snop  }
0x3c: {  	p2 =	seq.s32 s10, $0x1;
	s10 =	sld [smem:$0x3FAE]  }
0x3d: {  	_ =	shalt  }
0x3e: {  	_ =	shalt  }
0x3f: {  	_ =	shalt  }
0x40: {  	_ =	shalt  }
0x41: {  	_ =	shalt  }
0x42: {  	_ =	shalt  }
0x43: {  	_ =	shalt  }
0x44: {  	_ =	shalt  }
0x45: {  	_ =	shalt  }
0x46: {  	_ =	shalt  }
0x47: {  	_ =	shalt  }
0x48: {  	_ =	shalt  }
0x49: {  	_ =	shalt  }
0x4a: {  	_ =	shalt  }
0x4b: {  	_ =	shalt  }
0x4c: {  	_ =	shalt  }
0x4d: {  	_ =	shalt  }
0x4e: {  	_ =	shalt  }
0x4f: {  	_ =	shalt  }
0x50: {  	_ =	shalt  }
0x51: {  	_ =	shalt  }
0x52: {  	_ =	shalt  }
0x53: {  	_ =	shalt  }
0x54: {  	_ =	shalt  }
0x55: {  	_ =	shalt  }
0x56: {  	_ =	shalt  }
0x57: {  	_ =	shalt  }
0x58: {  	_ =	shalt  }
0x59: {  	_ =	shalt  }
0x5a: {  	_ =	shalt  }
0x5b: {  	_ =	shalt  }
0x5c: {  	_ =	shalt  }
0x5d: {  	_ =	shalt  }
0x5e: {  	_ =	shalt  }
0x5f: {  	_ =	shalt  }
0x60: {  	_ =	shalt  }
0x61: {  	_ =	shalt  }
0x62: {  	_ =	shalt  }
0x63: {  	_ =	shalt  }
0x64: {  	_ =	shalt  }
0x65: {  	_ =	shalt  }
0x66: {  	_ =	shalt  }
0x67: {  	_ =	shalt  }
0x68: {  	_ =	shalt  }
0x69: {  	_ =	shalt  }
0x6a: {  	_ =	shalt  }
0x6b: {  	_ =	shalt  }
0x6c: {  	_ =	shalt  }
0x6d: {  	_ =	shalt  }
0x6e: {  	_ =	shalt  }
0x6f: {  	_ =	shalt  }
0x70: {  	_ =	shalt  }
0x71: {  	_ =	shalt  }
0x72: {  	_ =	shalt  }
0x73: {  	_ =	shalt  }
0x74: {  	_ =	shalt  }
0x75: {  	_ =	shalt  }
0x76: {  	_ =	shalt  }
0x77: {  	_ =	shalt  }
0x78: {  	_ =	shalt  }
0x79: {  	_ =	shalt  }
0x7a: {  	_ =	shalt  }
0x7b: {  	_ =	shalt  }
0x7c: {  	_ =	shalt  }
0x7d: {  	_ =	shalt  }
0x7e: {  	_ =	shalt  }
0x7f: {  	_ =	shalt  }
0x80: {  	_ =	shalt  }
0x81: {  	_ =	shalt  }
0x82: {  	_ =	shalt  }
0x83: {  	_ =	shalt  }
0x84: {  	_ =	shalt  }
0x85: {  	_ =	shalt  }
0x86: {  	_ =	shalt  }
0x87: {  	_ =	shalt  }
.Lfunc_end0:
.L_simem_size_0:
called_computation_lowered:
.L_overlay_start_0:
0x88: {  	s2 =	sld [smem:$0x3FD9]  }
0x89: {  	s3 =	sld [smem:$0x3FFE];
	_ =	sdelay $0x1  }
0x8a: {  	s1 =	srdreg.scid  }
0x8b: {  	s0 =	sand.u32 $0x1, s1  }
0x8c: {  	s12 =	sshll.u32 s0, $0xA;
	s2 =	sadd.s32 s3, s2  }
0x8d: {  	s2 =	sadd.s32 s2, s12  }
0x8e: {  	[smem:$0x3FBA] =	sst s2  }
0x8f: {  	_ = 	snop  }
0x90: {  	s4 =	sld [smem:$0x3FD0];
	(tm) =	ssettm $0x1  }
0x91: {  	s13 =	sld [smem:$0x3FFB];
	_ =	sdelay $0x3  }
0x92: {  	_ =	strace s13  }
0x93: {  	s2 =	sld [smem:$0x3FFC];
	_ =	sdelay $0x3  }
0x94: {  	_ =	strace s2  }
0x95: {  	s2 =	sld [smem:$0x3FFD];
	_ =	sdelay $0x3  }
0x96: {  	_ =	strace s2  }
0x97: {  	_ =	strace $0x8FFFFFFF  }
0x98: {  	s14 =	sld [smem:$0x3FDB];
	_ =	sdelay $0x1  }
0x99: {  	s15 =	simm.s32 $_scs_section_size  }
0x9a: {  	s5 =	simm.s32 $_size__tile_overlayer_lowered;
	s6 =	simm.s32 $_tile_overlayer_lowered  }
0x9b: {  	s19 =	simm.s32 $0x1BFF;
	s17 =	sshll.u32 s6, $0x1;
	s7 =	sadd.s32 s15, s14  }
0x9c: {  	s20 =	simm.s32 $0x0;
	s16 =	sshll.u32 s5, $0x1;
	s18 =	sadd.s32 s17, s7  }
0x9d: {  	[timem:s20], [sflag:s19] =	dma.local [hbm:s18], s16  }
0x9e: {  	_ =	swait.ge [sflag:s19], s16  }
0x9f: {  	s3 =	ssub.s32 $0x0, s16;
	[sflag:s19] =	ssyncset.done $0x0  }
0xa0: {  	[sflag:s19] =	ssyncadd.s32 s3;
	_ =	sdelay $0x1  }
0xa1: {  	s21 =	simm.s32 $0x1B8B  }
0xa2: {  	_ =	swait.ge [sflag:s21], $0x1  }
0xa3: {  	[sflag:s21] =	ssyncset.done $0x0  }
0xa4: {  	[sflag:s21] =	ssyncadd.s32 $0xFFFFFFFF  }
0xa5: {  	s3 =	sld [smem:$0x0]  }
0xa6: {  	s5 =	sand.u32 $0xFFFFFFFE, s1  }
0xa7: {  	p0 =	sne.s32 s1, s5  }
0xa8: {  	s5 =	sshll.u32 @p0 s5, $0xE  }
0xa9: {  	s6 =	sadd.s32 @p0 $0x11B8D, s5;
	s8 =	sshll.u32 @p0 s3, $0x11  }
0xaa: {  	s6 =	sor.u32 @p0 s8, s6  }
0xab: {  	[sflag:s6] =	ssyncadd.remote.s32 @p0 $0x1;
	_ =	sdelay $0x1  }
0xac: {  	s6 =	simm.s32 @p0 $0x1B8D  }
0xad: {  	_ =	swait.eq @p0 [sflag:s6], $0x1  }
0xae: {  	[sflag:s6] =	ssyncadd.s32 @p0 $0xFFFFFFFF  }
0xaf: {  	s8 =	sshll.u32 @!p0 s1, $0xE  }
0xb0: {  	s8 =	sor.u32 @!p0 $0x4000, s8;
	s6 =	simm.s32 @!p0 $0x1B8D  }
0xb1: {  	s10 =	sshll.u32 @!p0 s3, $0x11;
	s9 =	sadd.s32 @!p0 $0x11B8D, s8;
	_ =	swait.eq @!p0 [sflag:s6], $0x1  }
0xb2: {  	[sflag:s6] =	ssyncadd.s32 @!p0 $0xFFFFFFFF;
	s6 =	sor.u32 @!p0 s10, s9  }
0xb3: {  	s23 =	simm.s32 $0x1B8E;
	s22 =	sld [smem:$0x3FFE];
	[sflag:s6] =	ssyncadd.remote.s32 @!p0 $0x1  }
0xb4: {  	s24 =	simm.s32 $execute0_lowered;
	[smem:$0x3FD2] =	sst s23  }
0xb5: {  	s9 =	sshll.u32 s24, $0x1;
	_ =	strace $0x8000004F;
	[dreg:$0x1] =	wrdreg $0xFFFFFFFF  }
0xb6: {  	s25 =	simm.s32 $_size_execute0_lowered;
	s9 =	sadd.s32 s7, s9;
	[dreg:$0x0] =	wrdreg $0x0  }
0xb7: {  	s10 =	sshll.u32 s25, $0x1;
	[dreg:$0x2] =	wrdreg s9  }
0xb8: {  	[dreg:$0x3] =	wrdreg s10  }
0xb9: {  	[dreg:$0x4] =	wrdreg $0xC0  }
0xba: {  	s26 =	simm.s32 $execute1_lowered;
	_ =	task [dreg:s20], $0x5FFFF  }
0xbb: {  	s9 =	sshll.u32 s26, $0x1;
	[dreg:$0x1] =	wrdreg $0xFFFFFFFF  }
0xbc: {  	s7 =	sadd.s32 s7, s9;
	[dreg:$0x0] =	wrdreg $0x60  }
0xbd: {  	[dreg:$0x2] =	wrdreg s7  }
0xbe: {  	[dreg:$0x3] =	wrdreg s4  }
0xbf: {  	[dreg:$0x4] =	wrdreg s22  }
0xc0: {  	[dreg:$0x5] =	wrdreg $0x9  }
0xc1: {  	_ =	task.clear_ibuf [dreg:s20], $0x6FFFF;
	_ =	strace $0x9000004F  }
0xc2: {  	s28 =	simm.s32 $0x9;
	_ =	strace $0x80000051  }
0xc3: {  	_ =	swait.ge [sflag:s28], $0x1  }
0xc4: {  	[sflag:s28] =	ssyncadd.s32 $0xFFFFFFFF  }
0xc5: {  	_ =	strace $0x90000051  }
0xc6: {  	s4 =	sld [smem:$0x0];
	_ =	sdelay $0x3  }
0xc7: {  	s5 =	sadd.s32 @p0 $0x11BF3, s5;
	s7 =	sshll.u32 @p0 s4, $0x11  }
0xc8: {  	s5 =	sor.u32 @p0 s7, s5  }
0xc9: {  	[sflag:s5] =	ssyncadd.remote.s32 @p0 $0x1;
	_ =	sdelay $0x1  }
0xca: {  	s5 =	simm.s32 @p0 $0x1BF3  }
0xcb: {  	_ =	swait.eq @p0 [sflag:s5], $0x1  }
0xcc: {  	[sflag:s5] =	ssyncadd.s32 @p0 $0xFFFFFFFF;
	_ =	sdelay $0x1  }
0xcd: {  	s5 =	simm.s32 @!p0 $0x1BF3  }
0xce: {  	s4 =	sshll.u32 @!p0 s4, $0x11;
	s7 =	sadd.s32 @!p0 $0x11BF3, s8;
	_ =	swait.eq @!p0 [sflag:s5], $0x1  }
0xcf: {  	s4 =	sor.u32 @!p0 s4, s7;
	[sflag:s5] =	ssyncadd.s32 @!p0 $0xFFFFFFFF  }
0xd0: {  	[sflag:s4] =	ssyncadd.remote.s32 @!p0 $0x1  }
0xd1: {  	_ =	strace $0x80000052;
	[dreg:$0x1] =	wrdreg $0xFFFFFFFF  }
0xd2: {  	[dreg:$0x0] =	wrdreg $0x2030  }
0xd3: {  	[dreg:$0x2] =	wrdreg s22  }
0xd4: {  	[dreg:$0x3] =	wrdreg s1  }
0xd5: {  	[dreg:$0x4] =	wrdreg s3  }
0xd6: {  	[dreg:$0x5] =	wrdreg $0xA  }
0xd7: {  	_ =	task.clear_ibuf [dreg:s20], $0x6FFFF;
	_ =	strace $0x90000052  }
0xd8: {  	s29 =	simm.s32 $0xA;
	_ =	strace $0x80000054  }
0xd9: {  	_ =	swait.ge [sflag:s29], $0x1  }
0xda: {  	[sflag:s29] =	ssyncadd.s32 $0xFFFFFFFF  }
0xdb: {  	_ =	strace $0x90000054  }
0xdc: {  	_ =	sfence  }
0xdd: {  	s30 =	sld [smem:$0x0];
	_ =	sdelay $0x2  }
0xde: {  	s31 =	sshll.u32 s1, $0xD;
	s1 =	sshrl.u32 s1, $0x2  }
0xdf: {  	s4 =	sand.u32 $0x4000, s31;
	s1 =	sadd.s32 s1, s30  }
0xe0: {  	s0 =	sor.u32 s4, s0;
	s1 =	sshll.u32 s1, $0x11  }
0xe1: {  	s0 =	sor.u32 s1, s0  }
0xe2: {  	s0 =	sadd.s32 $0x8F2B, s0  }
0xe3: {  	[sflag:s0] =	ssyncadd.remote.s32 $0x1  }
0xe4: {  	_ =	sfence.sel $0xFFFF  }
0xe5: {  	[dreg:$0x0] =	wrdreg $0xFFFFFFFF;
	(pc) =	sbr.abs _section_cstart, $3  }
0xe6: {  	[dreg:$0x1] =	wrdreg $0xFFFFFFFF  }
0xe7: {  	_ =	task.clear_ibuf [dreg:s20], $0x2FFFF;
	_ =	strace $0x9FFFFFFF  }
0xe8: {  	(tm) =	ssettm $0x7FFFFFFF  }
0xe9: {  	_ =	shalt  }
tec
execute0_lowered:
.L_overlay_start_1:
0x0: {  	(tag) =	ssettag $0x1  }
0x1: {  	s3 =	rddreg [dreg:$0x0]  }
0x2: {  	s2 =	rddreg [dreg:$0x1]  }
0x3: {  	s4 =	rddreg [dreg:$0x2]  }
0x4: {  	s0 =	rddreg [dreg:$0x3]  }
0x5: {  	s5 =	stileid.u32;
	[bflag:$0x3] =	sbarrier.arrive $0xFFFF;
	s1 =	simm.s32 $_size_execute1_lowered  }
0x6: {  	s29 =	srdreg.scid;
	s31 =	simm.s32 $0x2;
	p0 =	sne.s32 s5, $0x0  }
0x7: {  	s1 =	sshll.u32 s1, $0x1;
	s6 =	simm.s32 @!p0 $0x1C3F;
	s7 =	simm.s32 @!p0 $0x4060  }
0x8: {  	[timem:s7], [sflag:s6] =	dma.local @!p0 [hbm:s3], s1  }
0x9: {  	s8 =	simm.s32 $0x0;
	s12 =	simm.s32 $0x0;
	s3 =	sshll.u32 s29, $0x7  }
.Ltmp0:
0xa: {  	s5 =	sshll.u32 s5, $0x8;
	s3 =	sand.u32 $0x80, s3;
	(pc) =	sbr.rel .LBB2_1-.Ltmp0, $4  }
0xb: {  	s10 =	simm.s32 $0x0;
	s11 =	simm.s32 $0x0;
	s3 =	sor.u32 s5, s3  }
0xc: {  	_ =	strace $0x80000050;
	s5 =	simm.s32 $0x1;
	s30 =	ssub.s32 $0x2700, s3  }
0xd: {  	s4 =	sadd.s32 $0x50400, s4;
	[sflag:s5] =	ssyncpa.u1 $0x0;
	s6 =	sshrl.u32 s30, $0xC  }
0xe: {  	s9 =	smov.u32 s3;
	[sflag:s31] =	ssyncpa.u1 $0x0;
	s7 =	sadd.s32 $0x2, s6  }
.LBB2_4:
0xf: {  	_ = 	snop  }
.LBB2_7:
0x10: {  	_ =	sdelay $0x3  }
0x11: {  	[tilespmem:v0+s16+$0x0 ss:$0x1] =	vst.idx.msk @p1 $0xffff, v2  }
0x12: {  	v56 =	vld.idx.msk [tilespmem:v1+s15+$0x0 ss:$0x1], $0xffff;
	s24 =	sor.u32 $0x70, s15;
	[tilespmem:v0+s17+$0x0 ss:$0x1] =	vst.idx.msk @p1 $0xffff, v4  }
0x13: {  	s25 =	sor.u32 $0x10, s15;
	[tilespmem:v0+s18+$0x0 ss:$0x1] =	vst.idx.msk @p1 $0xffff, v3;
	v57 =	vld.idx.msk [tilespmem:v1+s24+$0x0 ss:$0x1], $0xffff  }
0x14: {  	s26 =	sor.u32 $0x20, s15;
	[tilespmem:v0+s19+$0x0 ss:$0x1] =	vst.idx.msk @p1 $0xffff, v5;
	v58 =	vld.idx.msk [tilespmem:v1+s25+$0x0 ss:$0x1], $0xffff  }
0x15: {  	s28 =	sor.u32 $0x30, s15;
	[tilespmem:v0+s20+$0x0 ss:$0x1] =	vst.idx.msk @p1 $0xffff, v6;
	v59 =	vld.idx.msk [tilespmem:v1+s26+$0x0 ss:$0x1], $0xffff  }
0x16: {  	s29 =	sor.u32 $0x40, s15;
	[tilespmem:v0+s21+$0x0 ss:$0x1] =	vst.idx.msk @p1 $0xffff, v7;
	v60 =	vld.idx.msk [tilespmem:v1+s28+$0x0 ss:$0x1], $0xffff  }
0x17: {  	s30 =	sor.u32 $0x50, s15;
	v61 =	vld.idx.msk [tilespmem:v1+s29+$0x0 ss:$0x1], $0xffff;
	[tilespmem:v0+s15+$0x0 ss:$0x1] =	vst.idx.msk $0xffff, v56  }
0x18: {  	s31 =	sor.u32 $0x60, s15;
	v62 =	vld.idx.msk [tilespmem:v1+s30+$0x0 ss:$0x1], $0xffff;
	[tilespmem:v0+s24+$0x0 ss:$0x1] =	vst.idx.msk $0xffff, v57  }
0x19: {  	v63 =	vld.idx.msk [tilespmem:v1+s31+$0x0 ss:$0x1], $0xffff;
	[tilespmem:v0+s25+$0x0 ss:$0x1] =	vst.idx.msk $0xffff, v58  }
0x1a: {  	[tilespmem:v0+s26+$0x0 ss:$0x1] =	vst.idx.msk $0xffff, v59  }
0x1b: {  	[tilespmem:v0+s28+$0x0 ss:$0x1] =	vst.idx.msk $0xffff, v60  }
0x1c: {  	[tilespmem:v0+s29+$0x0 ss:$0x1] =	vst.idx.msk $0xffff, v61  }
0x1d: {  	[tilespmem:v0+s30+$0x0 ss:$0x1] =	vst.idx.msk $0xffff, v62  }
0x1e: {  	[tilespmem:v0+s31+$0x0 ss:$0x1] =	vst.idx.msk $0xffff, v63  }
.LBB2_8:
0x1f: {  	s15 =	sand.u32 $0x1FFFFFF, s10  }
0x20: {  	s16 =	smulhi.u32 $0x1A36E2F, s15;
	_ =	sdelay $0x1  }
0x21: {  	s16 =	sshrl.u32 s16, $0x6  }
0x22: {  	s16 =	smul.u32 $0x2710, s16;
	_ =	sdelay $0x1  }
0x23: {  	s15 =	ssub.s32 s15, s16  }
0x24: {  	s15 =	sshll.u32 s15, $0x4  }
0x25: {  	s15 =	sadd.s32 s4, s15  }
0x26: {  	[hbm4b:s15+s8] =	stream.linear.scatter [tilespmem:s14], [sflag:$0x2], s13, $0x38;
	[tilespmem:$0x10000] =	vst v63  }
.LBB2_9:
0x27: {  	p1 =	slt.u32 s11, $0x2  }
0x28: {  	p2 =	sgt.s32 @!p1 s12, $0x2690  }
0x29: {  	s13 =	smov.u32 s12;
	s14 =	sshra.s32 @!p1 s12, $0x1F;
	p2 =	por !p2, p1  }
0x2a: {  	s12 =	sand.u32 @!p1 s14, s12;
	s13 =	simm.s32 @p2 $0x2690  }
0x2b: {  	s12 =	ssub.s32 @!p1 s13, s12  }
0x2c: {  	s12 =	sadd.s32 @!p1 $0xFFFFD970, s12  }
0x2d: {  	s13 =	sshll.u32 @!p1 s12, $0x9  }
0x2e: {  	p2 =	sgt.s32 @!p1 s12, $0x7F;
	s12 =	ssub.s32 @!p1 $0x10000, s13  }
0x2f: {  	s14 =	sadd.s32 $0x1000, s9;
	p2 =	por !p2, p1;
	s12 =	sshrl.u32 @!p1 s12, $0x2  }
0x30: {  	s12 =	simm.s32 @!p2 $0x0;
	p2 =	sgt.s32 s14, $0x270F  }
0x31: {  	s14 =	smov.u32 @p2 s3;
	p2 =	sne.s32 s11, s7  }
.Ltmp1:
0x32: {  	_ = 	snop;
	(pc) =	sbr.rel @!p2 .LBB2_10-.Ltmp1, $4  }
0x33: {  	s13 =	simm.s32 @!p1 $0x2  }
0x34: {  	_ =	swait.ge @!p1 [sflag:s13], s12;
	s15 =	ssub.s32 @!p1 $0x0, s12  }
0x35: {  	s12 =	smov.u32 s10;
	s11 =	sadd.s32 $0x1, s11;
	[sflag:s13] =	ssyncset.done @!p1 $0x0  }
0x36: {  	s10 =	smov.u32 s9;
	s9 =	smov.u32 s14;
	[sflag:s13] =	ssyncadd.s32 @!p1 s15  }
.LBB2_1:
0x37: {  	p1 =	sgt.u32 s11, s6  }
0x38: {  	s13 =	sand.u32 @!p1 $0x1FFFFFF, s9  }
0x39: {  	p2 =	sgt.s32 @!p1 s9, $0x2690;
	s14 =	smulhi.u32 @!p1 $0x1A36E2F, s13  }
0x3a: {  	s15 =	smov.u32 s9;
	s16 =	sshra.s32 @!p1 s9, $0x1F;
	p2 =	por !p2, p1  }
0x3b: {  	s16 =	sand.u32 @!p1 s16, s9;
	s15 =	simm.s32 @p2 $0x2690;
	s14 =	sshrl.u32 @!p1 s14, $0x6  }
0x3c: {  	s15 =	ssub.s32 @!p1 s15, s16;
	s14 =	smul.u32 @!p1 $0x2710, s14  }
0x3d: {  	s16 =	sxor.u32 @!p1 $0xFFFFFFFF, s11;
	s15 =	sadd.s32 @!p1 $0xFFFFD970, s15  }
0x3e: {  	s16 =	sshll.u32 @!p1 s16, $0xE;
	s13 =	ssub.s32 @!p1 s13, s14;
	s14 =	sshll.u32 @!p1 s15, $0x9  }
0x3f: {  	s16 =	sand.u32 @!p1 $0x4000, s16;
	p2 =	sgt.s32 @!p1 s15, $0x7F;
	s14 =	ssub.s32 @!p1 $0x10000, s14  }
0x40: {  	p2 =	por !p2, p1;
	s13 =	sshll.u32 @!p1 s13, $0x4;
	s14 =	sshrl.u32 @!p1 s14, $0x2  }
0x41: {  	s15 =	simm.s32 @!p1 $0x0;
	s13 =	sadd.s32 @!p1 s2, s13;
	s14 =	simm.s32 @!p2 $0x0  }
0x42: {  	[tilespmem:s16], [sflag:$0x1] =	stream.linear.gather @!p1 [hbm4b:s13+s15], s14, $0x38;
	[tilespmem:$0x10000] =	vst v63  }
0x43: {  	p1 =	seq.s32 s11, $0x0  }
0x44: {  	p2 =	sge.u32 @!p1 s11, s7  }
0x45: {  	p1 =	por p1, p2  }
.Ltmp2:
0x46: {  	_ = 	snop;
	(pc) =	sbr.rel @p1 .LBB2_9-.Ltmp2, $1  }
0x47: {  	_ =	sdelay $0x3  }
0x48: {  	p1 =	sgt.s32 s10, $0x2690;
	s13 =	smov.u32 s10;
	s14 =	sshra.s32 s10, $0x1F  }
0x49: {  	s13 =	simm.s32 @!p1 $0x2690;
	s14 =	sand.u32 s14, s10  }
0x4a: {  	s13 =	ssub.s32 s13, s14  }
0x4b: {  	s13 =	sadd.s32 $0xFFFFD970, s13  }
0x4c: {  	s31 =	sshll.u32 s13, $0x9  }
0x4d: {  	s14 =	ssub.s32 $0x10000, s31  }
0x4e: {  	p1 =	sgt.s32 s13, $0x7F;
	s13 =	sshrl.u32 s14, $0x2;
	s14 =	sadd.s32 $0x80, s10  }
0x4f: {  	s13 =	simm.s32 @p1 $0x0;
	p1 =	slt.s32 s14, $0x2710  }
0x50: {  	s14 =	simm.s32 @!p1 $0x2710  }
0x51: {  	s16 =	ssub.s32 s14, s10  }
0x52: {  	p1 =	slt.s32 s16, $0x1  }
.Ltmp3:
0x53: {  	_ = 	snop;
	(pc) =	sbr.rel @p1 .LBB2_8-.Ltmp3, $4  }
0x54: {  	_ = 	snop  }
0x55: {  	s15 =	sshll.u32 s11, $0xE;
	_ =	swait.ge [sflag:s5], s13  }
0x56: {  	s15 =	sand.u32 $0x4000, s15;
	s17 =	ssub.s32 $0x0, s13;
	[sflag:s5] =	ssyncset.done $0x0  }
0x57: {  	s14 =	sor.u32 $0x8000, s15;
	[sflag:s5] =	ssyncadd.s32 s17  }
0x58: {  	p2 =	sne.s32 s16, $0x1  }
.Ltmp4:
0x59: {  	v1 =	vmov s15;
	v0 =	vmov s14;
	(pc) =	sbr.rel @!p2 .LBB2_4-.Ltmp4, $3  }
0x5a: {  	_ =	sdelay $0x1  }
0x5b: {  	s17 =	simm.s32 $0x0  }
0x5c: {  	s23 =	sadd.s32 $0xFFFFFFFF, s16;
	p1 =	por $0x0, $0x0;
	s15 =	sand.u32 $0x3F80, s17  }
0x5d: {  	_ =	sdelay $0x3  }
0x5e: {  	v6 =	vld.idx.msk [tilespmem:v1+s15+$0x0 ss:$0x1], $0xffff;
	s24 =	sor.u32 $0x70, s15  }
0x5f: {  	s16 =	sor.u32 $0x10, s15;
	v8 =	vld.idx.msk [tilespmem:v1+s24+$0x0 ss:$0x1], $0xffff  }
0x60: {  	s17 =	sor.u32 $0x20, s15;
	p2 =	sne.s32 s23, $0x1;
	v2 =	vld.idx.msk [tilespmem:v1+s16+$0x0 ss:$0x1], $0xffff  }
.Ltmp5:
0x61: {  	s18 =	sor.u32 $0x30, s15;
	v4 =	vld.idx.msk [tilespmem:v1+s17+$0x0 ss:$0x1], $0xffff;
	(pc) =	sbr.rel @!p2 .LBB2_7-.Ltmp5, $4  }
0x62: {  	s19 =	sor.u32 $0x40, s15;
	v3 =	vld.idx.msk [tilespmem:v1+s18+$0x0 ss:$0x1], $0xffff  }
0x63: {  	s21 =	sor.u32 $0x60, s15;
	v5 =	vld.idx.msk [tilespmem:v1+s19+$0x0 ss:$0x1], $0xffff  }
0x64: {  	s20 =	sor.u32 $0x50, s15;
	s22 =	simm.s32 $0x80;
	v7 =	vld.idx.msk [tilespmem:v1+s21+$0x0 ss:$0x1], $0xffff;
	[tilespmem:v0+s15+$0x0 ss:$0x1] =	vst.idx.msk $0xffff, v6  }
0x65: {  	s23 =	sadd.s32 $0xFFFFFFFF, s23;
	p1 =	por $0x1, $0x1;
	v6 =	vld.idx.msk [tilespmem:v1+s20+$0x0 ss:$0x1], $0xffff;
	s15 =	sand.u32 $0x3F80, s22;
	[tilespmem:v0+s24+$0x0 ss:$0x1] =	vst.idx.msk $0xffff, v8  }
.LBB2_6:
0x66: {  	p2 =	sne.s32 s23, $0x1;
	v8 =	vld.idx.msk [tilespmem:v1+s15+$0x0 ss:$0x1], $0xffff;
	s24 =	sor.u32 $0x70, s15;
	[tilespmem:v0+s16+$0x0 ss:$0x1] =	vst.idx.msk $0xffff, v2;
	s16 =	sor.u32 $0x10, s15  }
0x67: {  	s25 =	sor.u32 $0x30, s15;
	s26 =	sor.u32 $0x40, s15;
	v9 =	vld.idx.msk [tilespmem:v1+s24+$0x0 ss:$0x1], $0xffff;
	[tilespmem:v0+s17+$0x0 ss:$0x1] =	vst.idx.msk $0xffff, v4;
	s17 =	sor.u32 $0x20, s15  }
0x68: {  	s28 =	sor.u32 $0x50, s15;
	s29 =	sor.u32 $0x60, s15;
	v2 =	vld.idx.msk [tilespmem:v1+s16+$0x0 ss:$0x1], $0xffff;
	[tilespmem:v0+s18+$0x0 ss:$0x1] =	vst.idx.msk $0xffff, v3;
	s18 =	smov.u32 s25  }
.Ltmp6:
0x69: {  	v4 =	vld.idx.msk [tilespmem:v1+s17+$0x0 ss:$0x1], $0xffff;
	[tilespmem:v0+s19+$0x0 ss:$0x1] =	vst.idx.msk $0xffff, v5;
	s19 =	smov.u32 s26;
	(pc) =	sbr.rel @p2 .LBB2_6-.Ltmp6, $4  }
0x6a: {  	v3 =	vld.idx.msk [tilespmem:v1+s18+$0x0 ss:$0x1], $0xffff;
	[tilespmem:v0+s20+$0x0 ss:$0x1] =	vst.idx.msk $0xffff, v6;
	s20 =	smov.u32 s28  }
0x6b: {  	v5 =	vld.idx.msk [tilespmem:v1+s19+$0x0 ss:$0x1], $0xffff;
	[tilespmem:v0+s21+$0x0 ss:$0x1] =	vst.idx.msk $0xffff, v7;
	s21 =	smov.u32 s29  }
0x6c: {  	s22 =	sadd.s32 $0x80, s22;
	[tilespmem:v0+s15+$0x0 ss:$0x1] =	vst.idx.msk $0xffff, v8;
	v6 =	vld.idx.msk [tilespmem:v1+s20+$0x0 ss:$0x1], $0xffff  }
0x6d: {  	s23 =	sadd.s32 $0xFFFFFFFF, s23;
	s15 =	sand.u32 $0x3F80, s22;
	v7 =	vld.idx.msk [tilespmem:v1+s21+$0x0 ss:$0x1], $0xffff;
	[tilespmem:v0+s24+$0x0 ss:$0x1] =	vst.idx.msk $0xffff, v9  }
.Ltmp7:
0x6e: {  	_ = 	snop;
	(pc) =	sbr.rel .LBB2_7-.Ltmp7, $1  }
0x6f: {  	_ =	sdelay $0x3  }
.LBB2_10:
0x70: {  	_ =	sfence.sel $0x180000  }
0x71: {  	s2 =	simm.s32 $0x1;
	[bflag:$0x0] =	sbarrier.arrive $0xFFFF  }
0x72: {  	s31 =	simm.s32 $0x2;
	[sflag:s2] =	ssyncpa.u1 $0x1  }
0x73: {  	[sflag:s31] =	ssyncpa.u1 $0x1  }
0x74: {  	_ =	strace $0x90000050  }
0x75: {  	s0 =	sadd.s32 @!p0 $0x100000, s0;
	[bflag:$0x2] =	sbarrier.arrive $0xFFFF  }
0x76: {  	[sflag:s0] =	ssyncadd.tile.s32 @!p0 $0x1;
	s0 =	simm.s32 @!p0 $0x3F  }
0x77: {  	_ =	swait.ge @!p0 [sflag:s0], s1  }
0x78: {  	s1 =	ssub.s32 @!p0 $0x0, s1;
	[sflag:s0] =	ssyncset.done @!p0 $0x0  }
0x79: {  	[sflag:s0] =	ssyncadd.s32 @!p0 s1  }
0x7a: {  	[bflag:$0x3] =	sbarrier.arrive $0xFFFF  }
0x7b: {  	_ =	shalt  }
.Lfunc_end2:
execute1_lowered:
.L_overlay_start_2:
0x7c: {  	(tag) =	ssettag $0x2  }
0x7d: {  	s2 =	rddreg [dreg:$0x0]  }
0x7e: {  	s3 =	rddreg [dreg:$0x1];
	_ =	strace $0x80000053;
	s0 =	simm.s32 $0x1  }
0x7f: {  	v0 =	vimm.s32 $0x0;
	[sflag:s0] =	ssyncpa.u1 $0x0;
	s0 =	simm.s32 $0x108  }
0x80: {  	[tilespmem:s0+$0x70] =	vst v0  }
0x81: {  	[tilespmem:s0+$0x60] =	vst v0  }
0x82: {  	[tilespmem:s0+$0x50] =	vst v0  }
0x83: {  	[tilespmem:s0+$0x40] =	vst v0  }
0x84: {  	s1 =	sadd.s32 $0x50400, s2;
	[tilespmem:s0+$0x30] =	vst v0  }
0x85: {  	s15 =	sadd.s32 $0xF09E00, s2;
	s6 =	sadd.s32 $0x13FFA00, s2;
	[tilespmem:s0+$0x20] =	vst v0  }
0x86: {  	s14 =	sadd.s32 $0xF13C00, s2;
	s5 =	sand.u32 $0x1, s3;
	s3 =	simm.s32 $0x40;
	[tilespmem:s0+$0x10] =	vst v0  }
.LBB3_1:
0x87: {  	s3 =	sadd.s32 $0x40, s3;
	[tilespmem:s0+$0x0] =	vst v0;
	s0 =	sadd.s32 $0x80, s0  }
0x88: {  	p0 =	slt.u32 s3, $0x3C40;
	[tilespmem:s0+$0x70] =	vst v0  }
0x89: {  	[tilespmem:s0+$0x60] =	vst v0  }
.Ltmp8:
0x8a: {  	[tilespmem:s0+$0x50] =	vst v0;
	(pc) =	sbr.rel @p0 .LBB3_1-.Ltmp8, $4  }
0x8b: {  	[tilespmem:s0+$0x40] =	vst v0  }
0x8c: {  	[tilespmem:s0+$0x30] =	vst v0  }
0x8d: {  	[tilespmem:s0+$0x20] =	vst v0  }
0x8e: {  	[tilespmem:s0+$0x10] =	vst v0  }
0x8f: {  	s9 =	stileid.u32  }
0x90: {  	s2 =	smul.u32 $0x29, s9  }
0x91: {  	s3 =	smin.u32 s9, $0xB  }
0x92: {  	s2 =	sadd.s32 s3, s2  }
0x93: {  	p0 =	slt.u32 s9, $0xB;
	s7 =	smul.u32 $0xF0, s2;
	s2 =	simm.s32 $0x2760  }
0x94: {  	s2 =	simm.s32 @!p0 $0x2670  }
0x95: {  	s2 =	sadd.s32 s2, s7  }
0x96: {  	s8 =	smin.u32 s2, $0x27100  }
0x97: {  	s2 =	ssub.s32 s8, s7  }
0x98: {  	p0 =	sgt.s32 s2, $0x0  }
0x99: {  	s29 =	simm.s32 $0x2;
	s10 =	simm.s32 $0x9;
	s2 =	simm.s32 @!p0 $0x0  }
0x9a: {  	s4 =	simm.s32 $0xA;
	s11 =	simm.s32 $0xB;
	s28 =	smulhi.u32 $0x88888889, s2  }
0x9b: {  	[dreg:$0x4] =	wrdreg s5;
	s31 =	smul.u32 $0x4E20, s5;
	s12 =	simm.s32 $0x1  }
0x9c: {  	s22 =	simm.s32 $0x0;
	s18 =	simm.s32 $0xC;
	s30 =	sshrl.u32 s28, $0x7  }
0x9d: {  	s20 =	simm.s32 $0x0;
	s21 =	simm.s32 $0x0;
	s3 =	smul.u32 $0xF0, s30  }
.Ltmp9:
0x9e: {  	[tilespmem:s0+$0x0] =	vst v0;
	v0 =	vimm.s32 $0xFFFFFFFF;
	[sflag:s29] =	ssyncpa.u1 $0x0;
	s16 =	sshll.u32 s9, $0x8;
	(pc) =	sbr.rel .LBB3_3-.Ltmp9, $4  }
0x9f: {  	[tilespmem:$0xF208] =	vst v0;
	[sflag:s10] =	ssyncpa.u1 $0x0;
	p0 =	sne.s32 s2, s3;
	s2 =	simm.s32 $0x1  }
0xa0: {  	s14 =	sadd.s32 s31, s14;
	[sflag:s4] =	ssyncpa.u1 $0x0;
	s2 =	simm.s32 @!p0 $0x0  }
0xa1: {  	s15 =	sadd.s32 s31, s15;
	[sflag:s11] =	ssyncpa.u1 $0x0;
	s13 =	sadd.s32 s2, s30  }
0xa2: {  	v0 =	vlaneseq.u32;
	s19 =	smov.u32 s7;
	p0 =	por $0x0, $0x0;
	s17 =	sadd.s32 $0x1, s13  }
.LBB3_18:
0xa3: {  	s0 =	sshrl.u32 s31, $0x2  }
.LBB3_20:
0xa4: {  	_ =	swait.ge [sflag:s18], s0  }
0xa5: {  	s31 =	ssub.s32 $0x0, s0;
	v1 =	vmov s24;
	vm0 =	veq.s32 v0, $0x0;
	[sflag:s18] =	ssyncset.done $0x0  }
0xa6: {  	vm15 =	veq.s32 v0, $0x2;
	v1 =	vsel vm0, s30, v1;
	[sflag:s18] =	ssyncadd.s32 s31  }
0xa7: {  	v1 =	vsel vm15, s22, v1;
	[sflag:s18] =	ssyncpa.u1 $0x1  }
0xa8: {  	[tilespmem:$0xF208] =	vst v1  }
.LBB3_21:
0xa9: {  	s0 =	sadd.s32 $0xF0, s19  }
0xaa: {  	s2 =	smov.u32 s7;
	p1 =	slt.s32 s0, s8  }
0xab: {  	s2 =	smov.u32 @p1 s0;
	p1 =	sne.s32 s21, s17  }
.Ltmp10:
0xac: {  	_ = 	snop;
	(pc) =	sbr.rel @!p1 .LBB3_22-.Ltmp10, $3  }
0xad: {  	_ =	sdelay $0x1  }
0xae: {  	s22 =	smov.u32 s20;
	s31 =	sadd.s32 $0x1, s21;
	s20 =	smov.u32 s19  }
0xaf: {  	p0 =	por !p0, !p0;
	s21 =	smov.u32 s31;
	s19 =	smov.u32 s2  }
.LBB3_3:
0xb0: {  	p1 =	sge.u32 s21, s13  }
0xb1: {  	s0 =	smulhi.u32 @!p1 $0xAAAAAAAB, s21  }
0xb2: {  	s2 =	smov.u32 s19;
	p2 =	sgt.s32 @!p1 s19, $0x27010  }
0xb3: {  	s3 =	sshra.s32 @!p1 s19, $0x1F;
	p2 =	por !p2, p1;
	s0 =	sshrl.u32 @!p1 s0, $0x1  }
0xb4: {  	s3 =	sand.u32 @!p1 s3, s19;
	s2 =	simm.s32 @p2 $0x27010;
	s0 =	smul.u32 @!p1 $0x3, s0  }
0xb5: {  	s2 =	ssub.s32 @!p1 s2, s3  }
0xb6: {  	s2 =	sadd.s32 @!p1 $0xFFFD8FF0, s2;
	s0 =	ssub.s32 @!p1 s21, s0  }
0xb7: {  	s3 =	sshll.u32 @!p1 s2, $0x2;
	p2 =	sgt.s32 @!p1 s2, $0xEF;
	s0 =	smul.u32 @!p1 $0x3C0, s0  }
0xb8: {  	s4 =	sand.u32 @!p1 $0x7, s19;
	s2 =	ssub.s32 @!p1 $0x3C0, s3;
	p2 =	por !p2, p1  }
0xb9: {  	s3 =	sshrl.u32 @!p1 s19, $0x3;
	s2 =	sshrl.u32 @!p1 s2, $0x2;
	s0 =	sshrl.u32 @!p1 s0, $0x2  }
0xba: {  	s3 =	sadd.s32 @!p1 s3, s14;
	s2 =	simm.s32 @!p2 $0x0;
	s0 =	sadd.s32 @!p1 $0x10248, s0  }
0xbb: {  	[tilespmem:s0], [sflag:$0xA] =	stream.linear.gather @!p1 [hbm4b:s3+s4], s2, $0x38;
	[tilespmem:$0x1F6F8] =	vst v63  }
0xbc: {  	s0 =	sadd.s32 $0xFFFFFFFF, s21  }
0xbd: {  	p1 =	sge.u32 s0, s13  }
0xbe: {  	p2 =	sgt.s32 @!p1 s20, $0x27010  }
0xbf: {  	s2 =	smov.u32 s20;
	s3 =	sshra.s32 @!p1 s20, $0x1F;
	p2 =	por !p2, p1  }
0xc0: {  	s3 =	sand.u32 @!p1 s3, s20;
	s2 =	simm.s32 @p2 $0x27010  }
0xc1: {  	s2 =	ssub.s32 @!p1 s2, s3  }
0xc2: {  	s2 =	sadd.s32 @!p1 $0xFFFD8FF0, s2  }
0xc3: {  	s4 =	sand.u32 @!p1 $0x1, s0;
	s3 =	sshll.u32 @!p1 s2, $0x2  }
0xc4: {  	p2 =	sgt.s32 @!p1 s2, $0xEF;
	s2 =	ssub.s32 @!p1 $0x3C0, s3;
	s3 =	smulhi.u32 @!p1 $0xAAAAAAAB, s0  }
0xc5: {  	s23 =	smul.u32 @!p1 $0x3C0, s4;
	p2 =	por !p2, p1;
	s2 =	sshrl.u32 @!p1 s2, $0x2  }
0xc6: {  	s5 =	simm.s32 @!p1 $0xA;
	s2 =	simm.s32 @!p2 $0x0;
	s3 =	sshrl.u32 @!p1 s3, $0x1  }
0xc7: {  	s23 =	sshrl.u32 @!p1 s23, $0x2;
	_ =	swait.ge @!p1 [sflag:s5], s2;
	s3 =	smul.u32 @!p1 $0x3, s3  }
0xc8: {  	s23 =	sadd.s32 @!p1 $0x10518, s23;
	s24 =	ssub.s32 @!p1 $0x0, s2;
	[sflag:s5] =	ssyncset.done @!p1 $0x0  }
0xc9: {  	[sflag:s5] =	ssyncadd.s32 @!p1 s24;
	s5 =	sshrl.u32 @!p1 s20, $0x3;
	s0 =	ssub.s32 @!p1 s0, s3  }
0xca: {  	s24 =	sand.u32 @!p1 $0x7, s20;
	s5 =	sadd.s32 @!p1 s5, s15;
	s0 =	smul.u32 @!p1 $0x3C0, s0  }
0xcb: {  	[tilespmem:s23], [sflag:$0xB] =	stream.linear.gather @!p1 [hbm4b:s5+s24], s2, $0x38;
	[tilespmem:$0x1F6F8] =	vst v63  }
0xcc: {  	s3 =	ssub.s32 @!p1 $0x27100, s20;
	s2 =	smul.u32 @!p1 $0x1E000, s4  }
0xcd: {  	p2 =	slt.s32 @!p1 s3, $0xF0  }
0xce: {  	p2 =	por !p2, p1;
	s0 =	sshrl.u32 @!p1 s0, $0x2;
	s2 =	sshrl.u32 @!p1 s2, $0x2  }
0xcf: {  	s3 =	simm.s32 @p2 $0xF0;
	s0 =	sadd.s32 @!p1 $0x10248, s0;
	s2 =	sor.u32 @!p1 $0x106F8, s2  }
0xd0: {  	[tilespmem:s2], [sflag:$0x9] =	stream.indirect.gather @!p1 [hbm4b:s6+s3], $0x80, s0, s3, $0xb8;
	[tilespmem:$0x1F6F8] =	vst v63  }
0xd1: {  	p1 =	slt.u32 s21, $0x2  }
.Ltmp11:
0xd2: {  	_ = 	snop;
	(pc) =	sbr.rel @p1 .LBB3_21-.Ltmp11, $1  }
0xd3: {  	_ =	sdelay $0x3  }
0xd4: {  	p1 =	sgt.s32 s22, $0x27010  }
0xd5: {  	s0 =	smov.u32 s22;
	s2 =	sshra.s32 s22, $0x1F;
	s3 =	ssub.s32 $0x27100, s22  }
0xd6: {  	s0 =	simm.s32 @!p1 $0x27010;
	s2 =	sand.u32 s2, s22;
	p1 =	slt.s32 s3, $0xF0  }
0xd7: {  	s0 =	ssub.s32 s0, s2;
	s3 =	simm.s32 @!p1 $0xF0  }
0xd8: {  	s0 =	sadd.s32 $0xFFFD8FF0, s0;
	s25 =	sshll.u32 s3, $0x7  }
0xd9: {  	s26 =	sshll.u32 s0, $0x2;
	s2 =	sand.u32 $0x3FFFFF80, s25  }
0xda: {  	p1 =	sgt.s32 s0, $0xEF;
	s29 =	ssub.s32 $0x3C0, s26;
	_ =	swait.ge [sflag:s10], s2  }
0xdb: {  	s2 =	ssub.s32 $0x0, s2;
	[sflag:s10] =	ssyncset.done $0x0;
	s0 =	sshrl.u32 s29, $0x2  }
0xdc: {  	[sflag:s10] =	ssyncadd.s32 s2;
	s0 =	simm.s32 @p1 $0x0  }
0xdd: {  	_ =	swait.ge [sflag:s11], s0  }
0xde: {  	s0 =	ssub.s32 $0x0, s0;
	[sflag:s11] =	ssyncset.done $0x0  }
0xdf: {  	[sflag:s11] =	ssyncadd.s32 s0  }
0xe0: {  	v1 =	vld [tilespmem:$0xF208];
	_ =	sdelay $0x4  }
0xe1: {  	(v2sf) =	vpush v1, $0x0  }
0xe2: {  	(v2sf) =	vpush v1, $0x1  }
0xe3: {  	(v2sf) =	vpush v1, $0x2;
	_ =	sdelay $0x3  }
0xe4: {  	s0 =	sadd.s32 $0xF0, s22  }
0xe5: {  	s2 =	ssub.s32 $0x4E200, s22;
	p1 =	slt.s32 s8, s0  }
0xe6: {  	s0 =	smov.u32 @p1 s8;
	p1 =	sgt.s32 s2, $0x0  }
0xe7: {  	s26 =	ssub.s32 s0, s22;
	s2 =	simm.s32 @!p1 $0x0  }
0xe8: {  	p1 =	slt.s32 s2, s26  }
0xe9: {  	s26 =	smov.u32 @p1 s2  }
0xea: {  	s25 =	simm.s32 $0x1;
	p1 =	slt.s32 s26, $0x1  }
.Ltmp12:
0xeb: {  	s25 =	simm.s32 @!p0 $0x0;
	(pc) =	sbr.rel @p1 .LBB3_8-.Ltmp12, $4  }
0xec: {  	s31 =	smul.u32 $0x3C0, s25  }
0xed: {  	s28 =	spop (v2sf)  }
0xee: {  	s0 =	sshrl.u32 s31, $0x2;
	s30 =	spop (v2sf)  }
0xef: {  	s23 =	sadd.s32 $0x10518, s0;
	s22 =	spop (v2sf)  }
0xf0: {  	s0 =	smin.u32 s26, $0x10  }
0xf1: {  	v1 =	vmov s0  }
0xf2: {  	p2 =	sgt.s32 s26, $0x10;
	vm1 =	vgt.u32 v1, v0  }
.Ltmp13:
0xf3: {  	_ = 	snop;
	(pc) =	sbr.rel @!p2 .LBB3_7-.Ltmp13, $2  }
0xf4: {  	_ =	sdelay $0x2  }
0xf5: {  	s4 =	simm.s32 $0x10;
	s24 =	sadd.s32 $0xFFFFFFF0, s26;
	s0 =	smov.u32 s23;
	vm0 =	vmmov vm1  }
.LBB3_6:
0xf6: {  	s2 =	smin.u32 s24, $0x10;
	s4 =	sadd.s32 $0x10, s4;
	v1 =	vld.msk [tilespmem:s0+$0x0 ss:$0x1], vm1  }
0xf7: {  	v2 =	vmov s2;
	p2 =	slt.s32 s4, s26  }
0xf8: {  	vm1 =	vgt.u32 v2, v0  }
.Ltmp14:
0xf9: {  	(pc) =	sbr.rel @p2 .LBB3_6-.Ltmp14, $3  }
0xfa: {  	_ =	sdelay $0x1  }
0xfb: {  	v1 =	vshll.u32 v1, $0x4  }
0xfc: {  	s24 =	sadd.s32 $0xFFFFFFF0, s24;
	[tilespmem:s0+$0x0] =	vst.msk vm0, v1;
	s0 =	sadd.s32 $0x10, s0;
	vm0 =	vmmov vm1  }
.LBB3_7:
0xfd: {  	_ =	sdelay $0x4  }
0xfe: {  	v1 =	vld.msk [tilespmem:s0+$0x0 ss:$0x1], vm1;
	_ =	sdelay $0x4  }
0xff: {  	v1 =	vshll.u32 v1, $0x4  }
0x100: {  	[tilespmem:s0+$0x0] =	vst.msk vm0, v1  }
.LBB3_8:
0x101: {  	s0 =	sand.u32 $0x1, s21  }
0x102: {  	s0 =	smul.u32 $0xF0, s0  }
0x103: {  	p2 =	sne.s32 s30, $0xFFFFFFFF  }
0x104: {  	v1 =	vld.msk @!p2 [tilespmem:s0+$0x10518], $0x1;
	_ =	sdelay $0x4  }
0x105: {  	(v2sf) =	vpush @!p2 v1, $0x0;
	_ =	sdelay $0xc  }
.Ltmp15:
0x106: {  	_ = 	snop;
	(pc) =	sbr.rel @p1 .LBB3_19-.Ltmp15, $4  }
0x107: {  	_ = 	snop  }
0x108: {  	s29 =	spop @!p2 (v2sf)  }
0x109: {  	s22 =	simm.s32 @!p2 $0x0;
	s24 =	smov.u32 s29  }
0x10a: {  	[sflag:s18] =	ssyncpa.u1 $0x0;
	s29 =	smov.u32 @p2 s28;
	s24 =	smov.u32 @p2 s30  }
0x10b: {  	v1 =	vld.msk [tilespmem:s23+$0x0], $0x1;
	_ =	sdelay $0x4  }
0x10c: {  	(v2sf) =	vpush v1, $0x0;
	_ =	sdelay $0xe  }
0x10d: {  	s2 =	smul.u32 $0x1E000, s25;
	s0 =	spop (v2sf)  }
0x10e: {  	s26 =	ssub.s32 $0x0, s26;
	p1 =	seq.s32 s29, s0  }
0x10f: {  	s30 =	sadd.s32 $0x1, s26;
	s2 =	sshrl.u32 s2, $0x2;
	p2 =	sgt.s32 @!p1 s29, $0x0  }
0x110: {  	s25 =	sor.u32 $0x10738, s2;
	s2 =	smov.u32 s29;
	p2 =	por !p2, p1  }
0x111: {  	s2 =	simm.s32 @p2 $0x0;
	p2 =	seq.s32 s30, $0x0  }
.Ltmp16:
0x112: {  	_ = 	snop;
	(pc) =	sbr.rel @p2 .LBB3_11-.Ltmp16, $4  }
0x113: {  	_ = 	snop  }
0x114: {  	s28 =	simm.s32 $0x0;
	s31 =	sadd.s32 $0x1, s23;
	s2 =	smin.u32 @!p1 s2, $0x270F0  }
0x115: {  	s4 =	simm.s32 @!p1 $0x1;
	s5 =	simm.s32 @!p1 $0x7988;
	s3 =	sand.u32 @!p1 $0x3FFF8, s2  }
0x116: {  	s4 =	smov.u32 @p1 s28;
	s2 =	sand.u32 @!p1 $0x7, s2;
	s3 =	sadd.s32 @!p1 s1, s3  }
.LBB3_10:
0x117: {  	s9 =	smov.u32 s4  }
0x118: {  	[tilespmem:s5], [sflag:$0x2] =	stream.linear.gather @!p1 [hbm4b:s3+s2], $0x80, $0x38;
	[tilespmem:$0x1F6F8] =	vst v63  }
0x119: {  	s30 =	sadd.s32 $0x1, s30;
	s2 =	smov.u32 s0;
	v1 =	vld.msk [tilespmem:s31+$0x0], $0x1  }
0x11a: {  	p2 =	seq.s32 s30, $0x0;
	_ =	sdelay $0x3  }
0x11b: {  	(v2sf) =	vpush v1, $0x0;
	_ =	sdelay $0xe  }
0x11c: {  	s0 =	spop (v2sf)  }
0x11d: {  	p1 =	seq.s32 s2, s0  }
0x11e: {  	p3 =	sgt.s32 @!p1 s2, $0x0;
	s3 =	sshll.u32 @!p1 s4, $0x9;
	s4 =	sadd.s32 @!p1 $0x1, s4  }
.Ltmp17:
0x11f: {  	p3 =	por !p3, p1;
	s3 =	sshra.s32 @!p1 s3, $0x2;
	(pc) =	sbr.rel @!p2 .LBB3_10-.Ltmp17, $4  }
0x120: {  	s4 =	smov.u32 @p1 s9;
	s2 =	simm.s32 @p3 $0x0;
	s5 =	sadd.s32 @!p1 $0x7988, s3  }
0x121: {  	s2 =	smin.u32 @!p1 s2, $0x270F0  }
0x122: {  	s3 =	sand.u32 @!p1 $0x3FFF8, s2;
	s2 =	sand.u32 @!p1 $0x7, s2  }
0x123: {  	s31 =	sadd.s32 $0x1, s31;
	s3 =	sadd.s32 @!p1 s1, s3  }
.LBB3_11:
0x124: {  	[tilespmem:s5], [sflag:$0x2] =	stream.linear.gather @!p1 [hbm4b:s3+s2], $0x80, $0x38;
	[tilespmem:$0x1F6F8] =	vst v63  }
.Ltmp18:
0x125: {  	s0 =	sshll.u32 s4, $0x7;
	(pc) =	sbr.rel .LBB3_12-.Ltmp18, $4  }
0x126: {  	s30 =	simm.s32 $0x2;
	s0 =	sand.u32 $0x3FFFFF80, s0  }
0x127: {  	_ =	swait.ge [sflag:s30], s0  }
0x128: {  	s0 =	ssub.s32 $0x0, s0;
	[sflag:s30] =	ssyncset.done $0x0  }
0x129: {  	s31 =	simm.s32 $0x0;
	[sflag:s30] =	ssyncadd.s32 s0  }
.LBB3_13:
0x12a: {  	v1 =	vld [tilespmem:s25+$0xFFFFFFC0];
	_ =	sdelay $0x3  }
0x12b: {  	s0 =	sshra.s32 s0, $0x2  }
0x12c: {  	[tilespmem:s0+$0x108] =	vst.add.f32.msk $0xffff, v1  }
0x12d: {  	v1 =	vld [tilespmem:s25+$0xFFFFFFD0];
	_ =	sdelay $0x4  }
0x12e: {  	[tilespmem:s0+$0x118] =	vst.add.f32.msk $0xffff, v1  }
0x12f: {  	v1 =	vld [tilespmem:s25+$0xFFFFFFE0];
	_ =	sdelay $0x4  }
0x130: {  	[tilespmem:s0+$0x128] =	vst.add.f32.msk $0xffff, v1  }
0x131: {  	v1 =	vld [tilespmem:s25+$0xFFFFFFF0];
	_ =	sdelay $0x4  }
0x132: {  	[tilespmem:s0+$0x138] =	vst.add.f32.msk $0xffff, v1  }
0x133: {  	v1 =	vld [tilespmem:s25+$0x0];
	_ =	sdelay $0x4  }
0x134: {  	[tilespmem:s0+$0x148] =	vst.add.f32.msk $0xffff, v1  }
0x135: {  	v1 =	vld [tilespmem:s25+$0x10];
	_ =	sdelay $0x4  }
0x136: {  	[tilespmem:s0+$0x158] =	vst.add.f32.msk $0xffff, v1  }
0x137: {  	v1 =	vld [tilespmem:s25+$0x20];
	_ =	sdelay $0x4  }
0x138: {  	[tilespmem:s0+$0x168] =	vst.add.f32.msk $0xffff, v1  }
0x139: {  	v1 =	vld [tilespmem:s25+$0x30];
	_ =	sdelay $0x4  }
0x13a: {  	[tilespmem:s0+$0x178] =	vst.add.f32.msk $0xffff, v1  }
.LBB3_17:
0x13b: {  	s26 =	sadd.s32 $0x1, s26  }
0x13c: {  	p1 =	seq.s32 s26, $0x0  }
.Ltmp19:
0x13d: {  	_ = 	snop;
	(pc) =	sbr.rel @p1 .LBB3_18-.Ltmp19, $2  }
0x13e: {  	_ =	sdelay $0x2  }
0x13f: {  	s23 =	sadd.s32 $0x1, s23;
	s25 =	sadd.s32 $0x80, s25;
	s29 =	smov.u32 s30  }
.LBB3_12:
0x140: {  	v1 =	vld.msk [tilespmem:s23+$0x0], $0x1;
	_ =	sdelay $0x4  }
0x141: {  	(v2sf) =	vpush v1, $0x0;
	_ =	sdelay $0xe  }
0x142: {  	s30 =	spop (v2sf)  }
0x143: {  	p1 =	sne.s32 s29, s30  }
.Ltmp20:
0x144: {  	_ = 	snop;
	(pc) =	sbr.rel @!p1 .LBB3_13-.Ltmp20, $2  }
0x145: {  	_ =	sdelay $0x2  }
0x146: {  	s0 =	sshll.u32 s22, $0x9  }
0x147: {  	p1 =	seq.s32 s29, s24  }
.Ltmp21:
0x148: {  	_ = 	snop;
	(pc) =	sbr.rel @!p1 .LBB3_15-.Ltmp21, $1  }
0x149: {  	_ =	sdelay $0x3  }
0x14a: {  	s0 =	sshra.s32 s0, $0x2  }
.Ltmp22:
0x14b: {  	s0 =	sadd.s32 $0x108, s0;
	(pc) =	sbr.rel .LBB3_16-.Ltmp22, $4  }
0x14c: {  	[spmem:s16] =	stream.linear.scatter [tilespmem:s0], [sflag:$0x1], $0x80, $0x38;
	[tilespmem:$0x1F6F8] =	vst v63  }
0x14d: {  	_ =	swait.ge [sflag:s12], $0x80  }
0x14e: {  	[sflag:s12] =	ssyncset.done $0x0  }
0x14f: {  	[sflag:s12] =	ssyncadd.s32 $0xFFFFFF80  }
.LBB3_15:
0x150: {  	s2 =	sshll.u32 s28, $0x9  }
0x151: {  	s2 =	sshra.s32 s2, $0x2  }
0x152: {  	v1 =	vld [tilespmem:s2+$0x7988];
	_ =	sdelay $0x3  }
0x153: {  	s0 =	sshra.s32 s0, $0x2  }
0x154: {  	[tilespmem:s0+$0x108] =	vst.add.f32.msk $0xffff, v1  }
0x155: {  	v1 =	vld [tilespmem:s2+$0x7998];
	_ =	sdelay $0x4  }
0x156: {  	[tilespmem:s0+$0x118] =	vst.add.f32.msk $0xffff, v1  }
0x157: {  	v1 =	vld [tilespmem:s2+$0x79A8];
	_ =	sdelay $0x4  }
0x158: {  	[tilespmem:s0+$0x128] =	vst.add.f32.msk $0xffff, v1  }
0x159: {  	v1 =	vld [tilespmem:s2+$0x79B8];
	_ =	sdelay $0x4  }
0x15a: {  	[tilespmem:s0+$0x138] =	vst.add.f32.msk $0xffff, v1  }
0x15b: {  	v1 =	vld [tilespmem:s2+$0x79C8];
	_ =	sdelay $0x4  }
0x15c: {  	[tilespmem:s0+$0x148] =	vst.add.f32.msk $0xffff, v1  }
0x15d: {  	v1 =	vld [tilespmem:s2+$0x79D8];
	_ =	sdelay $0x4  }
0x15e: {  	[tilespmem:s0+$0x158] =	vst.add.f32.msk $0xffff, v1  }
0x15f: {  	v1 =	vld [tilespmem:s2+$0x79E8];
	_ =	sdelay $0x4  }
0x160: {  	[tilespmem:s0+$0x168] =	vst.add.f32.msk $0xffff, v1  }
0x161: {  	v1 =	vld [tilespmem:s2+$0x79F8];
	_ =	sdelay $0x2  }
0x162: {  	p1 =	sgt.u32 s29, $0x270F0  }
0x163: {  	s2 =	sand.u32 @!p1 $0x3FFF8, s29  }
0x164: {  	s3 =	sadd.s32 $0x108, s0;
	[tilespmem:s0+$0x178] =	vst.add.f32.msk $0xffff, v1;
	s0 =	sadd.s32 @!p1 s1, s2;
	s2 =	sand.u32 @!p1 $0x7, s29  }
0x165: {  	[hbm4b:s0+s2] =	stream.linear.scatter @!p1 [tilespmem:s3], [sflag:$0xC], $0x80, $0x38;
	[tilespmem:$0x1F6F8] =	vst v63  }
0x166: {  	s0 =	simm.s32 $0x0  }
0x167: {  	s0 =	simm.s32 @!p1 $0x200  }
0x168: {  	s31 =	sadd.s32 s0, s31  }
.LBB3_16:
0x169: {  	s0 =	sadd.s32 $0x1, s22  }
0x16a: {  	s2 =	smulhi.u32 $0x88888889, s0;
	_ =	sdelay $0x1  }
0x16b: {  	v1 =	vld [tilespmem:s25+$0xFFFFFFC0];
	s2 =	sshrl.u32 s2, $0x7  }
0x16c: {  	s2 =	smul.u32 $0xF0, s2;
	_ =	sdelay $0x1  }
0x16d: {  	s22 =	ssub.s32 s0, s2  }
0x16e: {  	s0 =	sshll.u32 s22, $0x7  }
0x16f: {  	[tilespmem:s0+$0x108] =	vst v1  }
0x170: {  	v1 =	vld [tilespmem:s25+$0xFFFFFFD0];
	_ =	sdelay $0x4  }
0x171: {  	[tilespmem:s0+$0x118] =	vst v1  }
0x172: {  	v1 =	vld [tilespmem:s25+$0xFFFFFFE0];
	_ =	sdelay $0x4  }
0x173: {  	[tilespmem:s0+$0x128] =	vst v1  }
0x174: {  	v1 =	vld [tilespmem:s25+$0xFFFFFFF0];
	_ =	sdelay $0x4  }
0x175: {  	[tilespmem:s0+$0x138] =	vst v1  }
0x176: {  	v1 =	vld [tilespmem:s25+$0x0];
	_ =	sdelay $0x4  }
0x177: {  	[tilespmem:s0+$0x148] =	vst v1  }
0x178: {  	v1 =	vld [tilespmem:s25+$0x10];
	_ =	sdelay $0x4  }
0x179: {  	[tilespmem:s0+$0x158] =	vst v1  }
0x17a: {  	v1 =	vld [tilespmem:s25+$0x20];
	_ =	sdelay $0x4  }
0x17b: {  	[tilespmem:s0+$0x168] =	vst v1  }
0x17c: {  	v1 =	vld [tilespmem:s25+$0x30]  }
.Ltmp23:
0x17d: {  	_ = 	snop;
	(pc) =	sbr.rel .LBB3_17-.Ltmp23, $2  }
0x17e: {  	_ =	sdelay $0x2  }
0x17f: {  	s28 =	sadd.s32 $0x1, s28;
	[tilespmem:s0+$0x178] =	vst v1  }
.LBB3_19:
.Ltmp24:
0x180: {  	(pc) =	sbr.rel .LBB3_20-.Ltmp24, $4  }
0x181: {  	_ = 	snop  }
0x182: {  	s0 =	simm.s32 $0x2  }
0x183: {  	_ =	swait.ge [sflag:s0], $0x0  }
0x184: {  	s30 =	smov.u32 s29;
	[sflag:s0] =	ssyncset.done $0x0;
	s0 =	simm.s32 $0x0  }
.LBB3_22:
0x185: {  	_ =	sfence.sel $0x180000  }
0x186: {  	s0 =	simm.s32 $0x9;
	[bflag:$0x0] =	sbarrier.arrive $0xFFFF  }
0x187: {  	s24 =	simm.s32 $0xA;
	[sflag:s0] =	ssyncpa.u1 $0x1  }
0x188: {  	s25 =	simm.s32 $0xB;
	[sflag:s24] =	ssyncpa.u1 $0x1  }
0x189: {  	s26 =	simm.s32 $0x2;
	[sflag:s25] =	ssyncpa.u1 $0x1  }
0x18a: {  	[sflag:s26] =	ssyncpa.u1 $0x1  }
0x18b: {  	v0 =	vld [tilespmem:$0xF208];
	_ =	sdelay $0x4  }
0x18c: {  	(v2sf) =	vpush v0, $0x0  }
0x18d: {  	(v2sf) =	vpush v0, $0x1;
	_ =	sdelay $0x1  }
0x18e: {  	(v2sf) =	vpush v0, $0x2;
	_ =	sdelay $0xb  }
0x18f: {  	s0 =	spop (v2sf)  }
0x190: {  	s2 =	spop (v2sf)  }
0x191: {  	s3 =	smov.u32 s0;
	p0 =	sne.s32 s0, s2  }
0x192: {  	s4 =	spop (v2sf);
	s3 =	simm.s32 @!p0 $0xFFFFFFFF  }
0x193: {  	v2 =	vimm.s32 $0x1;
	v3 =	vlaneseq.u32;
	p0 =	seq.s32 s4, $0xFFFFFFFF;
	v1 =	vmov s3  }
0x194: {  	s16 =	stileid.u32;
	v0 =	vperm.xlane v0, v2;
	p1 =	sne.s32 @!p0 s0, s2;
	v1 =	vperm.xlane v1, v3  }
0x195: {  	vm0 =	vcmask $0x3F04;
	s6 =	simm.s32 $0xF208;
	s0 =	simm.s32 @!p0 $0x1;
	p1 =	por !p1, p0  }
0x196: {  	s3 =	sshll.u32 s16, $0x1;
	s2 =	sshll.u32 @!p0 s4, $0x9;
	s0 =	simm.s32 @p1 $0x0;
	v0 =	vsel vm0, v1, v0  }
0x197: {  	s5 =	sor.u32 $0x1000, s3;
	s2 =	sshra.s32 @!p0 s2, $0x2;
	s0 =	sor.u32 @!p0 s0, s3;
	[tilespmem:$0xF208] =	vst v0  }
0x198: {  	[spmem:s5] =	stream.linear.scatter [tilespmem:s6], [sflag:$0x1], $0x2, $0x38;
	[tilespmem:$0x1F6F8] =	vst v63  }
0x199: {  	s2 =	sadd.s32 @!p0 $0x108, s2;
	s0 =	sshll.u32 @!p0 s0, $0x7  }
0x19a: {  	[spmem:s0] =	stream.linear.scatter @!p0 [tilespmem:s2], [sflag:$0x1], $0x80, $0x38;
	[tilespmem:$0x1F6F8] =	vst v63  }
0x19b: {  	s0 =	simm.s32 @!p0 $0x82  }
0x19c: {  	s28 =	simm.s32 $0x1;
	s0 =	simm.s32 @p0 $0x2  }
0x19d: {  	_ =	swait.ge [sflag:s28], s0  }
0x19e: {  	s0 =	ssub.s32 $0x0, s0;
	[sflag:s28] =	ssyncset.done $0x0  }
0x19f: {  	p0 =	sne.s32 s16, $0x0;
	[sflag:s28] =	ssyncadd.s32 s0  }
.Ltmp25:
0x1a0: {  	_ =	sfence.stream.spmem;
	(pc) =	sbr.rel @p0 .LBB3_39-.Ltmp25, $4  }
0x1a1: {  	s29 =	simm.s32 $0x3;
	[bflag:$0x0] =	sbarrier.arrive $0xFFFF  }
0x1a2: {  	s30 =	simm.s32 $0x4;
	[sflag:s29] =	ssyncpa.u1 $0x1  }
0x1a3: {  	s31 =	simm.s32 $0x3C;
	[sflag:s30] =	ssyncpa.u1 $0x1  }
0x1a4: {  	s15 =	rddreg [dreg:$0x4];
	[sflag:s31] =	ssyncpa.u1 $0x1  }
0x1a5: {  	_ =	sfence.stream.spmem;
	s0 =	simm.s32 $0x5  }
0x1a6: {  	s2 =	simm.s32 $0x1000;
	s3 =	simm.s32 $0xF218;
	[sflag:s0] =	ssyncpa.u1 $0x0  }
0x1a7: {  	[tilespmem:s3], [sflag:$0x5] =	stream.linear.gather [spmem:s2], $0x20, $0x38;
	[tilespmem:$0x1F6F8] =	vst v63  }
0x1a8: {  	s26 =	simm.s32 $0x0;
	s28 =	simm.s32 $0xF238  }
0x1a9: {  	[tilespmem:s28], [sflag:$0x5] =	stream.linear.gather [spmem:s26], $0x1000, $0x38;
	[tilespmem:$0x1F6F8] =	vst v63  }
0x1aa: {  	_ =	swait.ge [sflag:s0], $0x1020  }
0x1ab: {  	[sflag:s0] =	ssyncset.done $0x0  }
0x1ac: {  	s29 =	simm.s32 $0x0;
	[sflag:s0] =	ssyncadd.s32 $0xFFFFEFE0  }
0x1ad: {  	v0 =	vld.msk [tilespmem:s29+$0xF218], $0x1;
	_ =	sdelay $0x1  }
0x1ae: {  	s30 =	simm.s32 $0x1  }
0x1af: {  	v1 =	vld.msk [tilespmem:s30+$0xF218], $0x1;
	_ =	sdelay $0x1  }
0x1b0: {  	(v2sf) =	vpush v0, $0x0;
	_ =	sdelay $0x2  }
0x1b1: {  	(v2sf) =	vpush v1, $0x0;
	_ =	sdelay $0x2  }
0x1b2: {  	s31 =	simm.s32 $0x2  }
0x1b3: {  	v0 =	vld.msk [tilespmem:s31+$0xF218], $0x1;
	_ =	sdelay $0x2  }
0x1b4: {  	s4 =	simm.s32 $0xFFFFFFFF;
	s5 =	simm.s32 $0xFFFFFFFF;
	s0 =	simm.s32 $0xC  }
.LBB3_24:
0x1b5: {  	s2 =	smov.u32 s5;
	s3 =	smov.u32 s4  }
0x1b6: {  	s4 =	sshra.s32 s0, $0x2;
	p1 =	sne.s32 s0, $0x7C;
	s0 =	sadd.s32 $0x4, s0;
	(v2sf) =	vpush v0, $0x0  }
0x1b7: {  	v0 =	vld.msk [tilespmem:s4+$0xF218], $0x1  }
.Ltmp26:
0x1b8: {  	(pc) =	sbr.rel @p1 .LBB3_24-.Ltmp26, $4  }
0x1b9: {  	s5 =	spop (v2sf)  }
0x1ba: {  	p2 =	sne.s32 s3, $0xFFFFFFFF;
	s4 =	smov.u32 s5  }
0x1bb: {  	p3 =	seq.s32 s5, $0xFFFFFFFF;
	s4 =	smov.u32 @p2 s3  }
0x1bc: {  	s5 =	smov.u32 @p3 s2;
	s4 =	smov.u32 @p3 s3  }
0x1bd: {  	(v2sf) =	vpush v0, $0x0;
	_ =	sdelay $0x8  }
0x1be: {  	s0 =	spop (v2sf)  }
0x1bf: {  	p1 =	sne.s32 s4, $0xFFFFFFFF;
	s2 =	smov.u32 s0  }
0x1c0: {  	s9 =	simm.s32 $0x6;
	p2 =	seq.s32 s0, $0xFFFFFFFF;
	s2 =	smov.u32 @p1 s4  }
0x1c1: {  	s6 =	simm.s32 $0x0;
	s2 =	smov.u32 @p2 s4;
	s3 =	spop (v2sf)  }
0x1c2: {  	s0 =	smov.u32 @p2 s5;
	p1 =	sne.s32 s2, $0xFFFFFFFF;
	s4 =	smov.u32 s3  }
.Ltmp27:
0x1c3: {  	p2 =	seq.s32 s3, $0xFFFFFFFF;
	s4 =	smov.u32 @p1 s2;
	(pc) =	sbr.rel .LBB3_26-.Ltmp27, $4  }
0x1c4: {  	s10 =	simm.s32 $0xF188;
	s4 =	smov.u32 @p2 s2;
	s7 =	spop (v2sf)  }
0x1c5: {  	s11 =	simm.s32 $0x0;
	p1 =	sne.s32 s4, $0xFFFFFFFF;
	s8 =	smov.u32 s7  }
0x1c6: {  	s3 =	smov.u32 @p2 s0;
	p2 =	seq.s32 s7, $0xFFFFFFFF;
	s8 =	smov.u32 @p1 s4  }
0x1c7: {  	[sflag:s9] =	ssyncpa.u1 $0x0;
	s7 =	smov.u32 @p2 s3;
	s8 =	smov.u32 @p2 s4  }
.LBB3_32:
0x1c8: {  	p1 =	sgt.u32 s12, $0x270F0  }
0x1c9: {  	p2 =	seq.s32 @!p1 s12, s8  }
0x1ca: {  	p1 =	por p1, p2  }
0x1cb: {  	p2 =	sne.s32 @!p1 s12, s7  }
0x1cc: {  	p1 =	por p1, !p2  }
0x1cd: {  	s0 =	sshll.u32 @p1 s11, $0x9  }
0x1ce: {  	s0 =	sand.u32 @!p1 $0x3FFF8, s12  }
0x1cf: {  	s2 =	sand.u32 @!p1 $0x7, s12;
	s0 =	sadd.s32 @!p1 s1, s0  }
0x1d0: {  	[tilespmem:s10], [sflag:$0x6] =	stream.linear.gather @!p1 [hbm4b:s0+s2], $0x80, $0x38;
	[tilespmem:$0x1F6F8] =	vst v63  }
0x1d1: {  	_ =	swait.ge @!p1 [sflag:s9], $0x80  }
0x1d2: {  	[sflag:s9] =	ssyncset.done @!p1 $0x0  }
0x1d3: {  	[sflag:s9] =	ssyncadd.s32 @!p1 $0xFFFFFF80  }
0x1d4: {  	v1 =	vld @!p1 [tilespmem:$0xF188];
	_ =	sdelay $0x2  }
0x1d5: {  	s0 =	sshll.u32 @!p1 s11, $0x9  }
0x1d6: {  	s2 =	sshrl.u32 @!p1 s0, $0x2  }
0x1d7: {  	[tilespmem:s2+$0xF238] =	vst.add.f32.msk @!p1 $0xffff, v1  }
0x1d8: {  	v1 =	vld @!p1 [tilespmem:$0xF198];
	_ =	sdelay $0x4  }
0x1d9: {  	[tilespmem:s2+$0xF248] =	vst.add.f32.msk @!p1 $0xffff, v1  }
0x1da: {  	v1 =	vld @!p1 [tilespmem:$0xF1A8];
	_ =	sdelay $0x4  }
0x1db: {  	[tilespmem:s2+$0xF258] =	vst.add.f32.msk @!p1 $0xffff, v1  }
0x1dc: {  	v1 =	vld @!p1 [tilespmem:$0xF1B8];
	_ =	sdelay $0x4  }
0x1dd: {  	[tilespmem:s2+$0xF268] =	vst.add.f32.msk @!p1 $0xffff, v1  }
0x1de: {  	v1 =	vld @!p1 [tilespmem:$0xF1C8];
	_ =	sdelay $0x4  }
0x1df: {  	[tilespmem:s2+$0xF278] =	vst.add.f32.msk @!p1 $0xffff, v1  }
0x1e0: {  	v1 =	vld @!p1 [tilespmem:$0xF1D8];
	_ =	sdelay $0x4  }
0x1e1: {  	[tilespmem:s2+$0xF288] =	vst.add.f32.msk @!p1 $0xffff, v1  }
0x1e2: {  	v1 =	vld @!p1 [tilespmem:$0xF1E8];
	_ =	sdelay $0x4  }
0x1e3: {  	[tilespmem:s2+$0xF298] =	vst.add.f32.msk @!p1 $0xffff, v1  }
0x1e4: {  	v1 =	vld @!p1 [tilespmem:$0xF1F8];
	_ =	sdelay $0x4  }
0x1e5: {  	[tilespmem:s2+$0xF2A8] =	vst.add.f32.msk @!p1 $0xffff, v1  }
0x1e6: {  	s0 =	sshrl.u32 s0, $0x2;
	[tilespmem:s6+$0xF218] =	vst.msk $0x1, v0  }
0x1e7: {  	v0 =	vld [tilespmem:s0+$0xF238];
	_ =	sdelay $0x2  }
0x1e8: {  	s31 =	sshll.u32 s6, $0x9  }
0x1e9: {  	s2 =	sshra.s32 s31, $0x2  }
0x1ea: {  	[tilespmem:s2+$0xF238] =	vst v0  }
0x1eb: {  	v0 =	vld [tilespmem:s0+$0xF248];
	_ =	sdelay $0x4  }
0x1ec: {  	[tilespmem:s2+$0xF248] =	vst v0  }
0x1ed: {  	v0 =	vld [tilespmem:s0+$0xF258];
	_ =	sdelay $0x4  }
0x1ee: {  	[tilespmem:s2+$0xF258] =	vst v0  }
0x1ef: {  	v0 =	vld [tilespmem:s0+$0xF268];
	_ =	sdelay $0x4  }
0x1f0: {  	[tilespmem:s2+$0xF268] =	vst v0  }
0x1f1: {  	v0 =	vld [tilespmem:s0+$0xF278];
	_ =	sdelay $0x4  }
0x1f2: {  	[tilespmem:s2+$0xF278] =	vst v0  }
0x1f3: {  	v0 =	vld [tilespmem:s0+$0xF288];
	_ =	sdelay $0x4  }
0x1f4: {  	[tilespmem:s2+$0xF288] =	vst v0  }
0x1f5: {  	v0 =	vld [tilespmem:s0+$0xF298];
	_ =	sdelay $0x4  }
0x1f6: {  	[tilespmem:s2+$0xF298] =	vst v0  }
0x1f7: {  	v0 =	vld [tilespmem:s0+$0xF2A8];
	_ =	sdelay $0x4  }
0x1f8: {  	s6 =	sadd.s32 $0x1, s6;
	[tilespmem:s2+$0xF2A8] =	vst v0  }
.LBB3_33:
0x1f9: {  	s11 =	sadd.s32 $0x1, s11  }
0x1fa: {  	p1 =	sne.s32 s11, $0x20  }
.Ltmp28:
0x1fb: {  	_ = 	snop;
	(pc) =	sbr.rel @!p1 .LBB3_34-.Ltmp28, $1  }
0x1fc: {  	_ =	sdelay $0x3  }
.LBB3_26:
0x1fd: {  	v0 =	vld.msk [tilespmem:s11+$0xF218], $0x1;
	_ =	sdelay $0x4  }
0x1fe: {  	(v2sf) =	vpush v0, $0x0;
	_ =	sdelay $0xe  }
0x1ff: {  	s12 =	spop (v2sf)  }
0x200: {  	p1 =	seq.s32 s12, $0xFFFFFFFF  }
.Ltmp29:
0x201: {  	_ = 	snop;
	(pc) =	sbr.rel @p1 .LBB3_33-.Ltmp29, $1  }
0x202: {  	_ =	sdelay $0x3  }
0x203: {  	p1 =	slt.s32 s6, $0x1  }
.Ltmp30:
0x204: {  	_ = 	snop;
	(pc) =	sbr.rel @p1 .LBB3_32-.Ltmp30, $1  }
0x205: {  	_ =	sdelay $0x3  }
0x206: {  	s13 =	simm.s32 $0xF218;
	p1 =	por $0x0, $0x0  }
0x207: {  	v1 =	vld.msk @!p1 [tilespmem:s13+$0x0], $0x1;
	_ =	sdelay $0x4  }
0x208: {  	(v2sf) =	vpush @!p1 v1, $0x0;
	_ =	sdelay $0xd  }
0x209: {  	p3 =	sne.s32 s6, $0x1  }
.Ltmp31:
0x20a: {  	s0 =	spop @!p1 (v2sf);
	(pc) =	sbr.rel @!p3 .LBB3_30-.Ltmp31, $4  }
0x20b: {  	p2 =	seq.s32 @!p1 s12, s0  }
0x20c: {  	s14 =	simm.s32 $0x0;
	p2 =	por !p2, p1  }
0x20d: {  	s2 =	simm.s32 $0xFFFFFFFF;
	s14 =	simm.s32 @p2 $0xFFFFFFFF  }
0x20e: {  	s0 =	simm.s32 $0x1;
	s14 =	smov.u32 @p1 s2  }
.LBB3_29:
0x20f: {  	s2 =	smov.u32 s14;
	p1 =	sne.s32 s14, $0xFFFFFFFF  }
0x210: {  	s13 =	sadd.s32 $0x1, s13;
	s14 =	smov.u32 s0;
	s0 =	sadd.s32 $0x1, s0  }
0x211: {  	p2 =	sne.s32 s6, s0;
	v1 =	vld.msk @!p1 [tilespmem:s13+$0x0], $0x1;
	_ =	sdelay $0x4  }
0x212: {  	(v2sf) =	vpush @!p1 v1, $0x0;
	_ =	sdelay $0xe  }
.Ltmp32:
0x213: {  	s3 =	spop @!p1 (v2sf);
	(pc) =	sbr.rel @p2 .LBB3_29-.Ltmp32, $4  }
0x214: {  	p3 =	seq.s32 @!p1 s12, s3  }
0x215: {  	p3 =	por !p3, p1  }
0x216: {  	s14 =	simm.s32 @p3 $0xFFFFFFFF  }
0x217: {  	s14 =	smov.u32 @p1 s2  }
.LBB3_30:
0x218: {  	p1 =	seq.s32 s14, $0xFFFFFFFF  }
.Ltmp33:
0x219: {  	_ = 	snop;
	(pc) =	sbr.rel @p1 .LBB3_32-.Ltmp33, $1  }
0x21a: {  	_ =	sdelay $0x3  }
0x21b: {  	s0 =	sshll.u32 s11, $0x7  }
0x21c: {  	s0 =	sand.u32 $0x3FFFFF80, s0  }
0x21d: {  	v0 =	vld [tilespmem:s0+$0xF238];
	_ =	sdelay $0x2  }
0x21e: {  	s2 =	sshll.u32 s14, $0x9  }
0x21f: {  	s2 =	sshra.s32 s2, $0x2  }
0x220: {  	[tilespmem:s2+$0xF238] =	vst.add.f32.msk $0xffff, v0  }
0x221: {  	v0 =	vld [tilespmem:s0+$0xF248];
	_ =	sdelay $0x4  }
0x222: {  	[tilespmem:s2+$0xF248] =	vst.add.f32.msk $0xffff, v0  }
0x223: {  	v0 =	vld [tilespmem:s0+$0xF258];
	_ =	sdelay $0x4  }
0x224: {  	[tilespmem:s2+$0xF258] =	vst.add.f32.msk $0xffff, v0  }
0x225: {  	v0 =	vld [tilespmem:s0+$0xF268];
	_ =	sdelay $0x4  }
0x226: {  	[tilespmem:s2+$0xF268] =	vst.add.f32.msk $0xffff, v0  }
0x227: {  	v0 =	vld [tilespmem:s0+$0xF278];
	_ =	sdelay $0x4  }
0x228: {  	[tilespmem:s2+$0xF278] =	vst.add.f32.msk $0xffff, v0  }
0x229: {  	v0 =	vld [tilespmem:s0+$0xF288];
	_ =	sdelay $0x4  }
0x22a: {  	[tilespmem:s2+$0xF288] =	vst.add.f32.msk $0xffff, v0  }
0x22b: {  	v0 =	vld [tilespmem:s0+$0xF298];
	_ =	sdelay $0x4  }
0x22c: {  	[tilespmem:s2+$0xF298] =	vst.add.f32.msk $0xffff, v0  }
0x22d: {  	v0 =	vld [tilespmem:s0+$0xF2A8]  }
.Ltmp34:
0x22e: {  	_ = 	snop;
	(pc) =	sbr.rel .LBB3_33-.Ltmp34, $2  }
0x22f: {  	_ =	sdelay $0x2  }
0x230: {  	[tilespmem:s2+$0xF2A8] =	vst.add.f32.msk $0xffff, v0  }
.LBB3_34:
0x231: {  	s0 =	simm.s32 $0x6;
	p1 =	seq.s32 s6, $0x0  }
0x232: {  	[sflag:s0] =	ssyncpa.u1 $0x1;
	v0 =	vimm.s32 @p1 $0xFFFFFFFF  }
0x233: {  	s9 =	sadd.s32 $0xFFFFFFFF, s6;
	[tilespmem:$0x10238] =	vst @p1 v0  }
0x234: {  	v0 =	vld.msk @!p1 [tilespmem:s9+$0xF218], $0x1;
	_ =	sdelay $0x1  }
0x235: {  	v1 =	vld.msk @!p1 [tilespmem:$0xF218], $0x1;
	_ =	sdelay $0x2  }
0x236: {  	p2 =	seq.s32 @!p1 s9, $0x0;
	v0 =	vbroadcast @!p1 v0, $0x0  }
0x237: {  	vm0 =	vmmov @!p1 $0x1;
	p2 =	por !p2, p1  }
0x238: {  	v1 =	vnsel @!p1 vm0, $0xFFFFFFFF, v1;
	vm0 =	vcmask @!p1 $0x308;
	v0 =	vpsel !p2, $0xFFFFFFFF, v0  }
0x239: {  	p2 =	sne.s32 @!p1 s8, s7;
	v0 =	vsel @!p1 vm0, v1, v0  }
0x23a: {  	s0 =	simm.s32 @!p1 $0xF238;
	s2 =	simm.s32 @!p1 $0x0;
	p3 =	por !p2, p1;
	[tilespmem:$0x10238] =	vst @!p1 v0  }
0x23b: {  	[spmem:s2] =	stream.linear.scatter @!p1 [tilespmem:s0], [sflag:$0x1], $0x80, $0x38;
	[tilespmem:$0x1F6F8] =	vst v63  }
0x23c: {  	s0 =	sshll.u32 @!p3 s9, $0x9  }
0x23d: {  	s0 =	sshra.s32 @!p3 s0, $0x2  }
0x23e: {  	s2 =	simm.s32 @!p3 $0x80;
	s0 =	sadd.s32 @!p3 $0xF238, s0  }
0x23f: {  	[spmem:s2] =	stream.linear.scatter @!p3 [tilespmem:s0], [sflag:$0x1], $0x80, $0x38;
	[tilespmem:$0x1F6F8] =	vst v63  }
0x240: {  	s0 =	simm.s32 @!p3 $0x1  }
0x241: {  	_ =	swait.ge @!p3 [sflag:s0], $0x100  }
0x242: {  	p1 =	por p2, p1;
	[sflag:s0] =	ssyncset.done @!p3 $0x0  }
0x243: {  	[sflag:s0] =	ssyncadd.s32 @!p3 $0xFFFFFF00;
	s0 =	simm.s32 @!p1 $0x1  }
0x244: {  	_ =	swait.ge @!p1 [sflag:s0], $0x80  }
0x245: {  	s29 =	simm.s32 $0x10238;
	[sflag:s0] =	ssyncset.done @!p1 $0x0  }
0x246: {  	s30 =	simm.s32 $0x1000;
	s31 =	simm.s32 $0x1;
	[sflag:s0] =	ssyncadd.s32 @!p1 $0xFFFFFF80  }
0x247: {  	[spmem:s30] =	stream.linear.scatter [tilespmem:s29], [sflag:$0x1], $0x10, $0x38;
	[tilespmem:$0x1F6F8] =	vst v63  }
0x248: {  	_ =	swait.ge [sflag:s31], $0x10  }
0x249: {  	[sflag:s31] =	ssyncset.done $0x0  }
0x24a: {  	p1 =	seq.s32 s15, $0x0;
	s8 =	rddreg [dreg:$0x1];
	[sflag:s31] =	ssyncadd.s32 $0xFFFFFFF0  }
0x24b: {  	s2 =	sshll.u32 @p1 s8, $0xE;
	s7 =	rddreg [dreg:$0x2]  }
0x24c: {  	s0 =	sadd.s32 @p1 $0x15C3C, s2;
	s2 =	sshll.u32 @p1 s7, $0x11  }
0x24d: {  	_ =	sfence.stream.spmem;
	s0 =	sor.u32 @p1 s2, s0  }
0x24e: {  	[sflag:s0] =	ssyncadd.remote.s32 @p1 $0x1;
	s0 =	simm.s32 @p1 $0x4  }
0x24f: {  	s3 =	simm.s32 @!p1 $0x3C;
	s2 =	sand.u32 $0xFFFFFFFE, s8;
	_ =	swait.ge @p1 [sflag:s0], $0x22  }
0x250: {  	s4 =	simm.s32 @!p1 $0x0;
	s2 =	sadd.s32 @!p1 $0x4, s2;
	[sflag:s0] =	ssyncset.done @p1 $0x0  }
0x251: {  	s5 =	simm.s32 @!p1 $0x100;
	[sflag:s0] =	ssyncadd.s32 @p1 $0xFFFFFFDE;
	s0 =	sshll.u32 @!p1 s2, $0x1A  }
0x252: {  	s2 =	sshll.u32 @!p1 s2, $0xD;
	s0 =	sor.u32 @!p1 s0, s7;
	_ =	swait.eq @!p1 [sflag:s3], $0x1  }
0x253: {  	s2 =	sor.u32 @!p1 $0x1C04, s2;
	s3 =	simm.s32 @!p1 $0x1C03;
	s0 =	sor.u32 @!p1 $0x80004000, s0  }
0x254: {  	[spmem:s5], [sflag:s2] =	dma.general @!p1 [spmem:s4], [sflag:s3], length:$0x20, [dreg:$0x0], stride_count:$0x0, ici_dest:s0, dma_misc:DstOpCode:WRITE  }
0x255: {  	p2 =	slt.s32 s9, $0x2;
	s4 =	simm.s32 @!p1 $0x200;
	s5 =	simm.s32 @!p1 $0x202  }
0x256: {  	[spmem:s5], [sflag:s2] =	dma.general @!p1 [spmem:s4], [sflag:s3], length:$0x2, [dreg:$0x0], stride_count:$0x0, ici_dest:s0, dma_misc:DstOpCode:WRITE  }
.Ltmp35:
0x257: {  	s0 =	simm.s32 @!p1 $0x3;
	(pc) =	sbr.rel @p2 .LBB3_38-.Ltmp35, $4  }
0x258: {  	s2 =	sshll.u32 @!p1 s8, $0xE;
	_ =	swait.ge @!p1 [sflag:s0], $0x22  }
0x259: {  	s3 =	sshll.u32 @!p1 s7, $0x11;
	s2 =	sadd.s32 @!p1 $0x11C3C, s2;
	[sflag:s0] =	ssyncset.done @!p1 $0x0  }
0x25a: {  	[sflag:s0] =	ssyncadd.s32 @!p1 $0xFFFFFFDE;
	s0 =	sor.u32 @!p1 s3, s2  }
0x25b: {  	[sflag:s0] =	ssyncadd.remote.s32 @!p1 $0xFFFFFFFF;
	s0 =	simm.s32 $0x0  }
0x25c: {  	s0 =	simm.s32 $0xF219  }
0x25d: {  	v0 =	vld.msk [tilespmem:s0+$0x0], $0x1;
	_ =	sdelay $0x4  }
0x25e: {  	(v2sf) =	vpush v0, $0x0;
	_ =	sdelay $0xb  }
0x25f: {  	s31 =	sadd.s32 $0xFFFFFFFE, s6  }
0x260: {  	s0 =	sadd.s32 $0xFFFFFFFF, s31  }
0x261: {  	p2 =	sne.s32 s0, $0x0  }
.Ltmp36:
0x262: {  	s2 =	spop (v2sf);
	(pc) =	sbr.rel @!p2 .LBB3_37-.Ltmp36, $4  }
0x263: {  	s4 =	simm.s32 $0xF2B8;
	s7 =	simm.s32 $0x0;
	p1 =	sgt.u32 s2, $0x270F0  }
0x264: {  	s5 =	simm.s32 $0x0;
	s6 =	simm.s32 $0xF21A;
	s3 =	sand.u32 @!p1 $0x3FFF8, s2  }
0x265: {  	s2 =	sand.u32 @!p1 $0x7, s2;
	s7 =	simm.s32 @!p1 $0x200;
	s3 =	sadd.s32 @!p1 s1, s3  }
0x266: {  	[hbm4b:s3+s2] =	stream.linear.scatter @!p1 [tilespmem:s4], [sflag:$0x5], $0x80, $0x38;
	[tilespmem:$0x1F6F8] =	vst v63  }
.LBB3_36:
0x267: {  	v0 =	vld.msk [tilespmem:s6+$0x0], $0x1;
	s0 =	sadd.s32 $0xFFFFFFFF, s0;
	s5 =	sadd.s32 s5, s7  }
0x268: {  	p1 =	sne.s32 s0, $0x0;
	_ =	sdelay $0x3  }
0x269: {  	(v2sf) =	vpush v0, $0x0;
	_ =	sdelay $0xe  }
.Ltmp37:
0x26a: {  	s2 =	spop (v2sf);
	(pc) =	sbr.rel @p1 .LBB3_36-.Ltmp37, $4  }
0x26b: {  	s7 =	simm.s32 $0x0;
	p2 =	sgt.u32 s2, $0x270F0  }
0x26c: {  	s4 =	sadd.s32 $0x80, s4;
	s7 =	simm.s32 @!p2 $0x200;
	s3 =	sand.u32 @!p2 $0x3FFF8, s2  }
0x26d: {  	s6 =	sadd.s32 $0x1, s6;
	s2 =	sand.u32 @!p2 $0x7, s2;
	s3 =	sadd.s32 @!p2 s1, s3  }
0x26e: {  	[hbm4b:s3+s2] =	stream.linear.scatter @!p2 [tilespmem:s4], [sflag:$0x5], $0x80, $0x38;
	[tilespmem:$0x1F6F8] =	vst v63  }
.LBB3_37:
0x26f: {  	s0 =	sadd.s32 s5, s7  }
0x270: {  	s0 =	sshrl.u32 s0, $0x2  }
.LBB3_38:
0x271: {  	s2 =	simm.s32 $0x5  }
0x272: {  	_ =	swait.ge [sflag:s2], s0  }
0x273: {  	s31 =	ssub.s32 $0x0, s0;
	[sflag:s2] =	ssyncset.done $0x0  }
0x274: {  	[sflag:s2] =	ssyncadd.s32 s31  }
0x275: {  	[sflag:s2] =	ssyncpa.u1 $0x1  }
.LBB3_39:
0x276: {  	s0 =	sor.u32 s15, s16  }
0x277: {  	p1 =	sne.s32 s0, $0x0  }
.Ltmp38:
0x278: {  	_ = 	snop;
	(pc) =	sbr.rel @p1 .LBB3_54-.Ltmp38, $3  }
0x279: {  	_ =	sdelay $0x1  }
0x27a: {  	[bflag:$0x0] =	sbarrier.arrive $0xFFFF  }
0x27b: {  	_ =	sfence  }
0x27c: {  	s0 =	simm.s32 $0x7  }
0x27d: {  	s2 =	simm.s32 $0x1000;
	s3 =	simm.s32 $0xF218;
	[sflag:s0] =	ssyncpa.u1 $0x0  }
0x27e: {  	[tilespmem:s3], [sflag:$0x7] =	stream.linear.gather [spmem:s2], $0x20, $0x38;
	[tilespmem:$0x1F6F8] =	vst v63  }
0x27f: {  	s30 =	simm.s32 $0xF238;
	s2 =	simm.s32 $0x0  }
0x280: {  	[tilespmem:s30], [sflag:$0x7] =	stream.linear.gather [spmem:s2], $0x1000, $0x38;
	[tilespmem:$0x1F6F8] =	vst v63  }
.Ltmp39:
0x281: {  	_ = 	snop;
	(pc) =	sbr.rel .LBB3_41-.Ltmp39, $4  }
0x282: {  	_ =	swait.ge [sflag:s0], $0x1020  }
0x283: {  	[sflag:s0] =	ssyncset.done $0x0  }
0x284: {  	s31 =	simm.s32 $0x8;
	[sflag:s0] =	ssyncadd.s32 $0xFFFFEFE0  }
0x285: {  	s3 =	simm.s32 $0x0;
	[sflag:s31] =	ssyncpa.u1 $0x0  }
.LBB3_47:
0x286: {  	p1 =	slt.u32 s4, $0x270F1  }
0x287: {  	s0 =	sand.u32 @p1 $0x3FFF8, s4  }
0x288: {  	s4 =	sand.u32 @p1 $0x7, s4;
	s5 =	simm.s32 @p1 $0xF188;
	s0 =	sadd.s32 @p1 s1, s0  }
0x289: {  	[tilespmem:s5], [sflag:$0x8] =	stream.linear.gather @p1 [hbm4b:s0+s4], $0x80, $0x38;
	[tilespmem:$0x1F6F8] =	vst v63  }
0x28a: {  	s0 =	simm.s32 @p1 $0x8  }
0x28b: {  	_ =	swait.ge @p1 [sflag:s0], $0x80  }
0x28c: {  	[sflag:s0] =	ssyncset.done @p1 $0x0  }
0x28d: {  	[sflag:s0] =	ssyncadd.s32 @p1 $0xFFFFFF80  }
0x28e: {  	v1 =	vld @p1 [tilespmem:$0xF188];
	_ =	sdelay $0x2  }
0x28f: {  	s0 =	sshll.u32 @p1 s3, $0x9  }
0x290: {  	s4 =	sshrl.u32 @p1 s0, $0x2  }
0x291: {  	[tilespmem:s4+$0xF238] =	vst.add.f32.msk @p1 $0xffff, v1  }
0x292: {  	v1 =	vld @p1 [tilespmem:$0xF198];
	_ =	sdelay $0x4  }
0x293: {  	[tilespmem:s4+$0xF248] =	vst.add.f32.msk @p1 $0xffff, v1  }
0x294: {  	v1 =	vld @p1 [tilespmem:$0xF1A8];
	_ =	sdelay $0x4  }
0x295: {  	[tilespmem:s4+$0xF258] =	vst.add.f32.msk @p1 $0xffff, v1  }
0x296: {  	v1 =	vld @p1 [tilespmem:$0xF1B8];
	_ =	sdelay $0x4  }
0x297: {  	[tilespmem:s4+$0xF268] =	vst.add.f32.msk @p1 $0xffff, v1  }
0x298: {  	v1 =	vld @p1 [tilespmem:$0xF1C8];
	_ =	sdelay $0x4  }
0x299: {  	[tilespmem:s4+$0xF278] =	vst.add.f32.msk @p1 $0xffff, v1  }
0x29a: {  	v1 =	vld @p1 [tilespmem:$0xF1D8];
	_ =	sdelay $0x4  }
0x29b: {  	[tilespmem:s4+$0xF288] =	vst.add.f32.msk @p1 $0xffff, v1  }
0x29c: {  	v1 =	vld @p1 [tilespmem:$0xF1E8];
	_ =	sdelay $0x4  }
0x29d: {  	[tilespmem:s4+$0xF298] =	vst.add.f32.msk @p1 $0xffff, v1  }
0x29e: {  	v1 =	vld @p1 [tilespmem:$0xF1F8];
	_ =	sdelay $0x3  }
0x29f: {  	s5 =	sshll.u32 @!p1 s3, $0x9  }
0x2a0: {  	s5 =	smov.u32 @p1 s0;
	[tilespmem:s4+$0xF2A8] =	vst.add.f32.msk @p1 $0xffff, v1  }
0x2a1: {  	s0 =	sshrl.u32 s5, $0x2;
	[tilespmem:s2+$0xF218] =	vst.msk $0x1, v0  }
0x2a2: {  	v0 =	vld [tilespmem:s0+$0xF238];
	_ =	sdelay $0x2  }
0x2a3: {  	s31 =	sshll.u32 s2, $0x9  }
0x2a4: {  	s4 =	sshra.s32 s31, $0x2  }
0x2a5: {  	[tilespmem:s4+$0xF238] =	vst v0  }
0x2a6: {  	v0 =	vld [tilespmem:s0+$0xF248];
	_ =	sdelay $0x4  }
0x2a7: {  	[tilespmem:s4+$0xF248] =	vst v0  }
0x2a8: {  	v0 =	vld [tilespmem:s0+$0xF258];
	_ =	sdelay $0x4  }
0x2a9: {  	[tilespmem:s4+$0xF258] =	vst v0  }
0x2aa: {  	v0 =	vld [tilespmem:s0+$0xF268];
	_ =	sdelay $0x4  }
0x2ab: {  	[tilespmem:s4+$0xF268] =	vst v0  }
0x2ac: {  	v0 =	vld [tilespmem:s0+$0xF278];
	_ =	sdelay $0x4  }
0x2ad: {  	[tilespmem:s4+$0xF278] =	vst v0  }
0x2ae: {  	v0 =	vld [tilespmem:s0+$0xF288];
	_ =	sdelay $0x4  }
0x2af: {  	[tilespmem:s4+$0xF288] =	vst v0  }
0x2b0: {  	v0 =	vld [tilespmem:s0+$0xF298];
	_ =	sdelay $0x4  }
0x2b1: {  	[tilespmem:s4+$0xF298] =	vst v0  }
0x2b2: {  	v0 =	vld [tilespmem:s0+$0xF2A8];
	_ =	sdelay $0x4  }
0x2b3: {  	s2 =	sadd.s32 $0x1, s2;
	[tilespmem:s4+$0xF2A8] =	vst v0  }
.LBB3_48:
0x2b4: {  	s3 =	sadd.s32 $0x1, s3  }
0x2b5: {  	p1 =	sne.s32 s3, $0x20  }
.Ltmp40:
0x2b6: {  	_ = 	snop;
	(pc) =	sbr.rel @!p1 .LBB3_49-.Ltmp40, $1  }
0x2b7: {  	_ =	sdelay $0x3  }
.LBB3_41:
0x2b8: {  	v0 =	vld.msk [tilespmem:s3+$0xF218], $0x1;
	_ =	sdelay $0x4  }
0x2b9: {  	(v2sf) =	vpush v0, $0x0;
	_ =	sdelay $0xe  }
0x2ba: {  	s4 =	spop (v2sf)  }
0x2bb: {  	p1 =	seq.s32 s4, $0xFFFFFFFF  }
.Ltmp41:
0x2bc: {  	_ = 	snop;
	(pc) =	sbr.rel @p1 .LBB3_48-.Ltmp41, $1  }
0x2bd: {  	_ =	sdelay $0x3  }
0x2be: {  	p1 =	slt.s32 s2, $0x1  }
.Ltmp42:
0x2bf: {  	_ = 	snop;
	(pc) =	sbr.rel @p1 .LBB3_47-.Ltmp42, $1  }
0x2c0: {  	_ =	sdelay $0x3  }
0x2c1: {  	s5 =	simm.s32 $0xF218;
	p1 =	por $0x0, $0x0  }
0x2c2: {  	v1 =	vld.msk @!p1 [tilespmem:s5+$0x0], $0x1;
	_ =	sdelay $0x4  }
0x2c3: {  	(v2sf) =	vpush @!p1 v1, $0x0;
	_ =	sdelay $0xd  }
0x2c4: {  	p3 =	sne.s32 s2, $0x1  }
.Ltmp43:
0x2c5: {  	s0 =	spop @!p1 (v2sf);
	(pc) =	sbr.rel @!p3 .LBB3_45-.Ltmp43, $4  }
0x2c6: {  	p2 =	seq.s32 @!p1 s4, s0  }
0x2c7: {  	s6 =	simm.s32 $0x0;
	p2 =	por !p2, p1  }
0x2c8: {  	s7 =	simm.s32 $0xFFFFFFFF;
	s6 =	simm.s32 @p2 $0xFFFFFFFF  }
0x2c9: {  	s0 =	simm.s32 $0x1;
	s6 =	smov.u32 @p1 s7  }
.LBB3_44:
0x2ca: {  	s7 =	smov.u32 s6;
	p1 =	sne.s32 s6, $0xFFFFFFFF  }
0x2cb: {  	s5 =	sadd.s32 $0x1, s5;
	s6 =	smov.u32 s0;
	s0 =	sadd.s32 $0x1, s0  }
0x2cc: {  	p2 =	sne.s32 s2, s0;
	v1 =	vld.msk @!p1 [tilespmem:s5+$0x0], $0x1;
	_ =	sdelay $0x4  }
0x2cd: {  	(v2sf) =	vpush @!p1 v1, $0x0;
	_ =	sdelay $0xe  }
.Ltmp44:
0x2ce: {  	s8 =	spop @!p1 (v2sf);
	(pc) =	sbr.rel @p2 .LBB3_44-.Ltmp44, $4  }
0x2cf: {  	p3 =	seq.s32 @!p1 s4, s8  }
0x2d0: {  	p3 =	por !p3, p1  }
0x2d1: {  	s6 =	simm.s32 @p3 $0xFFFFFFFF  }
0x2d2: {  	s6 =	smov.u32 @p1 s7  }
.LBB3_45:
0x2d3: {  	p1 =	seq.s32 s6, $0xFFFFFFFF  }
.Ltmp45:
0x2d4: {  	_ = 	snop;
	(pc) =	sbr.rel @p1 .LBB3_47-.Ltmp45, $1  }
0x2d5: {  	_ =	sdelay $0x3  }
0x2d6: {  	s0 =	sshll.u32 s3, $0x7  }
0x2d7: {  	s0 =	sand.u32 $0x3FFFFF80, s0  }
0x2d8: {  	v0 =	vld [tilespmem:s0+$0xF238];
	_ =	sdelay $0x2  }
0x2d9: {  	s4 =	sshll.u32 s6, $0x9  }
0x2da: {  	s4 =	sshra.s32 s4, $0x2  }
0x2db: {  	[tilespmem:s4+$0xF238] =	vst.add.f32.msk $0xffff, v0  }
0x2dc: {  	v0 =	vld [tilespmem:s0+$0xF248];
	_ =	sdelay $0x4  }
0x2dd: {  	[tilespmem:s4+$0xF248] =	vst.add.f32.msk $0xffff, v0  }
0x2de: {  	v0 =	vld [tilespmem:s0+$0xF258];
	_ =	sdelay $0x4  }
0x2df: {  	[tilespmem:s4+$0xF258] =	vst.add.f32.msk $0xffff, v0  }
0x2e0: {  	v0 =	vld [tilespmem:s0+$0xF268];
	_ =	sdelay $0x4  }
0x2e1: {  	[tilespmem:s4+$0xF268] =	vst.add.f32.msk $0xffff, v0  }
0x2e2: {  	v0 =	vld [tilespmem:s0+$0xF278];
	_ =	sdelay $0x4  }
0x2e3: {  	[tilespmem:s4+$0xF278] =	vst.add.f32.msk $0xffff, v0  }
0x2e4: {  	v0 =	vld [tilespmem:s0+$0xF288];
	_ =	sdelay $0x4  }
0x2e5: {  	[tilespmem:s4+$0xF288] =	vst.add.f32.msk $0xffff, v0  }
0x2e6: {  	v0 =	vld [tilespmem:s0+$0xF298];
	_ =	sdelay $0x4  }
0x2e7: {  	[tilespmem:s4+$0xF298] =	vst.add.f32.msk $0xffff, v0  }
0x2e8: {  	v0 =	vld [tilespmem:s0+$0xF2A8]  }
.Ltmp46:
0x2e9: {  	_ = 	snop;
	(pc) =	sbr.rel .LBB3_48-.Ltmp46, $2  }
0x2ea: {  	_ =	sdelay $0x2  }
0x2eb: {  	[tilespmem:s4+$0xF2A8] =	vst.add.f32.msk $0xffff, v0  }
.LBB3_49:
0x2ec: {  	p1 =	slt.s32 s2, $0x1  }
.Ltmp47:
0x2ed: {  	_ = 	snop;
	(pc) =	sbr.rel @p1 .LBB3_53-.Ltmp47, $3  }
0x2ee: {  	_ =	sdelay $0x1  }
0x2ef: {  	s0 =	simm.s32 $0x8  }
0x2f0: {  	s3 =	simm.s32 $0x0;
	[sflag:s0] =	ssyncpa.u1 $0x1  }
0x2f1: {  	s0 =	simm.s32 $0xF218  }
0x2f2: {  	v0 =	vld.msk [tilespmem:s0+$0x0], $0x1;
	_ =	sdelay $0x4  }
0x2f3: {  	(v2sf) =	vpush v0, $0x0;
	_ =	sdelay $0xe  }
0x2f4: {  	s0 =	sadd.s32 $0xFFFFFFFF, s2;
	s5 =	spop (v2sf)  }
0x2f5: {  	p2 =	sne.s32 s0, $0x0;
	p1 =	sgt.u32 s5, $0x270F0  }
.Ltmp48:
0x2f6: {  	s6 =	sand.u32 @!p1 $0x3FFF8, s5;
	(pc) =	sbr.rel @!p2 .LBB3_52-.Ltmp48, $4  }
0x2f7: {  	s4 =	simm.s32 $0xF238;
	s5 =	sand.u32 @!p1 $0x7, s5;
	s2 =	sadd.s32 @!p1 s1, s6  }
0x2f8: {  	[hbm4b:s2+s5] =	stream.linear.scatter @!p1 [tilespmem:s4], [sflag:$0x7], $0x80, $0x38;
	[tilespmem:$0x1F6F8] =	vst v63  }
0x2f9: {  	s5 =	simm.s32 $0x0  }
0x2fa: {  	s2 =	simm.s32 $0xF219;
	s5 =	simm.s32 @!p1 $0x200  }
.LBB3_51:
0x2fb: {  	v0 =	vld.msk [tilespmem:s2+$0x0], $0x1;
	s0 =	sadd.s32 $0xFFFFFFFF, s0;
	s3 =	sadd.s32 s3, s5  }
0x2fc: {  	p1 =	sne.s32 s0, $0x0;
	_ =	sdelay $0x3  }
0x2fd: {  	(v2sf) =	vpush v0, $0x0;
	_ =	sdelay $0xe  }
.Ltmp49:
0x2fe: {  	s6 =	spop (v2sf);
	(pc) =	sbr.rel @p1 .LBB3_51-.Ltmp49, $4  }
0x2ff: {  	s5 =	simm.s32 $0x0;
	p2 =	sgt.u32 s6, $0x270F0  }
0x300: {  	s4 =	sadd.s32 $0x80, s4;
	s5 =	simm.s32 @!p2 $0x200;
	s7 =	sand.u32 @!p2 $0x3FFF8, s6  }
0x301: {  	s2 =	sadd.s32 $0x1, s2;
	s6 =	sand.u32 @!p2 $0x7, s6;
	s7 =	sadd.s32 @!p2 s1, s7  }
0x302: {  	[hbm4b:s7+s6] =	stream.linear.scatter @!p2 [tilespmem:s4], [sflag:$0x7], $0x80, $0x38;
	[tilespmem:$0x1F6F8] =	vst v63  }
.LBB3_52:
0x303: {  	s0 =	sadd.s32 s3, s5  }
0x304: {  	s3 =	sshrl.u32 s0, $0x2  }
.LBB3_53:
0x305: {  	s0 =	simm.s32 $0x7  }
0x306: {  	_ =	swait.ge [sflag:s0], s3  }
0x307: {  	s1 =	ssub.s32 $0x0, s3;
	[sflag:s0] =	ssyncset.done $0x0  }
0x308: {  	[sflag:s0] =	ssyncadd.s32 s1  }
0x309: {  	[sflag:s0] =	ssyncpa.u1 $0x1  }
.LBB3_54:
0x30a: {  	_ =	sfence;
	s0 =	simm.s32 $0x1  }
0x30b: {  	[sflag:s0] =	ssyncpa.u1 $0x1  }
0x30c: {  	_ =	strace $0x90000053  }
0x30d: {  	[bflag:$0x2] =	sbarrier.arrive $0xFFFF  }
0x30e: {  	s0 =	rddreg [dreg:$0x3]  }
0x30f: {  	s0 =	sadd.s32 @!p0 $0x100000, s0  }
0x310: {  	[sflag:s0] =	ssyncadd.tile.s32 @!p0 $0x1;
	_ =	shalt  }
.Lfunc_end3:
_tile_overlayer_lowered:
.L_overlay_start_3:
0x311: {  	(tag) =	ssettag $0x3  }
0x312: {  	s0 =	rddreg [dreg:$0x0];
	s2 =	stileid.u32  }
0x313: {  	s1 =	rddreg [dreg:$0x1];
	p0 =	sne.s32 s2, $0x0  }
0x314: {  	s3 =	rddreg [dreg:$0x2];
	[bflag:$0x3] =	sbarrier.arrive $0xFFFF;
	s2 =	simm.s32 @!p0 $0x1C01  }
0x315: {  	[timem:s3], [sflag:s2] =	dma.local @!p0 [hbm:s0], s1  }
0x316: {  	s0 =	simm.s32 @!p0 $0x1  }
0x317: {  	_ =	swait.ge @!p0 [sflag:s0], s1  }
0x318: {  	s1 =	ssub.s32 @!p0 $0x0, s1;
	[sflag:s0] =	ssyncset.done @!p0 $0x0  }
0x319: {  	[sflag:s0] =	ssyncadd.s32 @!p0 s1  }
0x31a: {  	[bflag:$0x3] =	sbarrier.arrive $0xFFFF  }
0x31b: {  	_ =	shalt  }

</sc_bundles>
